<compile_context>
chip_gen: v7x
topology: tpu7x:2x2x1
jax: 0.10.2.dev20260603
libtpu: 0.0.44.dev20260713+nightly
codegen_flags: <defaults>
</compile_context>

<pallas_src>
import functools

import jax
import jax.numpy as jnp
import numpy as _np
from jax import lax
from jax.experimental import pallas as pl
from jax.experimental.pallas import tpu as pltpu
from jax.experimental.pallas import tpu_sc as plsc

_B = 4096
_F = 26
_D = 10
_DP = 16
_IN = _F * _D
_INP = _F * _DP
_V = 1_000_000
_BF = _B * _F

_NC, _NS = 2, 16
_NW = _NC * _NS
_PER_W = _BF // _NW
_KI = _PER_W // 128

_BM = 2048



_Q = 128 // _DP
_VB = 8192
_FS = 16
_VR = _FS * _VB
_LASTB = (_V - 1) // _VB


def _fmt_body(*refs):
    dpad_ref = refs[-1]
    parts = []
    for q in range(_Q):
        X = refs[q][...]
        wsum = jnp.sum(refs[_Q + q][...], axis=0, keepdims=True)
        parts.append(X)
        parts.append(wsum)
        parts.append(jnp.zeros((_DP - _D - 1, _VB), jnp.float32))
    Xcat = jnp.concatenate(parts, axis=0)
    eye = (lax.broadcasted_iota(jnp.int32, (128, 128), 0) ==
           lax.broadcasted_iota(jnp.int32, (128, 128), 1)).astype(jnp.float32)
    dd = (((0,), (0,)), ((), ()))
    hi = lax.convert_element_type(
        lax.convert_element_type(Xcat, jnp.bfloat16), jnp.float32)
    lo = Xcat - hi
    dpad_ref[...] = (
        lax.dot_general(hi, eye, dd, preferred_element_type=jnp.float32)
        + lax.dot_general(lo, eye, dd, preferred_element_type=jnp.float32))


def _fmt_in_spec(q):
    return pl.BlockSpec(
        (_D, _VB), lambda i, q=q: (0, jnp.minimum(_Q * i + q, _LASTB)))


_fmt_call = pl.pallas_call(
    _fmt_body,
    grid=(_FS,),
    in_specs=[_fmt_in_spec(q) for q in range(_Q)] * 2,
    out_specs=pl.BlockSpec((_VB, 128), lambda i: (i, 0)),
    out_shape=jax.ShapeDtypeStruct((_VR, 128), jnp.float32),
)



def _sc_gather_body(idx_hbm, dpad_hbm, deep_out, idx_v, drows, sem_d, sem_w):
    wid = lax.axis_index("s") * _NC + lax.axis_index("c")
    base = wid * _PER_W
    pltpu.sync_copy(idx_hbm.at[pl.ds(wid * _KI, _KI)], idx_v)
    descs = []
    for j in range(_KI):
        descs.append(pltpu.async_copy(
            dpad_hbm.at[idx_v.at[j]], drows.at[pl.ds(j * 128, 128)], sem_d))
    wdescs = []
    for j in range(_KI):
        descs[j].wait()
        wdescs.append(pltpu.async_copy(
            drows.at[pl.ds(j * 128, 128)],
            deep_out.at[pl.ds(base + j * 128, 128)], sem_w))
    for d in wdescs:
        d.wait()


@functools.cache
def _sc_gather_call():
    return pl.kernel(
        _sc_gather_body,
        mesh=plsc.VectorSubcoreMesh(core_axis_name="c", subcore_axis_name="s"),
        compiler_params=pltpu.CompilerParams(use_tc_tiling_on_sc=False),
        out_type=jax.ShapeDtypeStruct((_BF, _DP), jnp.float32),
        scratch_types=[
            pltpu.VMEM((_KI, 128), jnp.int32),
            pltpu.VMEM((_PER_W, _DP), jnp.float32),
            pltpu.SemaphoreType.DMA,
            pltpu.SemaphoreType.DMA,
        ],
    )



def _tc_body(deep_ref, g_ref, bta_ref, W0_ref, b0_ref, W1_ref, b1_ref,
             W2_ref, b2_ref, Wm0_ref, bm0_ref, Wm1_ref, bm1_ref,
             Ws0_ref, bs0_ref, Ws1_ref, bs1_ref, out_ref):
    h0 = deep_ref[...]
    lane = lax.broadcasted_iota(jnp.int32, (1, _INP), 1) % _DP
    hd = jnp.where(lane < _D, h0, 0.0)
    wsum = jnp.sum(jnp.where(lane == _D, h0, 0.0), axis=1, keepdims=True)
    s1 = jnp.sum(hd, axis=1, keepdims=True)
    s2 = jnp.sum(jnp.square(hd), axis=1, keepdims=True)
    mu = s1 * (1.0 / _IN)
    var = s2 * (1.0 / _IN) - jnp.square(mu)
    h = (hd - mu) * lax.rsqrt(var + 1e-5) * g_ref[...] + bta_ref[...]
    h = jnp.maximum(
        jnp.dot(h, W0_ref[...], preferred_element_type=jnp.float32) + b0_ref[...], 0.0)
    h = jnp.maximum(
        jnp.dot(h, W1_ref[...], preferred_element_type=jnp.float32) + b1_ref[...], 0.0)
    h = jnp.maximum(
        jnp.dot(h, W2_ref[...], preferred_element_type=jnp.float32) + b2_ref[...], 0.0)
    h = h + wsum
    tm = jnp.maximum(
        jnp.dot(h, Wm0_ref[...], preferred_element_type=jnp.float32) + bm0_ref[...], 0.0)
    mu_o = jnp.dot(tm, Wm1_ref[...], preferred_element_type=jnp.float32) + bm1_ref[...]
    ts = jnp.maximum(
        jnp.dot(h, Ws0_ref[...], preferred_element_type=jnp.float32) + bs0_ref[...], 0.0)
    ls_o = jnp.dot(ts, Ws1_ref[...], preferred_element_type=jnp.float32) + bs1_ref[...]
    out_ref[...] = jnp.concatenate([mu_o, ls_o], axis=1).T


def _full1(n):
    return pl.BlockSpec((n,), lambda i: (0,))


def _full2(m, n):
    return pl.BlockSpec((m, n), lambda i: (0, 0))


_tc_call = pl.pallas_call(
    _tc_body,
    grid=(_B // _BM,),
    in_specs=[
        pl.BlockSpec((_BM, _INP), lambda i: (i, 0)),
        _full1(_INP), _full1(_INP),
        _full2(_INP, 512), _full1(512),
        _full2(512, 256), _full1(256),
        _full2(256, 64), _full1(64),
        _full2(64, 16), _full1(16),
        _full2(16, 1), _full1(1),
        _full2(64, 16), _full1(16),
        _full2(16, 1), _full1(1),
    ],
    out_specs=pl.BlockSpec((2, _BM), lambda i: (0, i)),
    out_shape=jax.ShapeDtypeStruct((2, _B), jnp.float32),
)

_VALID_ROWS = _np.asarray(16 * (_np.arange(_IN) // _D) + (_np.arange(_IN) % _D))


def kernel(x, deep_table, wide_table, ln_gamma, ln_beta, W0, b0, W1, b1, W2, b2,
           Wm0, bm0, Wm1, bm1, Ws0, bs0, Ws1, bs1):
    dt, wt = deep_table.T, wide_table.T
    dpad = _fmt_call(*([dt] * _Q + [wt] * _Q))
    xi = x.astype(jnp.int32)
    row16 = 8 * ((xi // (_Q * _VB)) * _VB + (xi % _VB)) + (xi % (_Q * _VB)) // _VB
    idx = row16.reshape(_BF // 128, 128)
    deep_rows = _sc_gather_call()(idx, dpad.reshape(_Q * _VR, _DP))
    deep = deep_rows.reshape(_B, _INP)

    W0p = jnp.pad(W0.reshape(_F, _D, 512),
                  ((0, 0), (0, _DP - _D), (0, 0))).reshape(_INP, 512)
    gp = jnp.pad(ln_gamma.reshape(_F, _D), ((0, 0), (0, _DP - _D))).reshape(_INP)
    bp = jnp.pad(ln_beta.reshape(_F, _D), ((0, 0), (0, _DP - _D))).reshape(_INP)

    out_t = _tc_call(deep, gp, bp, W0p, b0, W1, b1, W2, b2,
                     Wm0, bm0, Wm1, bm1, Ws0, bs0, Ws1, bs1)
    return out_t.T

# --- scband reference (transcript-rebuilt; emitter-appended) ---
"""Pipeline reference for scband-deep-censored-model-86955907875118 (READ-ONLY COPY).

The authoritative reference and input builder live on the scoring server;
editing this copy changes nothing except your own understanding.
"""

import jax, jax.numpy as jnp
import numpy as np

B, F, V, D = 4096, 26, 1000000, 10
IN_DIM = F * D

def setup_inputs(seed: int = 0):
    key = jax.random.key(seed)
    ks = jax.random.split(key, 20)
    x = jax.random.randint(ks[0], (B, F), 0, V, dtype=jnp.int64 if jax.config.jax_enable_x64 else jnp.int32)
    deep_table = jax.random.normal(ks[1], (V, D), dtype=jnp.float32) * 0.1
    wide_table = jax.random.normal(ks[2], (V, D), dtype=jnp.float32) * 0.1
    ln_gamma = jnp.ones((IN_DIM,), dtype=jnp.float32)
    ln_beta = jnp.zeros((IN_DIM,), dtype=jnp.float32)
    W0 = jax.random.normal(ks[3], (IN_DIM, 512), dtype=jnp.float32) * 0.05
    b0 = jnp.zeros((512,), dtype=jnp.float32)
    W1 = jax.random.normal(ks[4], (512, 256), dtype=jnp.float32) * 0.05
    b1 = jnp.zeros((256,), dtype=jnp.float32)
    W2 = jax.random.normal(ks[5], (256, 64), dtype=jnp.float32) * 0.05
    b2 = jnp.zeros((64,), dtype=jnp.float32)
    Wm0 = jax.random.normal(ks[6], (64, 16), dtype=jnp.float32) * 0.05
    bm0 = jnp.zeros((16,), dtype=jnp.float32)
    Wm1 = jax.random.normal(ks[7], (16, 1), dtype=jnp.float32) * 0.05
    bm1 = jnp.zeros((1,), dtype=jnp.float32)
    Ws0 = jax.random.normal(ks[8], (64, 16), dtype=jnp.float32) * 0.05
    bs0 = jnp.zeros((16,), dtype=jnp.float32)
    Ws1 = jax.random.normal(ks[9], (16, 1), dtype=jnp.float32) * 0.05
    bs1 = jnp.zeros((1,), dtype=jnp.float32)
    return {"x": x, "deep_table": deep_table, "wide_table": wide_table,
            "ln_gamma": ln_gamma, "ln_beta": ln_beta,
            "W0": W0, "b0": b0, "W1": W1, "b1": b1, "W2": W2, "b2": b2,
            "Wm0": Wm0, "bm0": bm0, "Wm1": Wm1, "bm1": bm1,
            "Ws0": Ws0, "bs0": bs0, "Ws1": Ws1, "bs1": bs1}

def _layernorm(h, gamma, beta, eps=1e-5):
    mu = jnp.mean(h, axis=-1, keepdims=True)
    var = jnp.var(h, axis=-1, keepdims=True)
    return (h - mu) / jnp.sqrt(var + eps) * gamma + beta

def reference(x, deep_table, wide_table, ln_gamma, ln_beta,
              W0, b0, W1, b1, W2, b2, Wm0, bm0, Wm1, bm1, Ws0, bs0, Ws1, bs1):
    # EmbeddingSumConcat (deep): lookup per field, concat across fields
    deep = jnp.take(deep_table, x, axis=0).reshape(x.shape[0], -1)  # [B, F*D]
    # shared_dnn with input_norm=True, hidden [512,256], out 64, ReLU + final ReLU
    h = _layernorm(deep, ln_gamma, ln_beta)
    h = jax.nn.relu(h @ W0 + b0)
    h = jax.nn.relu(h @ W1 + b1)
    h = jax.nn.relu(h @ W2 + b2)
    # wide: lookup, concat, sum over feature dim, broadcast add
    wide = jnp.take(wide_table, x, axis=0).reshape(x.shape[0], -1)  # [B, F*D]
    wide_out = jnp.sum(wide, axis=1, keepdims=True)  # [B, 1]
    h = h + wide_out  # expand_as broadcast
    # heads
    mu = (jax.nn.relu(h @ Wm0 + bm0) @ Wm1 + bm1).squeeze(-1)
    log_sigma = (jax.nn.relu(h @ Ws0 + bs0) @ Ws1 + bs1).squeeze(-1)
    return jnp.stack([mu, log_sigma], axis=1)

if __name__ == "__main__":
    import jax
    _d = setup_inputs()
    print(jax.jit(kernel)(*tuple(_d.values())))

</pallas_src>

<mosaic_0001>
#map = affine_map<(d0, d1) -> (0, 0)>
module attributes {stable_mosaic.version = 14 : i64} {
  func.func @_sc_gather_body(%arg0: i32, %arg1: i32, %arg2: memref<832x128xi32, #tpu.memory_space<hbm>>, %arg3: memref<1048576x16xf32, #tpu.memory_space<hbm>>, %arg4: memref<106496x16xf32, #tpu.memory_space<hbm>>, %arg5: memref<26x128xi32, #tpu.memory_space<vmem>>, %arg6: memref<3328x16xf32, #tpu.memory_space<vmem>>, %arg7: memref<!tpu.dma_semaphore, #tpu.memory_space<semaphore_mem>>, %arg8: memref<!tpu.dma_semaphore, #tpu.memory_space<semaphore_mem>>) attributes {dimension_semantics = [#tpu.dimension_semantics<core_parallel>, #tpu.dimension_semantics<subcore_parallel>], iteration_bounds = array<i64: 2, 16>, scalar_prefetch = 0 : i64, scratch_operands = 4 : i64, tpu.core_type = #tpu.core_type<sc_vector_subcore>, window_params = [{transform_indices = #map}, {transform_indices = #map}, {transform_indices = #map}]} {
    %mul3A = arith.constant 2 : i32
    %mul3A_0 = arith.muli %arg1, %mul3A : i32
    %add3A = arith.addi %mul3A_0, %arg0 : i32
    %mul3A_1 = arith.constant 3328 : i32
    %mul3A_2 = arith.muli %add3A, %mul3A_1 : i32
    %mul3A_3 = arith.constant 26 : i32
    %mul3A_4 = arith.muli %add3A, %mul3A_3 : i32
    "tpu.region"() ({
      %run_scoped3A = tpu.sem_alloc : memref<!tpu.dma_semaphore, #tpu.memory_space<semaphore_mem>>
      %dma_start3A_1095 = arith.constant 0 : i32
      %dma_start3A_1096 = tpu.memref_slice %arg2[%mul3A_4, %dma_start3A_1095] : memref<832x128xi32, #tpu.memory_space<hbm>> -> memref<26x128xi32, #tpu.memory_space<hbm>>
      %dma_start3A_1097 = arith.constant 0 : i32
      %dma_start3A_1098 = tpu.memref_slice %arg2[%mul3A_4, %dma_start3A_1097] : memref<832x128xi32, #tpu.memory_space<hbm>> -> memref<26x128xi32, #tpu.memory_space<hbm>>
      tpu.enqueue_dma source(%dma_start3A_1098 : memref<26x128xi32, #tpu.memory_space<hbm>>) target(%arg5 : memref<26x128xi32, #tpu.memory_space<vmem>>) target_semaphore(%run_scoped3A : memref<!tpu.dma_semaphore, #tpu.memory_space<semaphore_mem>>)
      %dma_wait3A_1099 = arith.constant 0 : i32
      %dma_wait3A_1100 = tpu.memref_slice %arg2[%mul3A_4, %dma_wait3A_1099] : memref<832x128xi32, #tpu.memory_space<hbm>> -> memref<26x128xi32, #tpu.memory_space<hbm>>
      %dma_wait3A_1101 = arith.constant 0 : i32
      %dma_wait3A_1102 = tpu.memref_slice %arg2[%mul3A_4, %dma_wait3A_1101] : memref<832x128xi32, #tpu.memory_space<hbm>> -> memref<26x128xi32, #tpu.memory_space<hbm>>
      tpu.wait_dma2 semaphore(%run_scoped3A : memref<!tpu.dma_semaphore, #tpu.memory_space<semaphore_mem>>) src(%dma_wait3A_1102 : memref<26x128xi32, #tpu.memory_space<hbm>>) dst(%arg5 : memref<26x128xi32, #tpu.memory_space<vmem>>)
      tpu.yield
    }) : () -> ()
    %dma_start3A = arith.constant 0 : i32
    %dma_start3A_5 = arith.constant 0 : i32
    %dma_start3A_6 = arith.constant 0 : i32
    %dma_start3A_7 = tpu.memref_slice %arg6[%dma_start3A_5, %dma_start3A_6] : memref<3328x16xf32, #tpu.memory_space<vmem>> -> memref<128x16xf32, #tpu.memory_space<vmem>>
    %dma_start3A_8 = arith.constant 0 : i32
    %dma_start3A_9 = tpu.memref_slice %arg5[%dma_start3A, %dma_start3A_8] : memref<26x128xi32, #tpu.memory_space<vmem>> -> memref<1x128xi32, #tpu.memory_space<vmem>>
    %dma_start3A_10 = tpu.memref_squeeze %dma_start3A_9 : memref<1x128xi32, #tpu.memory_space<vmem>> -> memref<128xi32, #tpu.memory_space<vmem>>
    %dma_start3A_11 = arith.constant 0 : i32
    %dma_start3A_12 = arith.constant 0 : i32
    %dma_start3A_13 = tpu.memref_slice %arg3[%dma_start3A_11, %dma_start3A_12] : memref<1048576x16xf32, #tpu.memory_space<hbm>> -> memref<1048576x16xf32, #tpu.memory_space<hbm>>
    tpu.enqueue_indirect_dma source(%dma_start3A_13 : memref<1048576x16xf32, #tpu.memory_space<hbm>>) target(%dma_start3A_7 : memref<128x16xf32, #tpu.memory_space<vmem>>) offsets(%dma_start3A_10 : memref<128xi32, #tpu.memory_space<vmem>>) semaphore(%arg7 : memref<!tpu.dma_semaphore, #tpu.memory_space<semaphore_mem>>)
    %dma_start3A_14 = arith.constant 1 : i32
    %dma_start3A_15 = arith.constant 128 : i32
    %dma_start3A_16 = arith.constant 0 : i32
    %dma_start3A_17 = tpu.memref_slice %arg6[%dma_start3A_15, %dma_start3A_16] : memref<3328x16xf32, #tpu.memory_space<vmem>> -> memref<128x16xf32, #tpu.memory_space<vmem>>
    %dma_start3A_18 = arith.constant 0 : i32
    %dma_start3A_19 = tpu.memref_slice %arg5[%dma_start3A_14, %dma_start3A_18] : memref<26x128xi32, #tpu.memory_space<vmem>> -> memref<1x128xi32, #tpu.memory_space<vmem>>
    %dma_start3A_20 = tpu.memref_squeeze %dma_start3A_19 : memref<1x128xi32, #tpu.memory_space<vmem>> -> memref<128xi32, #tpu.memory_space<vmem>>
    %dma_start3A_21 = arith.constant 0 : i32
    %dma_start3A_22 = arith.constant 0 : i32
    %dma_start3A_23 = tpu.memref_slice %arg3[%dma_start3A_21, %dma_start3A_22] : memref<1048576x16xf32, #tpu.memory_space<hbm>> -> memref<1048576x16xf32, #tpu.memory_space<hbm>>
    tpu.enqueue_indirect_dma source(%dma_start3A_23 : memref<1048576x16xf32, #tpu.memory_space<hbm>>) target(%dma_start3A_17 : memref<128x16xf32, #tpu.memory_space<vmem>>) offsets(%dma_start3A_20 : memref<128xi32, #tpu.memory_space<vmem>>) semaphore(%arg7 : memref<!tpu.dma_semaphore, #tpu.memory_space<semaphore_mem>>)
    %dma_start3A_24 = arith.constant 2 : i32
    %dma_start3A_25 = arith.constant 256 : i32
    %dma_start3A_26 = arith.constant 0 : i32
    %dma_start3A_27 = tpu.memref_slice %arg6[%dma_start3A_25, %dma_start3A_26] : memref<3328x16xf32, #tpu.memory_space<vmem>> -> memref<128x16xf32, #tpu.memory_space<vmem>>
    %dma_start3A_28 = arith.constant 0 : i32
    %dma_start3A_29 = tpu.memref_slice %arg5[%dma_start3A_24, %dma_start3A_28] : memref<26x128xi32, #tpu.memory_space<vmem>> -> memref<1x128xi32, #tpu.memory_space<vmem>>
    %dma_start3A_30 = tpu.memref_squeeze %dma_start3A_29 : memref<1x128xi32, #tpu.memory_space<vmem>> -> memref<128xi32, #tpu.memory_space<vmem>>
    %dma_start3A_31 = arith.constant 0 : i32
    %dma_start3A_32 = arith.constant 0 : i32
    %dma_start3A_33 = tpu.memref_slice %arg3[%dma_start3A_31, %dma_start3A_32] : memref<1048576x16xf32, #tpu.memory_space<hbm>> -> memref<1048576x16xf32, #tpu.memory_space<hbm>>
    tpu.enqueue_indirect_dma source(%dma_start3A_33 : memref<1048576x16xf32, #tpu.memory_space<hbm>>) target(%dma_start3A_27 : memref<128x16xf32, #tpu.memory_space<vmem>>) offsets(%dma_start3A_30 : memref<128xi32, #tpu.memory_space<vmem>>) semaphore(%arg7 : memref<!tpu.dma_semaphore, #tpu.memory_space<semaphore_mem>>)
    %dma_start3A_34 = arith.constant 3 : i32
    %dma_start3A_35 = arith.constant 384 : i32
    %dma_start3A_36 = arith.constant 0 : i32
    %dma_start3A_37 = tpu.memref_slice %arg6[%dma_start3A_35, %dma_start3A_36] : memref<3328x16xf32, #tpu.memory_space<vmem>> -> memref<128x16xf32, #tpu.memory_space<vmem>>
    %dma_start3A_38 = arith.constant 0 : i32
    %dma_start3A_39 = tpu.memref_slice %arg5[%dma_start3A_34, %dma_start3A_38] : memref<26x128xi32, #tpu.memory_space<vmem>> -> memref<1x128xi32, #tpu.memory_space<vmem>>
    %dma_start3A_40 = tpu.memref_squeeze %dma_start3A_39 : memref<1x128xi32, #tpu.memory_space<vmem>> -> memref<128xi32, #tpu.memory_space<vmem>>
    %dma_start3A_41 = arith.constant 0 : i32
    %dma_start3A_42 = arith.constant 0 : i32
    %dma_start3A_43 = tpu.memref_slice %arg3[%dma_start3A_41, %dma_start3A_42] : memref<1048576x16xf32, #tpu.memory_space<hbm>> -> memref<1048576x16xf32, #tpu.memory_space<hbm>>
    tpu.enqueue_indirect_dma source(%dma_start3A_43 : memref<1048576x16xf32, #tpu.memory_space<hbm>>) target(%dma_start3A_37 : memref<128x16xf32, #tpu.memory_space<vmem>>) offsets(%dma_start3A_40 : memref<128xi32, #tpu.memory_space<vmem>>) semaphore(%arg7 : memref<!tpu.dma_semaphore, #tpu.memory_space<semaphore_mem>>)
    %dma_start3A_44 = arith.constant 4 : i32
    %dma_start3A_45 = arith.constant 512 : i32
    %dma_start3A_46 = arith.constant 0 : i32
    %dma_start3A_47 = tpu.memref_slice %arg6[%dma_start3A_45, %dma_start3A_46] : memref<3328x16xf32, #tpu.memory_space<vmem>> -> memref<128x16xf32, #tpu.memory_space<vmem>>
    %dma_start3A_48 = arith.constant 0 : i32
    %dma_start3A_49 = tpu.memref_slice %arg5[%dma_start3A_44, %dma_start3A_48] : memref<26x128xi32, #tpu.memory_space<vmem>> -> memref<1x128xi32, #tpu.memory_space<vmem>>
    %dma_start3A_50 = tpu.memref_squeeze %dma_start3A_49 : memref<1x128xi32, #tpu.memory_space<vmem>> -> memref<128xi32, #tpu.memory_space<vmem>>
    %dma_start3A_51 = arith.constant 0 : i32
    %dma_start3A_52 = arith.constant 0 : i32
    %dma_start3A_53 = tpu.memref_slice %arg3[%dma_start3A_51, %dma_start3A_52] : memref<1048576x16xf32, #tpu.memory_space<hbm>> -> memref<1048576x16xf32, #tpu.memory_space<hbm>>
    tpu.enqueue_indirect_dma source(%dma_start3A_53 : memref<1048576x16xf32, #tpu.memory_space<hbm>>) target(%dma_start3A_47 : memref<128x16xf32, #tpu.memory_space<vmem>>) offsets(%dma_start3A_50 : memref<128xi32, #tpu.memory_space<vmem>>) semaphore(%arg7 : memref<!tpu.dma_semaphore, #tpu.memory_space<semaphore_mem>>)
    %dma_start3A_54 = arith.constant 5 : i32
    %dma_start3A_55 = arith.constant 640 : i32
    %dma_start3A_56 = arith.constant 0 : i32
    %dma_start3A_57 = tpu.memref_slice %arg6[%dma_start3A_55, %dma_start3A_56] : memref<3328x16xf32, #tpu.memory_space<vmem>> -> memref<128x16xf32, #tpu.memory_space<vmem>>
    %dma_start3A_58 = arith.constant 0 : i32
    %dma_start3A_59 = tpu.memref_slice %arg5[%dma_start3A_54, %dma_start3A_58] : memref<26x128xi32, #tpu.memory_space<vmem>> -> memref<1x128xi32, #tpu.memory_space<vmem>>
    %dma_start3A_60 = tpu.memref_squeeze %dma_start3A_59 : memref<1x128xi32, #tpu.memory_space<vmem>> -> memref<128xi32, #tpu.memory_space<vmem>>
    %dma_start3A_61 = arith.constant 0 : i32
    %dma_start3A_62 = arith.constant 0 : i32
    %dma_start3A_63 = tpu.memref_slice %arg3[%dma_start3A_61, %dma_start3A_62] : memref<1048576x16xf32, #tpu.memory_space<hbm>> -> memref<1048576x16xf32, #tpu.memory_space<hbm>>
    tpu.enqueue_indirect_dma source(%dma_start3A_63 : memref<1048576x16xf32, #tpu.memory_space<hbm>>) target(%dma_start3A_57 : memref<128x16xf32, #tpu.memory_space<vmem>>) offsets(%dma_start3A_60 : memref<128xi32, #tpu.memory_space<vmem>>) semaphore(%arg7 : memref<!tpu.dma_semaphore, #tpu.memory_space<semaphore_mem>>)
    %dma_start3A_64 = arith.constant 6 : i32
    %dma_start3A_65 = arith.constant 768 : i32
    %dma_start3A_66 = arith.constant 0 : i32
    %dma_start3A_67 = tpu.memref_slice %arg6[%dma_start3A_65, %dma_start3A_66] : memref<3328x16xf32, #tpu.memory_space<vmem>> -> memref<128x16xf32, #tpu.memory_space<vmem>>
    %dma_start3A_68 = arith.constant 0 : i32
    %dma_start3A_69 = tpu.memref_slice %arg5[%dma_start3A_64, %dma_start3A_68] : memref<26x128xi32, #tpu.memory_space<vmem>> -> memref<1x128xi32, #tpu.memory_space<vmem>>
    %dma_start3A_70 = tpu.memref_squeeze %dma_start3A_69 : memref<1x128xi32, #tpu.memory_space<vmem>> -> memref<128xi32, #tpu.memory_space<vmem>>
    %dma_start3A_71 = arith.constant 0 : i32
    %dma_start3A_72 = arith.constant 0 : i32
    %dma_start3A_73 = tpu.memref_slice %arg3[%dma_start3A_71, %dma_start3A_72] : memref<1048576x16xf32, #tpu.memory_space<hbm>> -> memref<1048576x16xf32, #tpu.memory_space<hbm>>
    tpu.enqueue_indirect_dma source(%dma_start3A_73 : memref<1048576x16xf32, #tpu.memory_space<hbm>>) target(%dma_start3A_67 : memref<128x16xf32, #tpu.memory_space<vmem>>) offsets(%dma_start3A_70 : memref<128xi32, #tpu.memory_space<vmem>>) semaphore(%arg7 : memref<!tpu.dma_semaphore, #tpu.memory_space<semaphore_mem>>)
    %dma_start3A_74 = arith.constant 7 : i32
    %dma_start3A_75 = arith.constant 896 : i32
    %dma_start3A_76 = arith.constant 0 : i32
    %dma_start3A_77 = tpu.memref_slice %arg6[%dma_start3A_75, %dma_start3A_76] : memref<3328x16xf32, #tpu.memory_space<vmem>> -> memref<128x16xf32, #tpu.memory_space<vmem>>
    %dma_start3A_78 = arith.constant 0 : i32
    %dma_start3A_79 = tpu.memref_slice %arg5[%dma_start3A_74, %dma_start3A_78] : memref<26x128xi32, #tpu.memory_space<vmem>> -> memref<1x128xi32, #tpu.memory_space<vmem>>
    %dma_start3A_80 = tpu.memref_squeeze %dma_start3A_79 : memref<1x128xi32, #tpu.memory_space<vmem>> -> memref<128xi32, #tpu.memory_space<vmem>>
    %dma_start3A_81 = arith.constant 0 : i32
    %dma_start3A_82 = arith.constant 0 : i32
    %dma_start3A_83 = tpu.memref_slice %arg3[%dma_start3A_81, %dma_start3A_82] : memref<1048576x16xf32, #tpu.memory_space<hbm>> -> memref<1048576x16xf32, #tpu.memory_space<hbm>>
    tpu.enqueue_indirect_dma source(%dma_start3A_83 : memref<1048576x16xf32, #tpu.memory_space<hbm>>) target(%dma_start3A_77 : memref<128x16xf32, #tpu.memory_space<vmem>>) offsets(%dma_start3A_80 : memref<128xi32, #tpu.memory_space<vmem>>) semaphore(%arg7 : memref<!tpu.dma_semaphore, #tpu.memory_space<semaphore_mem>>)
    %dma_start3A_84 = arith.constant 8 : i32
    %dma_start3A_85 = arith.constant 1024 : i32
    %dma_start3A_86 = arith.constant 0 : i32
    %dma_start3A_87 = tpu.memref_slice %arg6[%dma_start3A_85, %dma_start3A_86] : memref<3328x16xf32, #tpu.memory_space<vmem>> -> memref<128x16xf32, #tpu.memory_space<vmem>>
    %dma_start3A_88 = arith.constant 0 : i32
    %dma_start3A_89 = tpu.memref_slice %arg5[%dma_start3A_84, %dma_start3A_88] : memref<26x128xi32, #tpu.memory_space<vmem>> -> memref<1x128xi32, #tpu.memory_space<vmem>>
    %dma_start3A_90 = tpu.memref_squeeze %dma_start3A_89 : memref<1x128xi32, #tpu.memory_space<vmem>> -> memref<128xi32, #tpu.memory_space<vmem>>
    %dma_start3A_91 = arith.constant 0 : i32
    %dma_start3A_92 = arith.constant 0 : i32
    %dma_start3A_93 = tpu.memref_slice %arg3[%dma_start3A_91, %dma_start3A_92] : memref<1048576x16xf32, #tpu.memory_space<hbm>> -> memref<1048576x16xf32, #tpu.memory_space<hbm>>
    tpu.enqueue_indirect_dma source(%dma_start3A_93 : memref<1048576x16xf32, #tpu.memory_space<hbm>>) target(%dma_start3A_87 : memref<128x16xf32, #tpu.memory_space<vmem>>) offsets(%dma_start3A_90 : memref<128xi32, #tpu.memory_space<vmem>>) semaphore(%arg7 : memref<!tpu.dma_semaphore, #tpu.memory_space<semaphore_mem>>)
    %dma_start3A_94 = arith.constant 9 : i32
    %dma_start3A_95 = arith.constant 1152 : i32
    %dma_start3A_96 = arith.constant 0 : i32
    %dma_start3A_97 = tpu.memref_slice %arg6[%dma_start3A_95, %dma_start3A_96] : memref<3328x16xf32, #tpu.memory_space<vmem>> -> memref<128x16xf32, #tpu.memory_space<vmem>>
    %dma_start3A_98 = arith.constant 0 : i32
    %dma_start3A_99 = tpu.memref_slice %arg5[%dma_start3A_94, %dma_start3A_98] : memref<26x128xi32, #tpu.memory_space<vmem>> -> memref<1x128xi32, #tpu.memory_space<vmem>>
    %dma_start3A_100 = tpu.memref_squeeze %dma_start3A_99 : memref<1x128xi32, #tpu.memory_space<vmem>> -> memref<128xi32, #tpu.memory_space<vmem>>
    %dma_start3A_101 = arith.constant 0 : i32
    %dma_start3A_102 = arith.constant 0 : i32
    %dma_start3A_103 = tpu.memref_slice %arg3[%dma_start3A_101, %dma_start3A_102] : memref<1048576x16xf32, #tpu.memory_space<hbm>> -> memref<1048576x16xf32, #tpu.memory_space<hbm>>
    tpu.enqueue_indirect_dma source(%dma_start3A_103 : memref<1048576x16xf32, #tpu.memory_space<hbm>>) target(%dma_start3A_97 : memref<128x16xf32, #tpu.memory_space<vmem>>) offsets(%dma_start3A_100 : memref<128xi32, #tpu.memory_space<vmem>>) semaphore(%arg7 : memref<!tpu.dma_semaphore, #tpu.memory_space<semaphore_mem>>)
    %dma_start3A_104 = arith.constant 10 : i32
    %dma_start3A_105 = arith.constant 1280 : i32
    %dma_start3A_106 = arith.constant 0 : i32
    %dma_start3A_107 = tpu.memref_slice %arg6[%dma_start3A_105, %dma_start3A_106] : memref<3328x16xf32, #tpu.memory_space<vmem>> -> memref<128x16xf32, #tpu.memory_space<vmem>>
    %dma_start3A_108 = arith.constant 0 : i32
    %dma_start3A_109 = tpu.memref_slice %arg5[%dma_start3A_104, %dma_start3A_108] : memref<26x128xi32, #tpu.memory_space<vmem>> -> memref<1x128xi32, #tpu.memory_space<vmem>>
    %dma_start3A_110 = tpu.memref_squeeze %dma_start3A_109 : memref<1x128xi32, #tpu.memory_space<vmem>> -> memref<128xi32, #tpu.memory_space<vmem>>
    %dma_start3A_111 = arith.constant 0 : i32
    %dma_start3A_112 = arith.constant 0 : i32
    %dma_start3A_113 = tpu.memref_slice %arg3[%dma_start3A_111, %dma_start3A_112] : memref<1048576x16xf32, #tpu.memory_space<hbm>> -> memref<1048576x16xf32, #tpu.memory_space<hbm>>
    tpu.enqueue_indirect_dma source(%dma_start3A_113 : memref<1048576x16xf32, #tpu.memory_space<hbm>>) target(%dma_start3A_107 : memref<128x16xf32, #tpu.memory_space<vmem>>) offsets(%dma_start3A_110 : memref<128xi32, #tpu.memory_space<vmem>>) semaphore(%arg7 : memref<!tpu.dma_semaphore, #tpu.memory_space<semaphore_mem>>)
    %dma_start3A_114 = arith.constant 11 : i32
    %dma_start3A_115 = arith.constant 1408 : i32
    %dma_start3A_116 = arith.constant 0 : i32
    %dma_start3A_117 = tpu.memref_slice %arg6[%dma_start3A_115, %dma_start3A_116] : memref<3328x16xf32, #tpu.memory_space<vmem>> -> memref<128x16xf32, #tpu.memory_space<vmem>>
    %dma_start3A_118 = arith.constant 0 : i32
    %dma_start3A_119 = tpu.memref_slice %arg5[%dma_start3A_114, %dma_start3A_118] : memref<26x128xi32, #tpu.memory_space<vmem>> -> memref<1x128xi32, #tpu.memory_space<vmem>>
    %dma_start3A_120 = tpu.memref_squeeze %dma_start3A_119 : memref<1x128xi32, #tpu.memory_space<vmem>> -> memref<128xi32, #tpu.memory_space<vmem>>
    %dma_start3A_121 = arith.constant 0 : i32
    %dma_start3A_122 = arith.constant 0 : i32
    %dma_start3A_123 = tpu.memref_slice %arg3[%dma_start3A_121, %dma_start3A_122] : memref<1048576x16xf32, #tpu.memory_space<hbm>> -> memref<1048576x16xf32, #tpu.memory_space<hbm>>
    tpu.enqueue_indirect_dma source(%dma_start3A_123 : memref<1048576x16xf32, #tpu.memory_space<hbm>>) target(%dma_start3A_117 : memref<128x16xf32, #tpu.memory_space<vmem>>) offsets(%dma_start3A_120 : memref<128xi32, #tpu.memory_space<vmem>>) semaphore(%arg7 : memref<!tpu.dma_semaphore, #tpu.memory_space<semaphore_mem>>)
    %dma_start3A_124 = arith.constant 12 : i32
    %dma_start3A_125 = arith.constant 1536 : i32
    %dma_start3A_126 = arith.constant 0 : i32
    %dma_start3A_127 = tpu.memref_slice %arg6[%dma_start3A_125, %dma_start3A_126] : memref<3328x16xf32, #tpu.memory_space<vmem>> -> memref<128x16xf32, #tpu.memory_space<vmem>>
    %dma_start3A_128 = arith.constant 0 : i32
    %dma_start3A_129 = tpu.memref_slice %arg5[%dma_start3A_124, %dma_start3A_128] : memref<26x128xi32, #tpu.memory_space<vmem>> -> memref<1x128xi32, #tpu.memory_space<vmem>>
    %dma_start3A_130 = tpu.memref_squeeze %dma_start3A_129 : memref<1x128xi32, #tpu.memory_space<vmem>> -> memref<128xi32, #tpu.memory_space<vmem>>
    %dma_start3A_131 = arith.constant 0 : i32
    %dma_start3A_132 = arith.constant 0 : i32
    %dma_start3A_133 = tpu.memref_slice %arg3[%dma_start3A_131, %dma_start3A_132] : memref<1048576x16xf32, #tpu.memory_space<hbm>> -> memref<1048576x16xf32, #tpu.memory_space<hbm>>
    tpu.enqueue_indirect_dma source(%dma_start3A_133 : memref<1048576x16xf32, #tpu.memory_space<hbm>>) target(%dma_start3A_127 : memref<128x16xf32, #tpu.memory_space<vmem>>) offsets(%dma_start3A_130 : memref<128xi32, #tpu.memory_space<vmem>>) semaphore(%arg7 : memref<!tpu.dma_semaphore, #tpu.memory_space<semaphore_mem>>)
    %dma_start3A_134 = arith.constant 13 : i32
    %dma_start3A_135 = arith.constant 1664 : i32
    %dma_start3A_136 = arith.constant 0 : i32
    %dma_start3A_137 = tpu.memref_slice %arg6[%dma_start3A_135, %dma_start3A_136] : memref<3328x16xf32, #tpu.memory_space<vmem>> -> memref<128x16xf32, #tpu.memory_space<vmem>>
    %dma_start3A_138 = arith.constant 0 : i32
    %dma_start3A_139 = tpu.memref_slice %arg5[%dma_start3A_134, %dma_start3A_138] : memref<26x128xi32, #tpu.memory_space<vmem>> -> memref<1x128xi32, #tpu.memory_space<vmem>>
    %dma_start3A_140 = tpu.memref_squeeze %dma_start3A_139 : memref<1x128xi32, #tpu.memory_space<vmem>> -> memref<128xi32, #tpu.memory_space<vmem>>
    %dma_start3A_141 = arith.constant 0 : i32
    %dma_start3A_142 = arith.constant 0 : i32
    %dma_start3A_143 = tpu.memref_slice %arg3[%dma_start3A_141, %dma_start3A_142] : memref<1048576x16xf32, #tpu.memory_space<hbm>> -> memref<1048576x16xf32, #tpu.memory_space<hbm>>
    tpu.enqueue_indirect_dma source(%dma_start3A_143 : memref<1048576x16xf32, #tpu.memory_space<hbm>>) target(%dma_start3A_137 : memref<128x16xf32, #tpu.memory_space<vmem>>) offsets(%dma_start3A_140 : memref<128xi32, #tpu.memory_space<vmem>>) semaphore(%arg7 : memref<!tpu.dma_semaphore, #tpu.memory_space<semaphore_mem>>)
    %dma_start3A_144 = arith.constant 14 : i32
    %dma_start3A_145 = arith.constant 1792 : i32
    %dma_start3A_146 = arith.constant 0 : i32
    %dma_start3A_147 = tpu.memref_slice %arg6[%dma_start3A_145, %dma_start3A_146] : memref<3328x16xf32, #tpu.memory_space<vmem>> -> memref<128x16xf32, #tpu.memory_space<vmem>>
    %dma_start3A_148 = arith.constant 0 : i32
    %dma_start3A_149 = tpu.memref_slice %arg5[%dma_start3A_144, %dma_start3A_148] : memref<26x128xi32, #tpu.memory_space<vmem>> -> memref<1x128xi32, #tpu.memory_space<vmem>>
    %dma_start3A_150 = tpu.memref_squeeze %dma_start3A_149 : memref<1x128xi32, #tpu.memory_space<vmem>> -> memref<128xi32, #tpu.memory_space<vmem>>
    %dma_start3A_151 = arith.constant 0 : i32
    %dma_start3A_152 = arith.constant 0 : i32
    %dma_start3A_153 = tpu.memref_slice %arg3[%dma_start3A_151, %dma_start3A_152] : memref<1048576x16xf32, #tpu.memory_space<hbm>> -> memref<1048576x16xf32, #tpu.memory_space<hbm>>
    tpu.enqueue_indirect_dma source(%dma_start3A_153 : memref<1048576x16xf32, #tpu.memory_space<hbm>>) target(%dma_start3A_147 : memref<128x16xf32, #tpu.memory_space<vmem>>) offsets(%dma_start3A_150 : memref<128xi32, #tpu.memory_space<vmem>>) semaphore(%arg7 : memref<!tpu.dma_semaphore, #tpu.memory_space<semaphore_mem>>)
    %dma_start3A_154 = arith.constant 15 : i32
    %dma_start3A_155 = arith.constant 1920 : i32
    %dma_start3A_156 = arith.constant 0 : i32
    %dma_start3A_157 = tpu.memref_slice %arg6[%dma_start3A_155, %dma_start3A_156] : memref<3328x16xf32, #tpu.memory_space<vmem>> -> memref<128x16xf32, #tpu.memory_space<vmem>>
    %dma_start3A_158 = arith.constant 0 : i32
    %dma_start3A_159 = tpu.memref_slice %arg5[%dma_start3A_154, %dma_start3A_158] : memref<26x128xi32, #tpu.memory_space<vmem>> -> memref<1x128xi32, #tpu.memory_space<vmem>>
    %dma_start3A_160 = tpu.memref_squeeze %dma_start3A_159 : memref<1x128xi32, #tpu.memory_space<vmem>> -> memref<128xi32, #tpu.memory_space<vmem>>
    %dma_start3A_161 = arith.constant 0 : i32
    %dma_start3A_162 = arith.constant 0 : i32
    %dma_start3A_163 = tpu.memref_slice %arg3[%dma_start3A_161, %dma_start3A_162] : memref<1048576x16xf32, #tpu.memory_space<hbm>> -> memref<1048576x16xf32, #tpu.memory_space<hbm>>
    tpu.enqueue_indirect_dma source(%dma_start3A_163 : memref<1048576x16xf32, #tpu.memory_space<hbm>>) target(%dma_start3A_157 : memref<128x16xf32, #tpu.memory_space<vmem>>) offsets(%dma_start3A_160 : memref<128xi32, #tpu.memory_space<vmem>>) semaphore(%arg7 : memref<!tpu.dma_semaphore, #tpu.memory_space<semaphore_mem>>)
    %dma_start3A_164 = arith.constant 16 : i32
    %dma_start3A_165 = arith.constant 2048 : i32
    %dma_start3A_166 = arith.constant 0 : i32
    %dma_start3A_167 = tpu.memref_slice %arg6[%dma_start3A_165, %dma_start3A_166] : memref<3328x16xf32, #tpu.memory_space<vmem>> -> memref<128x16xf32, #tpu.memory_space<vmem>>
    %dma_start3A_168 = arith.constant 0 : i32
    %dma_start3A_169 = tpu.memref_slice %arg5[%dma_start3A_164, %dma_start3A_168] : memref<26x128xi32, #tpu.memory_space<vmem>> -> memref<1x128xi32, #tpu.memory_space<vmem>>
    %dma_start3A_170 = tpu.memref_squeeze %dma_start3A_169 : memref<1x128xi32, #tpu.memory_space<vmem>> -> memref<128xi32, #tpu.memory_space<vmem>>
    %dma_start3A_171 = arith.constant 0 : i32
    %dma_start3A_172 = arith.constant 0 : i32
    %dma_start3A_173 = tpu.memref_slice %arg3[%dma_start3A_171, %dma_start3A_172] : memref<1048576x16xf32, #tpu.memory_space<hbm>> -> memref<1048576x16xf32, #tpu.memory_space<hbm>>
    tpu.enqueue_indirect_dma source(%dma_start3A_173 : memref<1048576x16xf32, #tpu.memory_space<hbm>>) target(%dma_start3A_167 : memref<128x16xf32, #tpu.memory_space<vmem>>) offsets(%dma_start3A_170 : memref<128xi32, #tpu.memory_space<vmem>>) semaphore(%arg7 : memref<!tpu.dma_semaphore, #tpu.memory_space<semaphore_mem>>)
    %dma_start3A_174 = arith.constant 17 : i32
    %dma_start3A_175 = arith.constant 2176 : i32
    %dma_start3A_176 = arith.constant 0 : i32
    %dma_start3A_177 = tpu.memref_slice %arg6[%dma_start3A_175, %dma_start3A_176] : memref<3328x16xf32, #tpu.memory_space<vmem>> -> memref<128x16xf32, #tpu.memory_space<vmem>>
    %dma_start3A_178 = arith.constant 0 : i32
    %dma_start3A_179 = tpu.memref_slice %arg5[%dma_start3A_174, %dma_start3A_178] : memref<26x128xi32, #tpu.memory_space<vmem>> -> memref<1x128xi32, #tpu.memory_space<vmem>>
    %dma_start3A_180 = tpu.memref_squeeze %dma_start3A_179 : memref<1x128xi32, #tpu.memory_space<vmem>> -> memref<128xi32, #tpu.memory_space<vmem>>
    %dma_start3A_181 = arith.constant 0 : i32
    %dma_start3A_182 = arith.constant 0 : i32
    %dma_start3A_183 = tpu.memref_slice %arg3[%dma_start3A_181, %dma_start3A_182] : memref<1048576x16xf32, #tpu.memory_space<hbm>> -> memref<1048576x16xf32, #tpu.memory_space<hbm>>
    tpu.enqueue_indirect_dma source(%dma_start3A_183 : memref<1048576x16xf32, #tpu.memory_space<hbm>>) target(%dma_start3A_177 : memref<128x16xf32, #tpu.memory_space<vmem>>) offsets(%dma_start3A_180 : memref<128xi32, #tpu.memory_space<vmem>>) semaphore(%arg7 : memref<!tpu.dma_semaphore, #tpu.memory_space<semaphore_mem>>)
    %dma_start3A_184 = arith.constant 18 : i32
    %dma_start3A_185 = arith.constant 2304 : i32
    %dma_start3A_186 = arith.constant 0 : i32
    %dma_start3A_187 = tpu.memref_slice %arg6[%dma_start3A_185, %dma_start3A_186] : memref<3328x16xf32, #tpu.memory_space<vmem>> -> memref<128x16xf32, #tpu.memory_space<vmem>>
    %dma_start3A_188 = arith.constant 0 : i32
    %dma_start3A_189 = tpu.memref_slice %arg5[%dma_start3A_184, %dma_start3A_188] : memref<26x128xi32, #tpu.memory_space<vmem>> -> memref<1x128xi32, #tpu.memory_space<vmem>>
    %dma_start3A_190 = tpu.memref_squeeze %dma_start3A_189 : memref<1x128xi32, #tpu.memory_space<vmem>> -> memref<128xi32, #tpu.memory_space<vmem>>
    %dma_start3A_191 = arith.constant 0 : i32
    %dma_start3A_192 = arith.constant 0 : i32
    %dma_start3A_193 = tpu.memref_slice %arg3[%dma_start3A_191, %dma_start3A_192] : memref<1048576x16xf32, #tpu.memory_space<hbm>> -> memref<1048576x16xf32, #tpu.memory_space<hbm>>
    tpu.enqueue_indirect_dma source(%dma_start3A_193 : memref<1048576x16xf32, #tpu.memory_space<hbm>>) target(%dma_start3A_187 : memref<128x16xf32, #tpu.memory_space<vmem>>) offsets(%dma_start3A_190 : memref<128xi32, #tpu.memory_space<vmem>>) semaphore(%arg7 : memref<!tpu.dma_semaphore, #tpu.memory_space<semaphore_mem>>)
    %dma_start3A_194 = arith.constant 19 : i32
    %dma_start3A_195 = arith.constant 2432 : i32
    %dma_start3A_196 = arith.constant 0 : i32
    %dma_start3A_197 = tpu.memref_slice %arg6[%dma_start3A_195, %dma_start3A_196] : memref<3328x16xf32, #tpu.memory_space<vmem>> -> memref<128x16xf32, #tpu.memory_space<vmem>>
    %dma_start3A_198 = arith.constant 0 : i32
    %dma_start3A_199 = tpu.memref_slice %arg5[%dma_start3A_194, %dma_start3A_198] : memref<26x128xi32, #tpu.memory_space<vmem>> -> memref<1x128xi32, #tpu.memory_space<vmem>>
    %dma_start3A_200 = tpu.memref_squeeze %dma_start3A_199 : memref<1x128xi32, #tpu.memory_space<vmem>> -> memref<128xi32, #tpu.memory_space<vmem>>
    %dma_start3A_201 = arith.constant 0 : i32
    %dma_start3A_202 = arith.constant 0 : i32
    %dma_start3A_203 = tpu.memref_slice %arg3[%dma_start3A_201, %dma_start3A_202] : memref<1048576x16xf32, #tpu.memory_space<hbm>> -> memref<1048576x16xf32, #tpu.memory_space<hbm>>
    tpu.enqueue_indirect_dma source(%dma_start3A_203 : memref<1048576x16xf32, #tpu.memory_space<hbm>>) target(%dma_start3A_197 : memref<128x16xf32, #tpu.memory_space<vmem>>) offsets(%dma_start3A_200 : memref<128xi32, #tpu.memory_space<vmem>>) semaphore(%arg7 : memref<!tpu.dma_semaphore, #tpu.memory_space<semaphore_mem>>)
    %dma_start3A_204 = arith.constant 20 : i32
    %dma_start3A_205 = arith.constant 2560 : i32
    %dma_start3A_206 = arith.constant 0 : i32
    %dma_start3A_207 = tpu.memref_slice %arg6[%dma_start3A_205, %dma_start3A_206] : memref<3328x16xf32, #tpu.memory_space<vmem>> -> memref<128x16xf32, #tpu.memory_space<vmem>>
    %dma_start3A_208 = arith.constant 0 : i32
    %dma_start3A_209 = tpu.memref_slice %arg5[%dma_start3A_204, %dma_start3A_208] : memref<26x128xi32, #tpu.memory_space<vmem>> -> memref<1x128xi32, #tpu.memory_space<vmem>>
    %dma_start3A_210 = tpu.memref_squeeze %dma_start3A_209 : memref<1x128xi32, #tpu.memory_space<vmem>> -> memref<128xi32, #tpu.memory_space<vmem>>
    %dma_start3A_211 = arith.constant 0 : i32
    %dma_start3A_212 = arith.constant 0 : i32
    %dma_start3A_213 = tpu.memref_slice %arg3[%dma_start3A_211, %dma_start3A_212] : memref<1048576x16xf32, #tpu.memory_space<hbm>> -> memref<1048576x16xf32, #tpu.memory_space<hbm>>
    tpu.enqueue_indirect_dma source(%dma_start3A_213 : memref<1048576x16xf32, #tpu.memory_space<hbm>>) target(%dma_start3A_207 : memref<128x16xf32, #tpu.memory_space<vmem>>) offsets(%dma_start3A_210 : memref<128xi32, #tpu.memory_space<vmem>>) semaphore(%arg7 : memref<!tpu.dma_semaphore, #tpu.memory_space<semaphore_mem>>)
    %dma_start3A_214 = arith.constant 21 : i32
    %dma_start3A_215 = arith.constant 2688 : i32
    %dma_start3A_216 = arith.constant 0 : i32
    %dma_start3A_217 = tpu.memref_slice %arg6[%dma_start3A_215, %dma_start3A_216] : memref<3328x16xf32, #tpu.memory_space<vmem>> -> memref<128x16xf32, #tpu.memory_space<vmem>>
    %dma_start3A_218 = arith.constant 0 : i32
    %dma_start3A_219 = tpu.memref_slice %arg5[%dma_start3A_214, %dma_start3A_218] : memref<26x128xi32, #tpu.memory_space<vmem>> -> memref<1x128xi32, #tpu.memory_space<vmem>>
    %dma_start3A_220 = tpu.memref_squeeze %dma_start3A_219 : memref<1x128xi32, #tpu.memory_space<vmem>> -> memref<128xi32, #tpu.memory_space<vmem>>
    %dma_start3A_221 = arith.constant 0 : i32
    %dma_start3A_222 = arith.constant 0 : i32
    %dma_start3A_223 = tpu.memref_slice %arg3[%dma_start3A_221, %dma_start3A_222] : memref<1048576x16xf32, #tpu.memory_space<hbm>> -> memref<1048576x16xf32, #tpu.memory_space<hbm>>
    tpu.enqueue_indirect_dma source(%dma_start3A_223 : memref<1048576x16xf32, #tpu.memory_space<hbm>>) target(%dma_start3A_217 : memref<128x16xf32, #tpu.memory_space<vmem>>) offsets(%dma_start3A_220 : memref<128xi32, #tpu.memory_space<vmem>>) semaphore(%arg7 : memref<!tpu.dma_semaphore, #tpu.memory_space<semaphore_mem>>)
    %dma_start3A_224 = arith.constant 22 : i32
    %dma_start3A_225 = arith.constant 2816 : i32
    %dma_start3A_226 = arith.constant 0 : i32
    %dma_start3A_227 = tpu.memref_slice %arg6[%dma_start3A_225, %dma_start3A_226] : memref<3328x16xf32, #tpu.memory_space<vmem>> -> memref<128x16xf32, #tpu.memory_space<vmem>>
    %dma_start3A_228 = arith.constant 0 : i32
    %dma_start3A_229 = tpu.memref_slice %arg5[%dma_start3A_224, %dma_start3A_228] : memref<26x128xi32, #tpu.memory_space<vmem>> -> memref<1x128xi32, #tpu.memory_space<vmem>>
    %dma_start3A_230 = tpu.memref_squeeze %dma_start3A_229 : memref<1x128xi32, #tpu.memory_space<vmem>> -> memref<128xi32, #tpu.memory_space<vmem>>
    %dma_start3A_231 = arith.constant 0 : i32
    %dma_start3A_232 = arith.constant 0 : i32
    %dma_start3A_233 = tpu.memref_slice %arg3[%dma_start3A_231, %dma_start3A_232] : memref<1048576x16xf32, #tpu.memory_space<hbm>> -> memref<1048576x16xf32, #tpu.memory_space<hbm>>
    tpu.enqueue_indirect_dma source(%dma_start3A_233 : memref<1048576x16xf32, #tpu.memory_space<hbm>>) target(%dma_start3A_227 : memref<128x16xf32, #tpu.memory_space<vmem>>) offsets(%dma_start3A_230 : memref<128xi32, #tpu.memory_space<vmem>>) semaphore(%arg7 : memref<!tpu.dma_semaphore, #tpu.memory_space<semaphore_mem>>)
    %dma_start3A_234 = arith.constant 23 : i32
    %dma_start3A_235 = arith.constant 2944 : i32
    %dma_start3A_236 = arith.constant 0 : i32
    %dma_start3A_237 = tpu.memref_slice %arg6[%dma_start3A_235, %dma_start3A_236] : memref<3328x16xf32, #tpu.memory_space<vmem>> -> memref<128x16xf32, #tpu.memory_space<vmem>>
    %dma_start3A_238 = arith.constant 0 : i32
    %dma_start3A_239 = tpu.memref_slice %arg5[%dma_start3A_234, %dma_start3A_238] : memref<26x128xi32, #tpu.memory_space<vmem>> -> memref<1x128xi32, #tpu.memory_space<vmem>>
    %dma_start3A_240 = tpu.memref_squeeze %dma_start3A_239 : memref<1x128xi32, #tpu.memory_space<vmem>> -> memref<128xi32, #tpu.memory_space<vmem>>
    %dma_start3A_241 = arith.constant 0 : i32
    %dma_start3A_242 = arith.constant 0 : i32
    %dma_start3A_243 = tpu.memref_slice %arg3[%dma_start3A_241, %dma_start3A_242] : memref<1048576x16xf32, #tpu.memory_space<hbm>> -> memref<1048576x16xf32, #tpu.memory_space<hbm>>
    tpu.enqueue_indirect_dma source(%dma_start3A_243 : memref<1048576x16xf32, #tpu.memory_space<hbm>>) target(%dma_start3A_237 : memref<128x16xf32, #tpu.memory_space<vmem>>) offsets(%dma_start3A_240 : memref<128xi32, #tpu.memory_space<vmem>>) semaphore(%arg7 : memref<!tpu.dma_semaphore, #tpu.memory_space<semaphore_mem>>)
    %dma_start3A_244 = arith.constant 24 : i32
    %dma_start3A_245 = arith.constant 3072 : i32
    %dma_start3A_246 = arith.constant 0 : i32
    %dma_start3A_247 = tpu.memref_slice %arg6[%dma_start3A_245, %dma_start3A_246] : memref<3328x16xf32, #tpu.memory_space<vmem>> -> memref<128x16xf32, #tpu.memory_space<vmem>>
    %dma_start3A_248 = arith.constant 0 : i32
    %dma_start3A_249 = tpu.memref_slice %arg5[%dma_start3A_244, %dma_start3A_248] : memref<26x128xi32, #tpu.memory_space<vmem>> -> memref<1x128xi32, #tpu.memory_space<vmem>>
    %dma_start3A_250 = tpu.memref_squeeze %dma_start3A_249 : memref<1x128xi32, #tpu.memory_space<vmem>> -> memref<128xi32, #tpu.memory_space<vmem>>
    %dma_start3A_251 = arith.constant 0 : i32
    %dma_start3A_252 = arith.constant 0 : i32
    %dma_start3A_253 = tpu.memref_slice %arg3[%dma_start3A_251, %dma_start3A_252] : memref<1048576x16xf32, #tpu.memory_space<hbm>> -> memref<1048576x16xf32, #tpu.memory_space<hbm>>
    tpu.enqueue_indirect_dma source(%dma_start3A_253 : memref<1048576x16xf32, #tpu.memory_space<hbm>>) target(%dma_start3A_247 : memref<128x16xf32, #tpu.memory_space<vmem>>) offsets(%dma_start3A_250 : memref<128xi32, #tpu.memory_space<vmem>>) semaphore(%arg7 : memref<!tpu.dma_semaphore, #tpu.memory_space<semaphore_mem>>)
    %dma_start3A_254 = arith.constant 25 : i32
    %dma_start3A_255 = arith.constant 3200 : i32
    %dma_start3A_256 = arith.constant 0 : i32
    %dma_start3A_257 = tpu.memref_slice %arg6[%dma_start3A_255, %dma_start3A_256] : memref<3328x16xf32, #tpu.memory_space<vmem>> -> memref<128x16xf32, #tpu.memory_space<vmem>>
    %dma_start3A_258 = arith.constant 0 : i32
    %dma_start3A_259 = tpu.memref_slice %arg5[%dma_start3A_254, %dma_start3A_258] : memref<26x128xi32, #tpu.memory_space<vmem>> -> memref<1x128xi32, #tpu.memory_space<vmem>>
    %dma_start3A_260 = tpu.memref_squeeze %dma_start3A_259 : memref<1x128xi32, #tpu.memory_space<vmem>> -> memref<128xi32, #tpu.memory_space<vmem>>
    %dma_start3A_261 = arith.constant 0 : i32
    %dma_start3A_262 = arith.constant 0 : i32
    %dma_start3A_263 = tpu.memref_slice %arg3[%dma_start3A_261, %dma_start3A_262] : memref<1048576x16xf32, #tpu.memory_space<hbm>> -> memref<1048576x16xf32, #tpu.memory_space<hbm>>
    tpu.enqueue_indirect_dma source(%dma_start3A_263 : memref<1048576x16xf32, #tpu.memory_space<hbm>>) target(%dma_start3A_257 : memref<128x16xf32, #tpu.memory_space<vmem>>) offsets(%dma_start3A_260 : memref<128xi32, #tpu.memory_space<vmem>>) semaphore(%arg7 : memref<!tpu.dma_semaphore, #tpu.memory_space<semaphore_mem>>)
    %dma_wait3A = arith.constant 0 : i32
    %dma_wait3A_264 = arith.constant 0 : i32
    %dma_wait3A_265 = arith.constant 0 : i32
    %dma_wait3A_266 = tpu.memref_slice %arg6[%dma_wait3A_264, %dma_wait3A_265] : memref<3328x16xf32, #tpu.memory_space<vmem>> -> memref<128x16xf32, #tpu.memory_space<vmem>>
    %dma_wait3A_267 = arith.constant 0 : i32
    %dma_wait3A_268 = tpu.memref_slice %arg5[%dma_wait3A, %dma_wait3A_267] : memref<26x128xi32, #tpu.memory_space<vmem>> -> memref<1x128xi32, #tpu.memory_space<vmem>>
    %dma_wait3A_269 = tpu.memref_squeeze %dma_wait3A_268 : memref<1x128xi32, #tpu.memory_space<vmem>> -> memref<128xi32, #tpu.memory_space<vmem>>
    %dma_wait3A_270 = arith.constant 0 : i32
    %dma_wait3A_271 = arith.constant 0 : i32
    %dma_wait3A_272 = tpu.memref_slice %arg3[%dma_wait3A_270, %dma_wait3A_271] : memref<1048576x16xf32, #tpu.memory_space<hbm>> -> memref<1048576x16xf32, #tpu.memory_space<hbm>>
    tpu.wait_indirect_dma semaphore(%arg7 : memref<!tpu.dma_semaphore, #tpu.memory_space<semaphore_mem>>) src(%dma_wait3A_272 : memref<1048576x16xf32, #tpu.memory_space<hbm>>) dst(%dma_wait3A_266 : memref<128x16xf32, #tpu.memory_space<vmem>>)
    %add3A_273 = arith.constant 0 : i32
    %add3A_274 = arith.addi %mul3A_2, %add3A_273 : i32
    %dma_start3A_275 = arith.constant 0 : i32
    %dma_start3A_276 = arith.constant 0 : i32
    %dma_start3A_277 = tpu.memref_slice %arg6[%dma_start3A_275, %dma_start3A_276] : memref<3328x16xf32, #tpu.memory_space<vmem>> -> memref<128x16xf32, #tpu.memory_space<vmem>>
    %dma_start3A_278 = arith.constant 0 : i32
    %dma_start3A_279 = tpu.memref_slice %arg4[%add3A_274, %dma_start3A_278] : memref<106496x16xf32, #tpu.memory_space<hbm>> -> memref<128x16xf32, #tpu.memory_space<hbm>>
    %dma_start3A_280 = arith.constant 0 : i32
    %dma_start3A_281 = tpu.memref_slice %arg4[%add3A_274, %dma_start3A_280] : memref<106496x16xf32, #tpu.memory_space<hbm>> -> memref<128x16xf32, #tpu.memory_space<hbm>>
    %dma_start3A_282 = arith.constant 0 : i32
    %dma_start3A_283 = arith.constant 0 : i32
    %dma_start3A_284 = tpu.memref_slice %arg6[%dma_start3A_282, %dma_start3A_283] : memref<3328x16xf32, #tpu.memory_space<vmem>> -> memref<128x16xf32, #tpu.memory_space<vmem>>
    tpu.enqueue_dma source(%dma_start3A_284 : memref<128x16xf32, #tpu.memory_space<vmem>>) target(%dma_start3A_281 : memref<128x16xf32, #tpu.memory_space<hbm>>) target_semaphore(%arg8 : memref<!tpu.dma_semaphore, #tpu.memory_space<semaphore_mem>>)
    %dma_wait3A_285 = arith.constant 1 : i32
    %dma_wait3A_286 = arith.constant 128 : i32
    %dma_wait3A_287 = arith.constant 0 : i32
    %dma_wait3A_288 = tpu.memref_slice %arg6[%dma_wait3A_286, %dma_wait3A_287] : memref<3328x16xf32, #tpu.memory_space<vmem>> -> memref<128x16xf32, #tpu.memory_space<vmem>>
    %dma_wait3A_289 = arith.constant 0 : i32
    %dma_wait3A_290 = tpu.memref_slice %arg5[%dma_wait3A_285, %dma_wait3A_289] : memref<26x128xi32, #tpu.memory_space<vmem>> -> memref<1x128xi32, #tpu.memory_space<vmem>>
    %dma_wait3A_291 = tpu.memref_squeeze %dma_wait3A_290 : memref<1x128xi32, #tpu.memory_space<vmem>> -> memref<128xi32, #tpu.memory_space<vmem>>
    %dma_wait3A_292 = arith.constant 0 : i32
    %dma_wait3A_293 = arith.constant 0 : i32
    %dma_wait3A_294 = tpu.memref_slice %arg3[%dma_wait3A_292, %dma_wait3A_293] : memref<1048576x16xf32, #tpu.memory_space<hbm>> -> memref<1048576x16xf32, #tpu.memory_space<hbm>>
    tpu.wait_indirect_dma semaphore(%arg7 : memref<!tpu.dma_semaphore, #tpu.memory_space<semaphore_mem>>) src(%dma_wait3A_294 : memref<1048576x16xf32, #tpu.memory_space<hbm>>) dst(%dma_wait3A_288 : memref<128x16xf32, #tpu.memory_space<vmem>>)
    %add3A_295 = arith.constant 128 : i32
    %add3A_296 = arith.addi %mul3A_2, %add3A_295 : i32
    %dma_start3A_297 = arith.constant 128 : i32
    %dma_start3A_298 = arith.constant 0 : i32
    %dma_start3A_299 = tpu.memref_slice %arg6[%dma_start3A_297, %dma_start3A_298] : memref<3328x16xf32, #tpu.memory_space<vmem>> -> memref<128x16xf32, #tpu.memory_space<vmem>>
    %dma_start3A_300 = arith.constant 0 : i32
    %dma_start3A_301 = tpu.memref_slice %arg4[%add3A_296, %dma_start3A_300] : memref<106496x16xf32, #tpu.memory_space<hbm>> -> memref<128x16xf32, #tpu.memory_space<hbm>>
    %dma_start3A_302 = arith.constant 0 : i32
    %dma_start3A_303 = tpu.memref_slice %arg4[%add3A_296, %dma_start3A_302] : memref<106496x16xf32, #tpu.memory_space<hbm>> -> memref<128x16xf32, #tpu.memory_space<hbm>>
    %dma_start3A_304 = arith.constant 128 : i32
    %dma_start3A_305 = arith.constant 0 : i32
    %dma_start3A_306 = tpu.memref_slice %arg6[%dma_start3A_304, %dma_start3A_305] : memref<3328x16xf32, #tpu.memory_space<vmem>> -> memref<128x16xf32, #tpu.memory_space<vmem>>
    tpu.enqueue_dma source(%dma_start3A_306 : memref<128x16xf32, #tpu.memory_space<vmem>>) target(%dma_start3A_303 : memref<128x16xf32, #tpu.memory_space<hbm>>) target_semaphore(%arg8 : memref<!tpu.dma_semaphore, #tpu.memory_space<semaphore_mem>>)
    %dma_wait3A_307 = arith.constant 2 : i32
    %dma_wait3A_308 = arith.constant 256 : i32
    %dma_wait3A_309 = arith.constant 0 : i32
    %dma_wait3A_310 = tpu.memref_slice %arg6[%dma_wait3A_308, %dma_wait3A_309] : memref<3328x16xf32, #tpu.memory_space<vmem>> -> memref<128x16xf32, #tpu.memory_space<vmem>>
    %dma_wait3A_311 = arith.constant 0 : i32
    %dma_wait3A_312 = tpu.memref_slice %arg5[%dma_wait3A_307, %dma_wait3A_311] : memref<26x128xi32, #tpu.memory_space<vmem>> -> memref<1x128xi32, #tpu.memory_space<vmem>>
    %dma_wait3A_313 = tpu.memref_squeeze %dma_wait3A_312 : memref<1x128xi32, #tpu.memory_space<vmem>> -> memref<128xi32, #tpu.memory_space<vmem>>
    %dma_wait3A_314 = arith.constant 0 : i32
    %dma_wait3A_315 = arith.constant 0 : i32
    %dma_wait3A_316 = tpu.memref_slice %arg3[%dma_wait3A_314, %dma_wait3A_315] : memref<1048576x16xf32, #tpu.memory_space<hbm>> -> memref<1048576x16xf32, #tpu.memory_space<hbm>>
    tpu.wait_indirect_dma semaphore(%arg7 : memref<!tpu.dma_semaphore, #tpu.memory_space<semaphore_mem>>) src(%dma_wait3A_316 : memref<1048576x16xf32, #tpu.memory_space<hbm>>) dst(%dma_wait3A_310 : memref<128x16xf32, #tpu.memory_space<vmem>>)
    %add3A_317 = arith.constant 256 : i32
    %add3A_318 = arith.addi %mul3A_2, %add3A_317 : i32
    %dma_start3A_319 = arith.constant 256 : i32
    %dma_start3A_320 = arith.constant 0 : i32
    %dma_start3A_321 = tpu.memref_slice %arg6[%dma_start3A_319, %dma_start3A_320] : memref<3328x16xf32, #tpu.memory_space<vmem>> -> memref<128x16xf32, #tpu.memory_space<vmem>>
    %dma_start3A_322 = arith.constant 0 : i32
    %dma_start3A_323 = tpu.memref_slice %arg4[%add3A_318, %dma_start3A_322] : memref<106496x16xf32, #tpu.memory_space<hbm>> -> memref<128x16xf32, #tpu.memory_space<hbm>>
    %dma_start3A_324 = arith.constant 0 : i32
    %dma_start3A_325 = tpu.memref_slice %arg4[%add3A_318, %dma_start3A_324] : memref<106496x16xf32, #tpu.memory_space<hbm>> -> memref<128x16xf32, #tpu.memory_space<hbm>>
    %dma_start3A_326 = arith.constant 256 : i32
    %dma_start3A_327 = arith.constant 0 : i32
    %dma_start3A_328 = tpu.memref_slice %arg6[%dma_start3A_326, %dma_start3A_327] : memref<3328x16xf32, #tpu.memory_space<vmem>> -> memref<128x16xf32, #tpu.memory_space<vmem>>
    tpu.enqueue_dma source(%dma_start3A_328 : memref<128x16xf32, #tpu.memory_space<vmem>>) target(%dma_start3A_325 : memref<128x16xf32, #tpu.memory_space<hbm>>) target_semaphore(%arg8 : memref<!tpu.dma_semaphore, #tpu.memory_space<semaphore_mem>>)
    %dma_wait3A_329 = arith.constant 3 : i32
    %dma_wait3A_330 = arith.constant 384 : i32
    %dma_wait3A_331 = arith.constant 0 : i32
    %dma_wait3A_332 = tpu.memref_slice %arg6[%dma_wait3A_330, %dma_wait3A_331] : memref<3328x16xf32, #tpu.memory_space<vmem>> -> memref<128x16xf32, #tpu.memory_space<vmem>>
    %dma_wait3A_333 = arith.constant 0 : i32
    %dma_wait3A_334 = tpu.memref_slice %arg5[%dma_wait3A_329, %dma_wait3A_333] : memref<26x128xi32, #tpu.memory_space<vmem>> -> memref<1x128xi32, #tpu.memory_space<vmem>>
    %dma_wait3A_335 = tpu.memref_squeeze %dma_wait3A_334 : memref<1x128xi32, #tpu.memory_space<vmem>> -> memref<128xi32, #tpu.memory_space<vmem>>
    %dma_wait3A_336 = arith.constant 0 : i32
    %dma_wait3A_337 = arith.constant 0 : i32
    %dma_wait3A_338 = tpu.memref_slice %arg3[%dma_wait3A_336, %dma_wait3A_337] : memref<1048576x16xf32, #tpu.memory_space<hbm>> -> memref<1048576x16xf32, #tpu.memory_space<hbm>>
    tpu.wait_indirect_dma semaphore(%arg7 : memref<!tpu.dma_semaphore, #tpu.memory_space<semaphore_mem>>) src(%dma_wait3A_338 : memref<1048576x16xf32, #tpu.memory_space<hbm>>) dst(%dma_wait3A_332 : memref<128x16xf32, #tpu.memory_space<vmem>>)
    %add3A_339 = arith.constant 384 : i32
    %add3A_340 = arith.addi %mul3A_2, %add3A_339 : i32
    %dma_start3A_341 = arith.constant 384 : i32
    %dma_start3A_342 = arith.constant 0 : i32
    %dma_start3A_343 = tpu.memref_slice %arg6[%dma_start3A_341, %dma_start3A_342] : memref<3328x16xf32, #tpu.memory_space<vmem>> -> memref<128x16xf32, #tpu.memory_space<vmem>>
    %dma_start3A_344 = arith.constant 0 : i32
    %dma_start3A_345 = tpu.memref_slice %arg4[%add3A_340, %dma_start3A_344] : memref<106496x16xf32, #tpu.memory_space<hbm>> -> memref<128x16xf32, #tpu.memory_space<hbm>>
    %dma_start3A_346 = arith.constant 0 : i32
    %dma_start3A_347 = tpu.memref_slice %arg4[%add3A_340, %dma_start3A_346] : memref<106496x16xf32, #tpu.memory_space<hbm>> -> memref<128x16xf32, #tpu.memory_space<hbm>>
    %dma_start3A_348 = arith.constant 384 : i32
    %dma_start3A_349 = arith.constant 0 : i32
    %dma_start3A_350 = tpu.memref_slice %arg6[%dma_start3A_348, %dma_start3A_349] : memref<3328x16xf32, #tpu.memory_space<vmem>> -> memref<128x16xf32, #tpu.memory_space<vmem>>
    tpu.enqueue_dma source(%dma_start3A_350 : memref<128x16xf32, #tpu.memory_space<vmem>>) target(%dma_start3A_347 : memref<128x16xf32, #tpu.memory_space<hbm>>) target_semaphore(%arg8 : memref<!tpu.dma_semaphore, #tpu.memory_space<semaphore_mem>>)
    %dma_wait3A_351 = arith.constant 4 : i32
    %dma_wait3A_352 = arith.constant 512 : i32
    %dma_wait3A_353 = arith.constant 0 : i32
    %dma_wait3A_354 = tpu.memref_slice %arg6[%dma_wait3A_352, %dma_wait3A_353] : memref<3328x16xf32, #tpu.memory_space<vmem>> -> memref<128x16xf32, #tpu.memory_space<vmem>>
    %dma_wait3A_355 = arith.constant 0 : i32
    %dma_wait3A_356 = tpu.memref_slice %arg5[%dma_wait3A_351, %dma_wait3A_355] : memref<26x128xi32, #tpu.memory_space<vmem>> -> memref<1x128xi32, #tpu.memory_space<vmem>>
    %dma_wait3A_357 = tpu.memref_squeeze %dma_wait3A_356 : memref<1x128xi32, #tpu.memory_space<vmem>> -> memref<128xi32, #tpu.memory_space<vmem>>
    %dma_wait3A_358 = arith.constant 0 : i32
    %dma_wait3A_359 = arith.constant 0 : i32
    %dma_wait3A_360 = tpu.memref_slice %arg3[%dma_wait3A_358, %dma_wait3A_359] : memref<1048576x16xf32, #tpu.memory_space<hbm>> -> memref<1048576x16xf32, #tpu.memory_space<hbm>>
    tpu.wait_indirect_dma semaphore(%arg7 : memref<!tpu.dma_semaphore, #tpu.memory_space<semaphore_mem>>) src(%dma_wait3A_360 : memref<1048576x16xf32, #tpu.memory_space<hbm>>) dst(%dma_wait3A_354 : memref<128x16xf32, #tpu.memory_space<vmem>>)
    %add3A_361 = arith.constant 512 : i32
    %add3A_362 = arith.addi %mul3A_2, %add3A_361 : i32
    %dma_start3A_363 = arith.constant 512 : i32
    %dma_start3A_364 = arith.constant 0 : i32
    %dma_start3A_365 = tpu.memref_slice %arg6[%dma_start3A_363, %dma_start3A_364] : memref<3328x16xf32, #tpu.memory_space<vmem>> -> memref<128x16xf32, #tpu.memory_space<vmem>>
    %dma_start3A_366 = arith.constant 0 : i32
    %dma_start3A_367 = tpu.memref_slice %arg4[%add3A_362, %dma_start3A_366] : memref<106496x16xf32, #tpu.memory_space<hbm>> -> memref<128x16xf32, #tpu.memory_space<hbm>>
    %dma_start3A_368 = arith.constant 0 : i32
    %dma_start3A_369 = tpu.memref_slice %arg4[%add3A_362, %dma_start3A_368] : memref<106496x16xf32, #tpu.memory_space<hbm>> -> memref<128x16xf32, #tpu.memory_space<hbm>>
    %dma_start3A_370 = arith.constant 512 : i32
    %dma_start3A_371 = arith.constant 0 : i32
    %dma_start3A_372 = tpu.memref_slice %arg6[%dma_start3A_370, %dma_start3A_371] : memref<3328x16xf32, #tpu.memory_space<vmem>> -> memref<128x16xf32, #tpu.memory_space<vmem>>
    tpu.enqueue_dma source(%dma_start3A_372 : memref<128x16xf32, #tpu.memory_space<vmem>>) target(%dma_start3A_369 : memref<128x16xf32, #tpu.memory_space<hbm>>) target_semaphore(%arg8 : memref<!tpu.dma_semaphore, #tpu.memory_space<semaphore_mem>>)
    %dma_wait3A_373 = arith.constant 5 : i32
    %dma_wait3A_374 = arith.constant 640 : i32
    %dma_wait3A_375 = arith.constant 0 : i32
    %dma_wait3A_376 = tpu.memref_slice %arg6[%dma_wait3A_374, %dma_wait3A_375] : memref<3328x16xf32, #tpu.memory_space<vmem>> -> memref<128x16xf32, #tpu.memory_space<vmem>>
    %dma_wait3A_377 = arith.constant 0 : i32
    %dma_wait3A_378 = tpu.memref_slice %arg5[%dma_wait3A_373, %dma_wait3A_377] : memref<26x128xi32, #tpu.memory_space<vmem>> -> memref<1x128xi32, #tpu.memory_space<vmem>>
    %dma_wait3A_379 = tpu.memref_squeeze %dma_wait3A_378 : memref<1x128xi32, #tpu.memory_space<vmem>> -> memref<128xi32, #tpu.memory_space<vmem>>
    %dma_wait3A_380 = arith.constant 0 : i32
    %dma_wait3A_381 = arith.constant 0 : i32
    %dma_wait3A_382 = tpu.memref_slice %arg3[%dma_wait3A_380, %dma_wait3A_381] : memref<1048576x16xf32, #tpu.memory_space<hbm>> -> memref<1048576x16xf32, #tpu.memory_space<hbm>>
    tpu.wait_indirect_dma semaphore(%arg7 : memref<!tpu.dma_semaphore, #tpu.memory_space<semaphore_mem>>) src(%dma_wait3A_382 : memref<1048576x16xf32, #tpu.memory_space<hbm>>) dst(%dma_wait3A_376 : memref<128x16xf32, #tpu.memory_space<vmem>>)
    %add3A_383 = arith.constant 640 : i32
    %add3A_384 = arith.addi %mul3A_2, %add3A_383 : i32
    %dma_start3A_385 = arith.constant 640 : i32
    %dma_start3A_386 = arith.constant 0 : i32
    %dma_start3A_387 = tpu.memref_slice %arg6[%dma_start3A_385, %dma_start3A_386] : memref<3328x16xf32, #tpu.memory_space<vmem>> -> memref<128x16xf32, #tpu.memory_space<vmem>>
    %dma_start3A_388 = arith.constant 0 : i32
    %dma_start3A_389 = tpu.memref_slice %arg4[%add3A_384, %dma_start3A_388] : memref<106496x16xf32, #tpu.memory_space<hbm>> -> memref<128x16xf32, #tpu.memory_space<hbm>>
    %dma_start3A_390 = arith.constant 0 : i32
    %dma_start3A_391 = tpu.memref_slice %arg4[%add3A_384, %dma_start3A_390] : memref<106496x16xf32, #tpu.memory_space<hbm>> -> memref<128x16xf32, #tpu.memory_space<hbm>>
    %dma_start3A_392 = arith.constant 640 : i32
    %dma_start3A_393 = arith.constant 0 : i32
    %dma_start3A_394 = tpu.memref_slice %arg6[%dma_start3A_392, %dma_start3A_393] : memref<3328x16xf32, #tpu.memory_space<vmem>> -> memref<128x16xf32, #tpu.memory_space<vmem>>
    tpu.enqueue_dma source(%dma_start3A_394 : memref<128x16xf32, #tpu.memory_space<vmem>>) target(%dma_start3A_391 : memref<128x16xf32, #tpu.memory_space<hbm>>) target_semaphore(%arg8 : memref<!tpu.dma_semaphore, #tpu.memory_space<semaphore_mem>>)
    %dma_wait3A_395 = arith.constant 6 : i32
    %dma_wait3A_396 = arith.constant 768 : i32
    %dma_wait3A_397 = arith.constant 0 : i32
    %dma_wait3A_398 = tpu.memref_slice %arg6[%dma_wait3A_396, %dma_wait3A_397] : memref<3328x16xf32, #tpu.memory_space<vmem>> -> memref<128x16xf32, #tpu.memory_space<vmem>>
    %dma_wait3A_399 = arith.constant 0 : i32
    %dma_wait3A_400 = tpu.memref_slice %arg5[%dma_wait3A_395, %dma_wait3A_399] : memref<26x128xi32, #tpu.memory_space<vmem>> -> memref<1x128xi32, #tpu.memory_space<vmem>>
    %dma_wait3A_401 = tpu.memref_squeeze %dma_wait3A_400 : memref<1x128xi32, #tpu.memory_space<vmem>> -> memref<128xi32, #tpu.memory_space<vmem>>
    %dma_wait3A_402 = arith.constant 0 : i32
    %dma_wait3A_403 = arith.constant 0 : i32
    %dma_wait3A_404 = tpu.memref_slice %arg3[%dma_wait3A_402, %dma_wait3A_403] : memref<1048576x16xf32, #tpu.memory_space<hbm>> -> memref<1048576x16xf32, #tpu.memory_space<hbm>>
    tpu.wait_indirect_dma semaphore(%arg7 : memref<!tpu.dma_semaphore, #tpu.memory_space<semaphore_mem>>) src(%dma_wait3A_404 : memref<1048576x16xf32, #tpu.memory_space<hbm>>) dst(%dma_wait3A_398 : memref<128x16xf32, #tpu.memory_space<vmem>>)
    %add3A_405 = arith.constant 768 : i32
    %add3A_406 = arith.addi %mul3A_2, %add3A_405 : i32
    %dma_start3A_407 = arith.constant 768 : i32
    %dma_start3A_408 = arith.constant 0 : i32
    %dma_start3A_409 = tpu.memref_slice %arg6[%dma_start3A_407, %dma_start3A_408] : memref<3328x16xf32, #tpu.memory_space<vmem>> -> memref<128x16xf32, #tpu.memory_space<vmem>>
    %dma_start3A_410 = arith.constant 0 : i32
    %dma_start3A_411 = tpu.memref_slice %arg4[%add3A_406, %dma_start3A_410] : memref<106496x16xf32, #tpu.memory_space<hbm>> -> memref<128x16xf32, #tpu.memory_space<hbm>>
    %dma_start3A_412 = arith.constant 0 : i32
    %dma_start3A_413 = tpu.memref_slice %arg4[%add3A_406, %dma_start3A_412] : memref<106496x16xf32, #tpu.memory_space<hbm>> -> memref<128x16xf32, #tpu.memory_space<hbm>>
    %dma_start3A_414 = arith.constant 768 : i32
    %dma_start3A_415 = arith.constant 0 : i32
    %dma_start3A_416 = tpu.memref_slice %arg6[%dma_start3A_414, %dma_start3A_415] : memref<3328x16xf32, #tpu.memory_space<vmem>> -> memref<128x16xf32, #tpu.memory_space<vmem>>
    tpu.enqueue_dma source(%dma_start3A_416 : memref<128x16xf32, #tpu.memory_space<vmem>>) target(%dma_start3A_413 : memref<128x16xf32, #tpu.memory_space<hbm>>) target_semaphore(%arg8 : memref<!tpu.dma_semaphore, #tpu.memory_space<semaphore_mem>>)
    %dma_wait3A_417 = arith.constant 7 : i32
    %dma_wait3A_418 = arith.constant 896 : i32
    %dma_wait3A_419 = arith.constant 0 : i32
    %dma_wait3A_420 = tpu.memref_slice %arg6[%dma_wait3A_418, %dma_wait3A_419] : memref<3328x16xf32, #tpu.memory_space<vmem>> -> memref<128x16xf32, #tpu.memory_space<vmem>>
    %dma_wait3A_421 = arith.constant 0 : i32
    %dma_wait3A_422 = tpu.memref_slice %arg5[%dma_wait3A_417, %dma_wait3A_421] : memref<26x128xi32, #tpu.memory_space<vmem>> -> memref<1x128xi32, #tpu.memory_space<vmem>>
    %dma_wait3A_423 = tpu.memref_squeeze %dma_wait3A_422 : memref<1x128xi32, #tpu.memory_space<vmem>> -> memref<128xi32, #tpu.memory_space<vmem>>
    %dma_wait3A_424 = arith.constant 0 : i32
    %dma_wait3A_425 = arith.constant 0 : i32
    %dma_wait3A_426 = tpu.memref_slice %arg3[%dma_wait3A_424, %dma_wait3A_425] : memref<1048576x16xf32, #tpu.memory_space<hbm>> -> memref<1048576x16xf32, #tpu.memory_space<hbm>>
    tpu.wait_indirect_dma semaphore(%arg7 : memref<!tpu.dma_semaphore, #tpu.memory_space<semaphore_mem>>) src(%dma_wait3A_426 : memref<1048576x16xf32, #tpu.memory_space<hbm>>) dst(%dma_wait3A_420 : memref<128x16xf32, #tpu.memory_space<vmem>>)
    %add3A_427 = arith.constant 896 : i32
    %add3A_428 = arith.addi %mul3A_2, %add3A_427 : i32
    %dma_start3A_429 = arith.constant 896 : i32
    %dma_start3A_430 = arith.constant 0 : i32
    %dma_start3A_431 = tpu.memref_slice %arg6[%dma_start3A_429, %dma_start3A_430] : memref<3328x16xf32, #tpu.memory_space<vmem>> -> memref<128x16xf32, #tpu.memory_space<vmem>>
    %dma_start3A_432 = arith.constant 0 : i32
    %dma_start3A_433 = tpu.memref_slice %arg4[%add3A_428, %dma_start3A_432] : memref<106496x16xf32, #tpu.memory_space<hbm>> -> memref<128x16xf32, #tpu.memory_space<hbm>>
    %dma_start3A_434 = arith.constant 0 : i32
    %dma_start3A_435 = tpu.memref_slice %arg4[%add3A_428, %dma_start3A_434] : memref<106496x16xf32, #tpu.memory_space<hbm>> -> memref<128x16xf32, #tpu.memory_space<hbm>>
    %dma_start3A_436 = arith.constant 896 : i32
    %dma_start3A_437 = arith.constant 0 : i32
    %dma_start3A_438 = tpu.memref_slice %arg6[%dma_start3A_436, %dma_start3A_437] : memref<3328x16xf32, #tpu.memory_space<vmem>> -> memref<128x16xf32, #tpu.memory_space<vmem>>
    tpu.enqueue_dma source(%dma_start3A_438 : memref<128x16xf32, #tpu.memory_space<vmem>>) target(%dma_start3A_435 : memref<128x16xf32, #tpu.memory_space<hbm>>) target_semaphore(%arg8 : memref<!tpu.dma_semaphore, #tpu.memory_space<semaphore_mem>>)
    %dma_wait3A_439 = arith.constant 8 : i32
    %dma_wait3A_440 = arith.constant 1024 : i32
    %dma_wait3A_441 = arith.constant 0 : i32
    %dma_wait3A_442 = tpu.memref_slice %arg6[%dma_wait3A_440, %dma_wait3A_441] : memref<3328x16xf32, #tpu.memory_space<vmem>> -> memref<128x16xf32, #tpu.memory_space<vmem>>
    %dma_wait3A_443 = arith.constant 0 : i32
    %dma_wait3A_444 = tpu.memref_slice %arg5[%dma_wait3A_439, %dma_wait3A_443] : memref<26x128xi32, #tpu.memory_space<vmem>> -> memref<1x128xi32, #tpu.memory_space<vmem>>
    %dma_wait3A_445 = tpu.memref_squeeze %dma_wait3A_444 : memref<1x128xi32, #tpu.memory_space<vmem>> -> memref<128xi32, #tpu.memory_space<vmem>>
    %dma_wait3A_446 = arith.constant 0 : i32
    %dma_wait3A_447 = arith.constant 0 : i32
    %dma_wait3A_448 = tpu.memref_slice %arg3[%dma_wait3A_446, %dma_wait3A_447] : memref<1048576x16xf32, #tpu.memory_space<hbm>> -> memref<1048576x16xf32, #tpu.memory_space<hbm>>
    tpu.wait_indirect_dma semaphore(%arg7 : memref<!tpu.dma_semaphore, #tpu.memory_space<semaphore_mem>>) src(%dma_wait3A_448 : memref<1048576x16xf32, #tpu.memory_space<hbm>>) dst(%dma_wait3A_442 : memref<128x16xf32, #tpu.memory_space<vmem>>)
    %add3A_449 = arith.constant 1024 : i32
    %add3A_450 = arith.addi %mul3A_2, %add3A_449 : i32
    %dma_start3A_451 = arith.constant 1024 : i32
    %dma_start3A_452 = arith.constant 0 : i32
    %dma_start3A_453 = tpu.memref_slice %arg6[%dma_start3A_451, %dma_start3A_452] : memref<3328x16xf32, #tpu.memory_space<vmem>> -> memref<128x16xf32, #tpu.memory_space<vmem>>
    %dma_start3A_454 = arith.constant 0 : i32
    %dma_start3A_455 = tpu.memref_slice %arg4[%add3A_450, %dma_start3A_454] : memref<106496x16xf32, #tpu.memory_space<hbm>> -> memref<128x16xf32, #tpu.memory_space<hbm>>
    %dma_start3A_456 = arith.constant 0 : i32
    %dma_start3A_457 = tpu.memref_slice %arg4[%add3A_450, %dma_start3A_456] : memref<106496x16xf32, #tpu.memory_space<hbm>> -> memref<128x16xf32, #tpu.memory_space<hbm>>
    %dma_start3A_458 = arith.constant 1024 : i32
    %dma_start3A_459 = arith.constant 0 : i32
    %dma_start3A_460 = tpu.memref_slice %arg6[%dma_start3A_458, %dma_start3A_459] : memref<3328x16xf32, #tpu.memory_space<vmem>> -> memref<128x16xf32, #tpu.memory_space<vmem>>
    tpu.enqueue_dma source(%dma_start3A_460 : memref<128x16xf32, #tpu.memory_space<vmem>>) target(%dma_start3A_457 : memref<128x16xf32, #tpu.memory_space<hbm>>) target_semaphore(%arg8 : memref<!tpu.dma_semaphore, #tpu.memory_space<semaphore_mem>>)
    %dma_wait3A_461 = arith.constant 9 : i32
    %dma_wait3A_462 = arith.constant 1152 : i32
    %dma_wait3A_463 = arith.constant 0 : i32
    %dma_wait3A_464 = tpu.memref_slice %arg6[%dma_wait3A_462, %dma_wait3A_463] : memref<3328x16xf32, #tpu.memory_space<vmem>> -> memref<128x16xf32, #tpu.memory_space<vmem>>
    %dma_wait3A_465 = arith.constant 0 : i32
    %dma_wait3A_466 = tpu.memref_slice %arg5[%dma_wait3A_461, %dma_wait3A_465] : memref<26x128xi32, #tpu.memory_space<vmem>> -> memref<1x128xi32, #tpu.memory_space<vmem>>
    %dma_wait3A_467 = tpu.memref_squeeze %dma_wait3A_466 : memref<1x128xi32, #tpu.memory_space<vmem>> -> memref<128xi32, #tpu.memory_space<vmem>>
    %dma_wait3A_468 = arith.constant 0 : i32
    %dma_wait3A_469 = arith.constant 0 : i32
    %dma_wait3A_470 = tpu.memref_slice %arg3[%dma_wait3A_468, %dma_wait3A_469] : memref<1048576x16xf32, #tpu.memory_space<hbm>> -> memref<1048576x16xf32, #tpu.memory_space<hbm>>
    tpu.wait_indirect_dma semaphore(%arg7 : memref<!tpu.dma_semaphore, #tpu.memory_space<semaphore_mem>>) src(%dma_wait3A_470 : memref<1048576x16xf32, #tpu.memory_space<hbm>>) dst(%dma_wait3A_464 : memref<128x16xf32, #tpu.memory_space<vmem>>)
    %add3A_471 = arith.constant 1152 : i32
    %add3A_472 = arith.addi %mul3A_2, %add3A_471 : i32
    %dma_start3A_473 = arith.constant 1152 : i32
    %dma_start3A_474 = arith.constant 0 : i32
    %dma_start3A_475 = tpu.memref_slice %arg6[%dma_start3A_473, %dma_start3A_474] : memref<3328x16xf32, #tpu.memory_space<vmem>> -> memref<128x16xf32, #tpu.memory_space<vmem>>
    %dma_start3A_476 = arith.constant 0 : i32
    %dma_start3A_477 = tpu.memref_slice %arg4[%add3A_472, %dma_start3A_476] : memref<106496x16xf32, #tpu.memory_space<hbm>> -> memref<128x16xf32, #tpu.memory_space<hbm>>
    %dma_start3A_478 = arith.constant 0 : i32
    %dma_start3A_479 = tpu.memref_slice %arg4[%add3A_472, %dma_start3A_478] : memref<106496x16xf32, #tpu.memory_space<hbm>> -> memref<128x16xf32, #tpu.memory_space<hbm>>
    %dma_start3A_480 = arith.constant 1152 : i32
    %dma_start3A_481 = arith.constant 0 : i32
    %dma_start3A_482 = tpu.memref_slice %arg6[%dma_start3A_480, %dma_start3A_481] : memref<3328x16xf32, #tpu.memory_space<vmem>> -> memref<128x16xf32, #tpu.memory_space<vmem>>
    tpu.enqueue_dma source(%dma_start3A_482 : memref<128x16xf32, #tpu.memory_space<vmem>>) target(%dma_start3A_479 : memref<128x16xf32, #tpu.memory_space<hbm>>) target_semaphore(%arg8 : memref<!tpu.dma_semaphore, #tpu.memory_space<semaphore_mem>>)
    %dma_wait3A_483 = arith.constant 10 : i32
    %dma_wait3A_484 = arith.constant 1280 : i32
    %dma_wait3A_485 = arith.constant 0 : i32
    %dma_wait3A_486 = tpu.memref_slice %arg6[%dma_wait3A_484, %dma_wait3A_485] : memref<3328x16xf32, #tpu.memory_space<vmem>> -> memref<128x16xf32, #tpu.memory_space<vmem>>
    %dma_wait3A_487 = arith.constant 0 : i32
    %dma_wait3A_488 = tpu.memref_slice %arg5[%dma_wait3A_483, %dma_wait3A_487] : memref<26x128xi32, #tpu.memory_space<vmem>> -> memref<1x128xi32, #tpu.memory_space<vmem>>
    %dma_wait3A_489 = tpu.memref_squeeze %dma_wait3A_488 : memref<1x128xi32, #tpu.memory_space<vmem>> -> memref<128xi32, #tpu.memory_space<vmem>>
    %dma_wait3A_490 = arith.constant 0 : i32
    %dma_wait3A_491 = arith.constant 0 : i32
    %dma_wait3A_492 = tpu.memref_slice %arg3[%dma_wait3A_490, %dma_wait3A_491] : memref<1048576x16xf32, #tpu.memory_space<hbm>> -> memref<1048576x16xf32, #tpu.memory_space<hbm>>
    tpu.wait_indirect_dma semaphore(%arg7 : memref<!tpu.dma_semaphore, #tpu.memory_space<semaphore_mem>>) src(%dma_wait3A_492 : memref<1048576x16xf32, #tpu.memory_space<hbm>>) dst(%dma_wait3A_486 : memref<128x16xf32, #tpu.memory_space<vmem>>)
    %add3A_493 = arith.constant 1280 : i32
    %add3A_494 = arith.addi %mul3A_2, %add3A_493 : i32
    %dma_start3A_495 = arith.constant 1280 : i32
    %dma_start3A_496 = arith.constant 0 : i32
    %dma_start3A_497 = tpu.memref_slice %arg6[%dma_start3A_495, %dma_start3A_496] : memref<3328x16xf32, #tpu.memory_space<vmem>> -> memref<128x16xf32, #tpu.memory_space<vmem>>
    %dma_start3A_498 = arith.constant 0 : i32
    %dma_start3A_499 = tpu.memref_slice %arg4[%add3A_494, %dma_start3A_498] : memref<106496x16xf32, #tpu.memory_space<hbm>> -> memref<128x16xf32, #tpu.memory_space<hbm>>
    %dma_start3A_500 = arith.constant 0 : i32
    %dma_start3A_501 = tpu.memref_slice %arg4[%add3A_494, %dma_start3A_500] : memref<106496x16xf32, #tpu.memory_space<hbm>> -> memref<128x16xf32, #tpu.memory_space<hbm>>
    %dma_start3A_502 = arith.constant 1280 : i32
    %dma_start3A_503 = arith.constant 0 : i32
    %dma_start3A_504 = tpu.memref_slice %arg6[%dma_start3A_502, %dma_start3A_503] : memref<3328x16xf32, #tpu.memory_space<vmem>> -> memref<128x16xf32, #tpu.memory_space<vmem>>
    tpu.enqueue_dma source(%dma_start3A_504 : memref<128x16xf32, #tpu.memory_space<vmem>>) target(%dma_start3A_501 : memref<128x16xf32, #tpu.memory_space<hbm>>) target_semaphore(%arg8 : memref<!tpu.dma_semaphore, #tpu.memory_space<semaphore_mem>>)
    %dma_wait3A_505 = arith.constant 11 : i32
    %dma_wait3A_506 = arith.constant 1408 : i32
    %dma_wait3A_507 = arith.constant 0 : i32
    %dma_wait3A_508 = tpu.memref_slice %arg6[%dma_wait3A_506, %dma_wait3A_507] : memref<3328x16xf32, #tpu.memory_space<vmem>> -> memref<128x16xf32, #tpu.memory_space<vmem>>
    %dma_wait3A_509 = arith.constant 0 : i32
    %dma_wait3A_510 = tpu.memref_slice %arg5[%dma_wait3A_505, %dma_wait3A_509] : memref<26x128xi32, #tpu.memory_space<vmem>> -> memref<1x128xi32, #tpu.memory_space<vmem>>
    %dma_wait3A_511 = tpu.memref_squeeze %dma_wait3A_510 : memref<1x128xi32, #tpu.memory_space<vmem>> -> memref<128xi32, #tpu.memory_space<vmem>>
    %dma_wait3A_512 = arith.constant 0 : i32
    %dma_wait3A_513 = arith.constant 0 : i32
    %dma_wait3A_514 = tpu.memref_slice %arg3[%dma_wait3A_512, %dma_wait3A_513] : memref<1048576x16xf32, #tpu.memory_space<hbm>> -> memref<1048576x16xf32, #tpu.memory_space<hbm>>
    tpu.wait_indirect_dma semaphore(%arg7 : memref<!tpu.dma_semaphore, #tpu.memory_space<semaphore_mem>>) src(%dma_wait3A_514 : memref<1048576x16xf32, #tpu.memory_space<hbm>>) dst(%dma_wait3A_508 : memref<128x16xf32, #tpu.memory_space<vmem>>)
    %add3A_515 = arith.constant 1408 : i32
    %add3A_516 = arith.addi %mul3A_2, %add3A_515 : i32
    %dma_start3A_517 = arith.constant 1408 : i32
    %dma_start3A_518 = arith.constant 0 : i32
    %dma_start3A_519 = tpu.memref_slice %arg6[%dma_start3A_517, %dma_start3A_518] : memref<3328x16xf32, #tpu.memory_space<vmem>> -> memref<128x16xf32, #tpu.memory_space<vmem>>
    %dma_start3A_520 = arith.constant 0 : i32
    %dma_start3A_521 = tpu.memref_slice %arg4[%add3A_516, %dma_start3A_520] : memref<106496x16xf32, #tpu.memory_space<hbm>> -> memref<128x16xf32, #tpu.memory_space<hbm>>
    %dma_start3A_522 = arith.constant 0 : i32
    %dma_start3A_523 = tpu.memref_slice %arg4[%add3A_516, %dma_start3A_522] : memref<106496x16xf32, #tpu.memory_space<hbm>> -> memref<128x16xf32, #tpu.memory_space<hbm>>
    %dma_start3A_524 = arith.constant 1408 : i32
    %dma_start3A_525 = arith.constant 0 : i32
    %dma_start3A_526 = tpu.memref_slice %arg6[%dma_start3A_524, %dma_start3A_525] : memref<3328x16xf32, #tpu.memory_space<vmem>> -> memref<128x16xf32, #tpu.memory_space<vmem>>
    tpu.enqueue_dma source(%dma_start3A_526 : memref<128x16xf32, #tpu.memory_space<vmem>>) target(%dma_start3A_523 : memref<128x16xf32, #tpu.memory_space<hbm>>) target_semaphore(%arg8 : memref<!tpu.dma_semaphore, #tpu.memory_space<semaphore_mem>>)
    %dma_wait3A_527 = arith.constant 12 : i32
    %dma_wait3A_528 = arith.constant 1536 : i32
    %dma_wait3A_529 = arith.constant 0 : i32
    %dma_wait3A_530 = tpu.memref_slice %arg6[%dma_wait3A_528, %dma_wait3A_529] : memref<3328x16xf32, #tpu.memory_space<vmem>> -> memref<128x16xf32, #tpu.memory_space<vmem>>
    %dma_wait3A_531 = arith.constant 0 : i32
    %dma_wait3A_532 = tpu.memref_slice %arg5[%dma_wait3A_527, %dma_wait3A_531] : memref<26x128xi32, #tpu.memory_space<vmem>> -> memref<1x128xi32, #tpu.memory_space<vmem>>
    %dma_wait3A_533 = tpu.memref_squeeze %dma_wait3A_532 : memref<1x128xi32, #tpu.memory_space<vmem>> -> memref<128xi32, #tpu.memory_space<vmem>>
    %dma_wait3A_534 = arith.constant 0 : i32
    %dma_wait3A_535 = arith.constant 0 : i32
    %dma_wait3A_536 = tpu.memref_slice %arg3[%dma_wait3A_534, %dma_wait3A_535] : memref<1048576x16xf32, #tpu.memory_space<hbm>> -> memref<1048576x16xf32, #tpu.memory_space<hbm>>
    tpu.wait_indirect_dma semaphore(%arg7 : memref<!tpu.dma_semaphore, #tpu.memory_space<semaphore_mem>>) src(%dma_wait3A_536 : memref<1048576x16xf32, #tpu.memory_space<hbm>>) dst(%dma_wait3A_530 : memref<128x16xf32, #tpu.memory_space<vmem>>)
    %add3A_537 = arith.constant 1536 : i32
    %add3A_538 = arith.addi %mul3A_2, %add3A_537 : i32
    %dma_start3A_539 = arith.constant 1536 : i32
    %dma_start3A_540 = arith.constant 0 : i32
    %dma_start3A_541 = tpu.memref_slice %arg6[%dma_start3A_539, %dma_start3A_540] : memref<3328x16xf32, #tpu.memory_space<vmem>> -> memref<128x16xf32, #tpu.memory_space<vmem>>
    %dma_start3A_542 = arith.constant 0 : i32
    %dma_start3A_543 = tpu.memref_slice %arg4[%add3A_538, %dma_start3A_542] : memref<106496x16xf32, #tpu.memory_space<hbm>> -> memref<128x16xf32, #tpu.memory_space<hbm>>
    %dma_start3A_544 = arith.constant 0 : i32
    %dma_start3A_545 = tpu.memref_slice %arg4[%add3A_538, %dma_start3A_544] : memref<106496x16xf32, #tpu.memory_space<hbm>> -> memref<128x16xf32, #tpu.memory_space<hbm>>
    %dma_start3A_546 = arith.constant 1536 : i32
    %dma_start3A_547 = arith.constant 0 : i32
    %dma_start3A_548 = tpu.memref_slice %arg6[%dma_start3A_546, %dma_start3A_547] : memref<3328x16xf32, #tpu.memory_space<vmem>> -> memref<128x16xf32, #tpu.memory_space<vmem>>
    tpu.enqueue_dma source(%dma_start3A_548 : memref<128x16xf32, #tpu.memory_space<vmem>>) target(%dma_start3A_545 : memref<128x16xf32, #tpu.memory_space<hbm>>) target_semaphore(%arg8 : memref<!tpu.dma_semaphore, #tpu.memory_space<semaphore_mem>>)
    %dma_wait3A_549 = arith.constant 13 : i32
    %dma_wait3A_550 = arith.constant 1664 : i32
    %dma_wait3A_551 = arith.constant 0 : i32
    %dma_wait3A_552 = tpu.memref_slice %arg6[%dma_wait3A_550, %dma_wait3A_551] : memref<3328x16xf32, #tpu.memory_space<vmem>> -> memref<128x16xf32, #tpu.memory_space<vmem>>
    %dma_wait3A_553 = arith.constant 0 : i32
    %dma_wait3A_554 = tpu.memref_slice %arg5[%dma_wait3A_549, %dma_wait3A_553] : memref<26x128xi32, #tpu.memory_space<vmem>> -> memref<1x128xi32, #tpu.memory_space<vmem>>
    %dma_wait3A_555 = tpu.memref_squeeze %dma_wait3A_554 : memref<1x128xi32, #tpu.memory_space<vmem>> -> memref<128xi32, #tpu.memory_space<vmem>>
    %dma_wait3A_556 = arith.constant 0 : i32
    %dma_wait3A_557 = arith.constant 0 : i32
    %dma_wait3A_558 = tpu.memref_slice %arg3[%dma_wait3A_556, %dma_wait3A_557] : memref<1048576x16xf32, #tpu.memory_space<hbm>> -> memref<1048576x16xf32, #tpu.memory_space<hbm>>
    tpu.wait_indirect_dma semaphore(%arg7 : memref<!tpu.dma_semaphore, #tpu.memory_space<semaphore_mem>>) src(%dma_wait3A_558 : memref<1048576x16xf32, #tpu.memory_space<hbm>>) dst(%dma_wait3A_552 : memref<128x16xf32, #tpu.memory_space<vmem>>)
    %add3A_559 = arith.constant 1664 : i32
    %add3A_560 = arith.addi %mul3A_2, %add3A_559 : i32
    %dma_start3A_561 = arith.constant 1664 : i32
    %dma_start3A_562 = arith.constant 0 : i32
    %dma_start3A_563 = tpu.memref_slice %arg6[%dma_start3A_561, %dma_start3A_562] : memref<3328x16xf32, #tpu.memory_space<vmem>> -> memref<128x16xf32, #tpu.memory_space<vmem>>
    %dma_start3A_564 = arith.constant 0 : i32
    %dma_start3A_565 = tpu.memref_slice %arg4[%add3A_560, %dma_start3A_564] : memref<106496x16xf32, #tpu.memory_space<hbm>> -> memref<128x16xf32, #tpu.memory_space<hbm>>
    %dma_start3A_566 = arith.constant 0 : i32
    %dma_start3A_567 = tpu.memref_slice %arg4[%add3A_560, %dma_start3A_566] : memref<106496x16xf32, #tpu.memory_space<hbm>> -> memref<128x16xf32, #tpu.memory_space<hbm>>
    %dma_start3A_568 = arith.constant 1664 : i32
    %dma_start3A_569 = arith.constant 0 : i32
    %dma_start3A_570 = tpu.memref_slice %arg6[%dma_start3A_568, %dma_start3A_569] : memref<3328x16xf32, #tpu.memory_space<vmem>> -> memref<128x16xf32, #tpu.memory_space<vmem>>
    tpu.enqueue_dma source(%dma_start3A_570 : memref<128x16xf32, #tpu.memory_space<vmem>>) target(%dma_start3A_567 : memref<128x16xf32, #tpu.memory_space<hbm>>) target_semaphore(%arg8 : memref<!tpu.dma_semaphore, #tpu.memory_space<semaphore_mem>>)
    %dma_wait3A_571 = arith.constant 14 : i32
    %dma_wait3A_572 = arith.constant 1792 : i32
    %dma_wait3A_573 = arith.constant 0 : i32
    %dma_wait3A_574 = tpu.memref_slice %arg6[%dma_wait3A_572, %dma_wait3A_573] : memref<3328x16xf32, #tpu.memory_space<vmem>> -> memref<128x16xf32, #tpu.memory_space<vmem>>
    %dma_wait3A_575 = arith.constant 0 : i32
    %dma_wait3A_576 = tpu.memref_slice %arg5[%dma_wait3A_571, %dma_wait3A_575] : memref<26x128xi32, #tpu.memory_space<vmem>> -> memref<1x128xi32, #tpu.memory_space<vmem>>
    %dma_wait3A_577 = tpu.memref_squeeze %dma_wait3A_576 : memref<1x128xi32, #tpu.memory_space<vmem>> -> memref<128xi32, #tpu.memory_space<vmem>>
    %dma_wait3A_578 = arith.constant 0 : i32
    %dma_wait3A_579 = arith.constant 0 : i32
    %dma_wait3A_580 = tpu.memref_slice %arg3[%dma_wait3A_578, %dma_wait3A_579] : memref<1048576x16xf32, #tpu.memory_space<hbm>> -> memref<1048576x16xf32, #tpu.memory_space<hbm>>
    tpu.wait_indirect_dma semaphore(%arg7 : memref<!tpu.dma_semaphore, #tpu.memory_space<semaphore_mem>>) src(%dma_wait3A_580 : memref<1048576x16xf32, #tpu.memory_space<hbm>>) dst(%dma_wait3A_574 : memref<128x16xf32, #tpu.memory_space<vmem>>)
    %add3A_581 = arith.constant 1792 : i32
    %add3A_582 = arith.addi %mul3A_2, %add3A_581 : i32
    %dma_start3A_583 = arith.constant 1792 : i32
    %dma_start3A_584 = arith.constant 0 : i32
    %dma_start3A_585 = tpu.memref_slice %arg6[%dma_start3A_583, %dma_start3A_584] : memref<3328x16xf32, #tpu.memory_space<vmem>> -> memref<128x16xf32, #tpu.memory_space<vmem>>
    %dma_start3A_586 = arith.constant 0 : i32
    %dma_start3A_587 = tpu.memref_slice %arg4[%add3A_582, %dma_start3A_586] : memref<106496x16xf32, #tpu.memory_space<hbm>> -> memref<128x16xf32, #tpu.memory_space<hbm>>
    %dma_start3A_588 = arith.constant 0 : i32
    %dma_start3A_589 = tpu.memref_slice %arg4[%add3A_582, %dma_start3A_588] : memref<106496x16xf32, #tpu.memory_space<hbm>> -> memref<128x16xf32, #tpu.memory_space<hbm>>
    %dma_start3A_590 = arith.constant 1792 : i32
    %dma_start3A_591 = arith.constant 0 : i32
    %dma_start3A_592 = tpu.memref_slice %arg6[%dma_start3A_590, %dma_start3A_591] : memref<3328x16xf32, #tpu.memory_space<vmem>> -> memref<128x16xf32, #tpu.memory_space<vmem>>
    tpu.enqueue_dma source(%dma_start3A_592 : memref<128x16xf32, #tpu.memory_space<vmem>>) target(%dma_start3A_589 : memref<128x16xf32, #tpu.memory_space<hbm>>) target_semaphore(%arg8 : memref<!tpu.dma_semaphore, #tpu.memory_space<semaphore_mem>>)
    %dma_wait3A_593 = arith.constant 15 : i32
    %dma_wait3A_594 = arith.constant 1920 : i32
    %dma_wait3A_595 = arith.constant 0 : i32
    %dma_wait3A_596 = tpu.memref_slice %arg6[%dma_wait3A_594, %dma_wait3A_595] : memref<3328x16xf32, #tpu.memory_space<vmem>> -> memref<128x16xf32, #tpu.memory_space<vmem>>
    %dma_wait3A_597 = arith.constant 0 : i32
    %dma_wait3A_598 = tpu.memref_slice %arg5[%dma_wait3A_593, %dma_wait3A_597] : memref<26x128xi32, #tpu.memory_space<vmem>> -> memref<1x128xi32, #tpu.memory_space<vmem>>
    %dma_wait3A_599 = tpu.memref_squeeze %dma_wait3A_598 : memref<1x128xi32, #tpu.memory_space<vmem>> -> memref<128xi32, #tpu.memory_space<vmem>>
    %dma_wait3A_600 = arith.constant 0 : i32
    %dma_wait3A_601 = arith.constant 0 : i32
    %dma_wait3A_602 = tpu.memref_slice %arg3[%dma_wait3A_600, %dma_wait3A_601] : memref<1048576x16xf32, #tpu.memory_space<hbm>> -> memref<1048576x16xf32, #tpu.memory_space<hbm>>
    tpu.wait_indirect_dma semaphore(%arg7 : memref<!tpu.dma_semaphore, #tpu.memory_space<semaphore_mem>>) src(%dma_wait3A_602 : memref<1048576x16xf32, #tpu.memory_space<hbm>>) dst(%dma_wait3A_596 : memref<128x16xf32, #tpu.memory_space<vmem>>)
    %add3A_603 = arith.constant 1920 : i32
    %add3A_604 = arith.addi %mul3A_2, %add3A_603 : i32
    %dma_start3A_605 = arith.constant 1920 : i32
    %dma_start3A_606 = arith.constant 0 : i32
    %dma_start3A_607 = tpu.memref_slice %arg6[%dma_start3A_605, %dma_start3A_606] : memref<3328x16xf32, #tpu.memory_space<vmem>> -> memref<128x16xf32, #tpu.memory_space<vmem>>
    %dma_start3A_608 = arith.constant 0 : i32
    %dma_start3A_609 = tpu.memref_slice %arg4[%add3A_604, %dma_start3A_608] : memref<106496x16xf32, #tpu.memory_space<hbm>> -> memref<128x16xf32, #tpu.memory_space<hbm>>
    %dma_start3A_610 = arith.constant 0 : i32
    %dma_start3A_611 = tpu.memref_slice %arg4[%add3A_604, %dma_start3A_610] : memref<106496x16xf32, #tpu.memory_space<hbm>> -> memref<128x16xf32, #tpu.memory_space<hbm>>
    %dma_start3A_612 = arith.constant 1920 : i32
    %dma_start3A_613 = arith.constant 0 : i32
    %dma_start3A_614 = tpu.memref_slice %arg6[%dma_start3A_612, %dma_start3A_613] : memref<3328x16xf32, #tpu.memory_space<vmem>> -> memref<128x16xf32, #tpu.memory_space<vmem>>
    tpu.enqueue_dma source(%dma_start3A_614 : memref<128x16xf32, #tpu.memory_space<vmem>>) target(%dma_start3A_611 : memref<128x16xf32, #tpu.memory_space<hbm>>) target_semaphore(%arg8 : memref<!tpu.dma_semaphore, #tpu.memory_space<semaphore_mem>>)
    %dma_wait3A_615 = arith.constant 16 : i32
    %dma_wait3A_616 = arith.constant 2048 : i32
    %dma_wait3A_617 = arith.constant 0 : i32
    %dma_wait3A_618 = tpu.memref_slice %arg6[%dma_wait3A_616, %dma_wait3A_617] : memref<3328x16xf32, #tpu.memory_space<vmem>> -> memref<128x16xf32, #tpu.memory_space<vmem>>
    %dma_wait3A_619 = arith.constant 0 : i32
    %dma_wait3A_620 = tpu.memref_slice %arg5[%dma_wait3A_615, %dma_wait3A_619] : memref<26x128xi32, #tpu.memory_space<vmem>> -> memref<1x128xi32, #tpu.memory_space<vmem>>
    %dma_wait3A_621 = tpu.memref_squeeze %dma_wait3A_620 : memref<1x128xi32, #tpu.memory_space<vmem>> -> memref<128xi32, #tpu.memory_space<vmem>>
    %dma_wait3A_622 = arith.constant 0 : i32
    %dma_wait3A_623 = arith.constant 0 : i32
    %dma_wait3A_624 = tpu.memref_slice %arg3[%dma_wait3A_622, %dma_wait3A_623] : memref<1048576x16xf32, #tpu.memory_space<hbm>> -> memref<1048576x16xf32, #tpu.memory_space<hbm>>
    tpu.wait_indirect_dma semaphore(%arg7 : memref<!tpu.dma_semaphore, #tpu.memory_space<semaphore_mem>>) src(%dma_wait3A_624 : memref<1048576x16xf32, #tpu.memory_space<hbm>>) dst(%dma_wait3A_618 : memref<128x16xf32, #tpu.memory_space<vmem>>)
    %add3A_625 = arith.constant 2048 : i32
    %add3A_626 = arith.addi %mul3A_2, %add3A_625 : i32
    %dma_start3A_627 = arith.constant 2048 : i32
    %dma_start3A_628 = arith.constant 0 : i32
    %dma_start3A_629 = tpu.memref_slice %arg6[%dma_start3A_627, %dma_start3A_628] : memref<3328x16xf32, #tpu.memory_space<vmem>> -> memref<128x16xf32, #tpu.memory_space<vmem>>
    %dma_start3A_630 = arith.constant 0 : i32
    %dma_start3A_631 = tpu.memref_slice %arg4[%add3A_626, %dma_start3A_630] : memref<106496x16xf32, #tpu.memory_space<hbm>> -> memref<128x16xf32, #tpu.memory_space<hbm>>
    %dma_start3A_632 = arith.constant 0 : i32
    %dma_start3A_633 = tpu.memref_slice %arg4[%add3A_626, %dma_start3A_632] : memref<106496x16xf32, #tpu.memory_space<hbm>> -> memref<128x16xf32, #tpu.memory_space<hbm>>
    %dma_start3A_634 = arith.constant 2048 : i32
    %dma_start3A_635 = arith.constant 0 : i32
    %dma_start3A_636 = tpu.memref_slice %arg6[%dma_start3A_634, %dma_start3A_635] : memref<3328x16xf32, #tpu.memory_space<vmem>> -> memref<128x16xf32, #tpu.memory_space<vmem>>
    tpu.enqueue_dma source(%dma_start3A_636 : memref<128x16xf32, #tpu.memory_space<vmem>>) target(%dma_start3A_633 : memref<128x16xf32, #tpu.memory_space<hbm>>) target_semaphore(%arg8 : memref<!tpu.dma_semaphore, #tpu.memory_space<semaphore_mem>>)
    %dma_wait3A_637 = arith.constant 17 : i32
    %dma_wait3A_638 = arith.constant 2176 : i32
    %dma_wait3A_639 = arith.constant 0 : i32
    %dma_wait3A_640 = tpu.memref_slice %arg6[%dma_wait3A_638, %dma_wait3A_639] : memref<3328x16xf32, #tpu.memory_space<vmem>> -> memref<128x16xf32, #tpu.memory_space<vmem>>
    %dma_wait3A_641 = arith.constant 0 : i32
    %dma_wait3A_642 = tpu.memref_slice %arg5[%dma_wait3A_637, %dma_wait3A_641] : memref<26x128xi32, #tpu.memory_space<vmem>> -> memref<1x128xi32, #tpu.memory_space<vmem>>
    %dma_wait3A_643 = tpu.memref_squeeze %dma_wait3A_642 : memref<1x128xi32, #tpu.memory_space<vmem>> -> memref<128xi32, #tpu.memory_space<vmem>>
    %dma_wait3A_644 = arith.constant 0 : i32
    %dma_wait3A_645 = arith.constant 0 : i32
    %dma_wait3A_646 = tpu.memref_slice %arg3[%dma_wait3A_644, %dma_wait3A_645] : memref<1048576x16xf32, #tpu.memory_space<hbm>> -> memref<1048576x16xf32, #tpu.memory_space<hbm>>
    tpu.wait_indirect_dma semaphore(%arg7 : memref<!tpu.dma_semaphore, #tpu.memory_space<semaphore_mem>>) src(%dma_wait3A_646 : memref<1048576x16xf32, #tpu.memory_space<hbm>>) dst(%dma_wait3A_640 : memref<128x16xf32, #tpu.memory_space<vmem>>)
    %add3A_647 = arith.constant 2176 : i32
    %add3A_648 = arith.addi %mul3A_2, %add3A_647 : i32
    %dma_start3A_649 = arith.constant 2176 : i32
    %dma_start3A_650 = arith.constant 0 : i32
    %dma_start3A_651 = tpu.memref_slice %arg6[%dma_start3A_649, %dma_start3A_650] : memref<3328x16xf32, #tpu.memory_space<vmem>> -> memref<128x16xf32, #tpu.memory_space<vmem>>
    %dma_start3A_652 = arith.constant 0 : i32
    %dma_start3A_653 = tpu.memref_slice %arg4[%add3A_648, %dma_start3A_652] : memref<106496x16xf32, #tpu.memory_space<hbm>> -> memref<128x16xf32, #tpu.memory_space<hbm>>
    %dma_start3A_654 = arith.constant 0 : i32
    %dma_start3A_655 = tpu.memref_slice %arg4[%add3A_648, %dma_start3A_654] : memref<106496x16xf32, #tpu.memory_space<hbm>> -> memref<128x16xf32, #tpu.memory_space<hbm>>
    %dma_start3A_656 = arith.constant 2176 : i32
    %dma_start3A_657 = arith.constant 0 : i32
    %dma_start3A_658 = tpu.memref_slice %arg6[%dma_start3A_656, %dma_start3A_657] : memref<3328x16xf32, #tpu.memory_space<vmem>> -> memref<128x16xf32, #tpu.memory_space<vmem>>
    tpu.enqueue_dma source(%dma_start3A_658 : memref<128x16xf32, #tpu.memory_space<vmem>>) target(%dma_start3A_655 : memref<128x16xf32, #tpu.memory_space<hbm>>) target_semaphore(%arg8 : memref<!tpu.dma_semaphore, #tpu.memory_space<semaphore_mem>>)
    %dma_wait3A_659 = arith.constant 18 : i32
    %dma_wait3A_660 = arith.constant 2304 : i32
    %dma_wait3A_661 = arith.constant 0 : i32
    %dma_wait3A_662 = tpu.memref_slice %arg6[%dma_wait3A_660, %dma_wait3A_661] : memref<3328x16xf32, #tpu.memory_space<vmem>> -> memref<128x16xf32, #tpu.memory_space<vmem>>
    %dma_wait3A_663 = arith.constant 0 : i32
    %dma_wait3A_664 = tpu.memref_slice %arg5[%dma_wait3A_659, %dma_wait3A_663] : memref<26x128xi32, #tpu.memory_space<vmem>> -> memref<1x128xi32, #tpu.memory_space<vmem>>
    %dma_wait3A_665 = tpu.memref_squeeze %dma_wait3A_664 : memref<1x128xi32, #tpu.memory_space<vmem>> -> memref<128xi32, #tpu.memory_space<vmem>>
    %dma_wait3A_666 = arith.constant 0 : i32
    %dma_wait3A_667 = arith.constant 0 : i32
    %dma_wait3A_668 = tpu.memref_slice %arg3[%dma_wait3A_666, %dma_wait3A_667] : memref<1048576x16xf32, #tpu.memory_space<hbm>> -> memref<1048576x16xf32, #tpu.memory_space<hbm>>
    tpu.wait_indirect_dma semaphore(%arg7 : memref<!tpu.dma_semaphore, #tpu.memory_space<semaphore_mem>>) src(%dma_wait3A_668 : memref<1048576x16xf32, #tpu.memory_space<hbm>>) dst(%dma_wait3A_662 : memref<128x16xf32, #tpu.memory_space<vmem>>)
    %add3A_669 = arith.constant 2304 : i32
    %add3A_670 = arith.addi %mul3A_2, %add3A_669 : i32
    %dma_start3A_671 = arith.constant 2304 : i32
    %dma_start3A_672 = arith.constant 0 : i32
    %dma_start3A_673 = tpu.memref_slice %arg6[%dma_start3A_671, %dma_start3A_672] : memref<3328x16xf32, #tpu.memory_space<vmem>> -> memref<128x16xf32, #tpu.memory_space<vmem>>
    %dma_start3A_674 = arith.constant 0 : i32
    %dma_start3A_675 = tpu.memref_slice %arg4[%add3A_670, %dma_start3A_674] : memref<106496x16xf32, #tpu.memory_space<hbm>> -> memref<128x16xf32, #tpu.memory_space<hbm>>
    %dma_start3A_676 = arith.constant 0 : i32
    %dma_start3A_677 = tpu.memref_slice %arg4[%add3A_670, %dma_start3A_676] : memref<106496x16xf32, #tpu.memory_space<hbm>> -> memref<128x16xf32, #tpu.memory_space<hbm>>
    %dma_start3A_678 = arith.constant 2304 : i32
    %dma_start3A_679 = arith.constant 0 : i32
    %dma_start3A_680 = tpu.memref_slice %arg6[%dma_start3A_678, %dma_start3A_679] : memref<3328x16xf32, #tpu.memory_space<vmem>> -> memref<128x16xf32, #tpu.memory_space<vmem>>
    tpu.enqueue_dma source(%dma_start3A_680 : memref<128x16xf32, #tpu.memory_space<vmem>>) target(%dma_start3A_677 : memref<128x16xf32, #tpu.memory_space<hbm>>) target_semaphore(%arg8 : memref<!tpu.dma_semaphore, #tpu.memory_space<semaphore_mem>>)
    %dma_wait3A_681 = arith.constant 19 : i32
    %dma_wait3A_682 = arith.constant 2432 : i32
    %dma_wait3A_683 = arith.constant 0 : i32
    %dma_wait3A_684 = tpu.memref_slice %arg6[%dma_wait3A_682, %dma_wait3A_683] : memref<3328x16xf32, #tpu.memory_space<vmem>> -> memref<128x16xf32, #tpu.memory_space<vmem>>
    %dma_wait3A_685 = arith.constant 0 : i32
    %dma_wait3A_686 = tpu.memref_slice %arg5[%dma_wait3A_681, %dma_wait3A_685] : memref<26x128xi32, #tpu.memory_space<vmem>> -> memref<1x128xi32, #tpu.memory_space<vmem>>
    %dma_wait3A_687 = tpu.memref_squeeze %dma_wait3A_686 : memref<1x128xi32, #tpu.memory_space<vmem>> -> memref<128xi32, #tpu.memory_space<vmem>>
    %dma_wait3A_688 = arith.constant 0 : i32
    %dma_wait3A_689 = arith.constant 0 : i32
    %dma_wait3A_690 = tpu.memref_slice %arg3[%dma_wait3A_688, %dma_wait3A_689] : memref<1048576x16xf32, #tpu.memory_space<hbm>> -> memref<1048576x16xf32, #tpu.memory_space<hbm>>
    tpu.wait_indirect_dma semaphore(%arg7 : memref<!tpu.dma_semaphore, #tpu.memory_space<semaphore_mem>>) src(%dma_wait3A_690 : memref<1048576x16xf32, #tpu.memory_space<hbm>>) dst(%dma_wait3A_684 : memref<128x16xf32, #tpu.memory_space<vmem>>)
    %add3A_691 = arith.constant 2432 : i32
    %add3A_692 = arith.addi %mul3A_2, %add3A_691 : i32
    %dma_start3A_693 = arith.constant 2432 : i32
    %dma_start3A_694 = arith.constant 0 : i32
    %dma_start3A_695 = tpu.memref_slice %arg6[%dma_start3A_693, %dma_start3A_694] : memref<3328x16xf32, #tpu.memory_space<vmem>> -> memref<128x16xf32, #tpu.memory_space<vmem>>
    %dma_start3A_696 = arith.constant 0 : i32
    %dma_start3A_697 = tpu.memref_slice %arg4[%add3A_692, %dma_start3A_696] : memref<106496x16xf32, #tpu.memory_space<hbm>> -> memref<128x16xf32, #tpu.memory_space<hbm>>
    %dma_start3A_698 = arith.constant 0 : i32
    %dma_start3A_699 = tpu.memref_slice %arg4[%add3A_692, %dma_start3A_698] : memref<106496x16xf32, #tpu.memory_space<hbm>> -> memref<128x16xf32, #tpu.memory_space<hbm>>
    %dma_start3A_700 = arith.constant 2432 : i32
    %dma_start3A_701 = arith.constant 0 : i32
    %dma_start3A_702 = tpu.memref_slice %arg6[%dma_start3A_700, %dma_start3A_701] : memref<3328x16xf32, #tpu.memory_space<vmem>> -> memref<128x16xf32, #tpu.memory_space<vmem>>
    tpu.enqueue_dma source(%dma_start3A_702 : memref<128x16xf32, #tpu.memory_space<vmem>>) target(%dma_start3A_699 : memref<128x16xf32, #tpu.memory_space<hbm>>) target_semaphore(%arg8 : memref<!tpu.dma_semaphore, #tpu.memory_space<semaphore_mem>>)
    %dma_wait3A_703 = arith.constant 20 : i32
    %dma_wait3A_704 = arith.constant 2560 : i32
    %dma_wait3A_705 = arith.constant 0 : i32
    %dma_wait3A_706 = tpu.memref_slice %arg6[%dma_wait3A_704, %dma_wait3A_705] : memref<3328x16xf32, #tpu.memory_space<vmem>> -> memref<128x16xf32, #tpu.memory_space<vmem>>
    %dma_wait3A_707 = arith.constant 0 : i32
    %dma_wait3A_708 = tpu.memref_slice %arg5[%dma_wait3A_703, %dma_wait3A_707] : memref<26x128xi32, #tpu.memory_space<vmem>> -> memref<1x128xi32, #tpu.memory_space<vmem>>
    %dma_wait3A_709 = tpu.memref_squeeze %dma_wait3A_708 : memref<1x128xi32, #tpu.memory_space<vmem>> -> memref<128xi32, #tpu.memory_space<vmem>>
    %dma_wait3A_710 = arith.constant 0 : i32
    %dma_wait3A_711 = arith.constant 0 : i32
    %dma_wait3A_712 = tpu.memref_slice %arg3[%dma_wait3A_710, %dma_wait3A_711] : memref<1048576x16xf32, #tpu.memory_space<hbm>> -> memref<1048576x16xf32, #tpu.memory_space<hbm>>
    tpu.wait_indirect_dma semaphore(%arg7 : memref<!tpu.dma_semaphore, #tpu.memory_space<semaphore_mem>>) src(%dma_wait3A_712 : memref<1048576x16xf32, #tpu.memory_space<hbm>>) dst(%dma_wait3A_706 : memref<128x16xf32, #tpu.memory_space<vmem>>)
    %add3A_713 = arith.constant 2560 : i32
    %add3A_714 = arith.addi %mul3A_2, %add3A_713 : i32
    %dma_start3A_715 = arith.constant 2560 : i32
    %dma_start3A_716 = arith.constant 0 : i32
    %dma_start3A_717 = tpu.memref_slice %arg6[%dma_start3A_715, %dma_start3A_716] : memref<3328x16xf32, #tpu.memory_space<vmem>> -> memref<128x16xf32, #tpu.memory_space<vmem>>
    %dma_start3A_718 = arith.constant 0 : i32
    %dma_start3A_719 = tpu.memref_slice %arg4[%add3A_714, %dma_start3A_718] : memref<106496x16xf32, #tpu.memory_space<hbm>> -> memref<128x16xf32, #tpu.memory_space<hbm>>
    %dma_start3A_720 = arith.constant 0 : i32
    %dma_start3A_721 = tpu.memref_slice %arg4[%add3A_714, %dma_start3A_720] : memref<106496x16xf32, #tpu.memory_space<hbm>> -> memref<128x16xf32, #tpu.memory_space<hbm>>
    %dma_start3A_722 = arith.constant 2560 : i32
    %dma_start3A_723 = arith.constant 0 : i32
    %dma_start3A_724 = tpu.memref_slice %arg6[%dma_start3A_722, %dma_start3A_723] : memref<3328x16xf32, #tpu.memory_space<vmem>> -> memref<128x16xf32, #tpu.memory_space<vmem>>
    tpu.enqueue_dma source(%dma_start3A_724 : memref<128x16xf32, #tpu.memory_space<vmem>>) target(%dma_start3A_721 : memref<128x16xf32, #tpu.memory_space<hbm>>) target_semaphore(%arg8 : memref<!tpu.dma_semaphore, #tpu.memory_space<semaphore_mem>>)
    %dma_wait3A_725 = arith.constant 21 : i32
    %dma_wait3A_726 = arith.constant 2688 : i32
    %dma_wait3A_727 = arith.constant 0 : i32
    %dma_wait3A_728 = tpu.memref_slice %arg6[%dma_wait3A_726, %dma_wait3A_727] : memref<3328x16xf32, #tpu.memory_space<vmem>> -> memref<128x16xf32, #tpu.memory_space<vmem>>
    %dma_wait3A_729 = arith.constant 0 : i32
    %dma_wait3A_730 = tpu.memref_slice %arg5[%dma_wait3A_725, %dma_wait3A_729] : memref<26x128xi32, #tpu.memory_space<vmem>> -> memref<1x128xi32, #tpu.memory_space<vmem>>
    %dma_wait3A_731 = tpu.memref_squeeze %dma_wait3A_730 : memref<1x128xi32, #tpu.memory_space<vmem>> -> memref<128xi32, #tpu.memory_space<vmem>>
    %dma_wait3A_732 = arith.constant 0 : i32
    %dma_wait3A_733 = arith.constant 0 : i32
    %dma_wait3A_734 = tpu.memref_slice %arg3[%dma_wait3A_732, %dma_wait3A_733] : memref<1048576x16xf32, #tpu.memory_space<hbm>> -> memref<1048576x16xf32, #tpu.memory_space<hbm>>
    tpu.wait_indirect_dma semaphore(%arg7 : memref<!tpu.dma_semaphore, #tpu.memory_space<semaphore_mem>>) src(%dma_wait3A_734 : memref<1048576x16xf32, #tpu.memory_space<hbm>>) dst(%dma_wait3A_728 : memref<128x16xf32, #tpu.memory_space<vmem>>)
    %add3A_735 = arith.constant 2688 : i32
    %add3A_736 = arith.addi %mul3A_2, %add3A_735 : i32
    %dma_start3A_737 = arith.constant 2688 : i32
    %dma_start3A_738 = arith.constant 0 : i32
    %dma_start3A_739 = tpu.memref_slice %arg6[%dma_start3A_737, %dma_start3A_738] : memref<3328x16xf32, #tpu.memory_space<vmem>> -> memref<128x16xf32, #tpu.memory_space<vmem>>
    %dma_start3A_740 = arith.constant 0 : i32
    %dma_start3A_741 = tpu.memref_slice %arg4[%add3A_736, %dma_start3A_740] : memref<106496x16xf32, #tpu.memory_space<hbm>> -> memref<128x16xf32, #tpu.memory_space<hbm>>
    %dma_start3A_742 = arith.constant 0 : i32
    %dma_start3A_743 = tpu.memref_slice %arg4[%add3A_736, %dma_start3A_742] : memref<106496x16xf32, #tpu.memory_space<hbm>> -> memref<128x16xf32, #tpu.memory_space<hbm>>
    %dma_start3A_744 = arith.constant 2688 : i32
    %dma_start3A_745 = arith.constant 0 : i32
    %dma_start3A_746 = tpu.memref_slice %arg6[%dma_start3A_744, %dma_start3A_745] : memref<3328x16xf32, #tpu.memory_space<vmem>> -> memref<128x16xf32, #tpu.memory_space<vmem>>
    tpu.enqueue_dma source(%dma_start3A_746 : memref<128x16xf32, #tpu.memory_space<vmem>>) target(%dma_start3A_743 : memref<128x16xf32, #tpu.memory_space<hbm>>) target_semaphore(%arg8 : memref<!tpu.dma_semaphore, #tpu.memory_space<semaphore_mem>>)
    %dma_wait3A_747 = arith.constant 22 : i32
    %dma_wait3A_748 = arith.constant 2816 : i32
    %dma_wait3A_749 = arith.constant 0 : i32
    %dma_wait3A_750 = tpu.memref_slice %arg6[%dma_wait3A_748, %dma_wait3A_749] : memref<3328x16xf32, #tpu.memory_space<vmem>> -> memref<128x16xf32, #tpu.memory_space<vmem>>
    %dma_wait3A_751 = arith.constant 0 : i32
    %dma_wait3A_752 = tpu.memref_slice %arg5[%dma_wait3A_747, %dma_wait3A_751] : memref<26x128xi32, #tpu.memory_space<vmem>> -> memref<1x128xi32, #tpu.memory_space<vmem>>
    %dma_wait3A_753 = tpu.memref_squeeze %dma_wait3A_752 : memref<1x128xi32, #tpu.memory_space<vmem>> -> memref<128xi32, #tpu.memory_space<vmem>>
    %dma_wait3A_754 = arith.constant 0 : i32
    %dma_wait3A_755 = arith.constant 0 : i32
    %dma_wait3A_756 = tpu.memref_slice %arg3[%dma_wait3A_754, %dma_wait3A_755] : memref<1048576x16xf32, #tpu.memory_space<hbm>> -> memref<1048576x16xf32, #tpu.memory_space<hbm>>
    tpu.wait_indirect_dma semaphore(%arg7 : memref<!tpu.dma_semaphore, #tpu.memory_space<semaphore_mem>>) src(%dma_wait3A_756 : memref<1048576x16xf32, #tpu.memory_space<hbm>>) dst(%dma_wait3A_750 : memref<128x16xf32, #tpu.memory_space<vmem>>)
    %add3A_757 = arith.constant 2816 : i32
    %add3A_758 = arith.addi %mul3A_2, %add3A_757 : i32
    %dma_start3A_759 = arith.constant 2816 : i32
    %dma_start3A_760 = arith.constant 0 : i32
    %dma_start3A_761 = tpu.memref_slice %arg6[%dma_start3A_759, %dma_start3A_760] : memref<3328x16xf32, #tpu.memory_space<vmem>> -> memref<128x16xf32, #tpu.memory_space<vmem>>
    %dma_start3A_762 = arith.constant 0 : i32
    %dma_start3A_763 = tpu.memref_slice %arg4[%add3A_758, %dma_start3A_762] : memref<106496x16xf32, #tpu.memory_space<hbm>> -> memref<128x16xf32, #tpu.memory_space<hbm>>
    %dma_start3A_764 = arith.constant 0 : i32
    %dma_start3A_765 = tpu.memref_slice %arg4[%add3A_758, %dma_start3A_764] : memref<106496x16xf32, #tpu.memory_space<hbm>> -> memref<128x16xf32, #tpu.memory_space<hbm>>
    %dma_start3A_766 = arith.constant 2816 : i32
    %dma_start3A_767 = arith.constant 0 : i32
    %dma_start3A_768 = tpu.memref_slice %arg6[%dma_start3A_766, %dma_start3A_767] : memref<3328x16xf32, #tpu.memory_space<vmem>> -> memref<128x16xf32, #tpu.memory_space<vmem>>
    tpu.enqueue_dma source(%dma_start3A_768 : memref<128x16xf32, #tpu.memory_space<vmem>>) target(%dma_start3A_765 : memref<128x16xf32, #tpu.memory_space<hbm>>) target_semaphore(%arg8 : memref<!tpu.dma_semaphore, #tpu.memory_space<semaphore_mem>>)
    %dma_wait3A_769 = arith.constant 23 : i32
    %dma_wait3A_770 = arith.constant 2944 : i32
    %dma_wait3A_771 = arith.constant 0 : i32
    %dma_wait3A_772 = tpu.memref_slice %arg6[%dma_wait3A_770, %dma_wait3A_771] : memref<3328x16xf32, #tpu.memory_space<vmem>> -> memref<128x16xf32, #tpu.memory_space<vmem>>
    %dma_wait3A_773 = arith.constant 0 : i32
    %dma_wait3A_774 = tpu.memref_slice %arg5[%dma_wait3A_769, %dma_wait3A_773] : memref<26x128xi32, #tpu.memory_space<vmem>> -> memref<1x128xi32, #tpu.memory_space<vmem>>
    %dma_wait3A_775 = tpu.memref_squeeze %dma_wait3A_774 : memref<1x128xi32, #tpu.memory_space<vmem>> -> memref<128xi32, #tpu.memory_space<vmem>>
    %dma_wait3A_776 = arith.constant 0 : i32
    %dma_wait3A_777 = arith.constant 0 : i32
    %dma_wait3A_778 = tpu.memref_slice %arg3[%dma_wait3A_776, %dma_wait3A_777] : memref<1048576x16xf32, #tpu.memory_space<hbm>> -> memref<1048576x16xf32, #tpu.memory_space<hbm>>
    tpu.wait_indirect_dma semaphore(%arg7 : memref<!tpu.dma_semaphore, #tpu.memory_space<semaphore_mem>>) src(%dma_wait3A_778 : memref<1048576x16xf32, #tpu.memory_space<hbm>>) dst(%dma_wait3A_772 : memref<128x16xf32, #tpu.memory_space<vmem>>)
    %add3A_779 = arith.constant 2944 : i32
    %add3A_780 = arith.addi %mul3A_2, %add3A_779 : i32
    %dma_start3A_781 = arith.constant 2944 : i32
    %dma_start3A_782 = arith.constant 0 : i32
    %dma_start3A_783 = tpu.memref_slice %arg6[%dma_start3A_781, %dma_start3A_782] : memref<3328x16xf32, #tpu.memory_space<vmem>> -> memref<128x16xf32, #tpu.memory_space<vmem>>
    %dma_start3A_784 = arith.constant 0 : i32
    %dma_start3A_785 = tpu.memref_slice %arg4[%add3A_780, %dma_start3A_784] : memref<106496x16xf32, #tpu.memory_space<hbm>> -> memref<128x16xf32, #tpu.memory_space<hbm>>
    %dma_start3A_786 = arith.constant 0 : i32
    %dma_start3A_787 = tpu.memref_slice %arg4[%add3A_780, %dma_start3A_786] : memref<106496x16xf32, #tpu.memory_space<hbm>> -> memref<128x16xf32, #tpu.memory_space<hbm>>
    %dma_start3A_788 = arith.constant 2944 : i32
    %dma_start3A_789 = arith.constant 0 : i32
    %dma_start3A_790 = tpu.memref_slice %arg6[%dma_start3A_788, %dma_start3A_789] : memref<3328x16xf32, #tpu.memory_space<vmem>> -> memref<128x16xf32, #tpu.memory_space<vmem>>
    tpu.enqueue_dma source(%dma_start3A_790 : memref<128x16xf32, #tpu.memory_space<vmem>>) target(%dma_start3A_787 : memref<128x16xf32, #tpu.memory_space<hbm>>) target_semaphore(%arg8 : memref<!tpu.dma_semaphore, #tpu.memory_space<semaphore_mem>>)
    %dma_wait3A_791 = arith.constant 24 : i32
    %dma_wait3A_792 = arith.constant 3072 : i32
    %dma_wait3A_793 = arith.constant 0 : i32
    %dma_wait3A_794 = tpu.memref_slice %arg6[%dma_wait3A_792, %dma_wait3A_793] : memref<3328x16xf32, #tpu.memory_space<vmem>> -> memref<128x16xf32, #tpu.memory_space<vmem>>
    %dma_wait3A_795 = arith.constant 0 : i32
    %dma_wait3A_796 = tpu.memref_slice %arg5[%dma_wait3A_791, %dma_wait3A_795] : memref<26x128xi32, #tpu.memory_space<vmem>> -> memref<1x128xi32, #tpu.memory_space<vmem>>
    %dma_wait3A_797 = tpu.memref_squeeze %dma_wait3A_796 : memref<1x128xi32, #tpu.memory_space<vmem>> -> memref<128xi32, #tpu.memory_space<vmem>>
    %dma_wait3A_798 = arith.constant 0 : i32
    %dma_wait3A_799 = arith.constant 0 : i32
    %dma_wait3A_800 = tpu.memref_slice %arg3[%dma_wait3A_798, %dma_wait3A_799] : memref<1048576x16xf32, #tpu.memory_space<hbm>> -> memref<1048576x16xf32, #tpu.memory_space<hbm>>
    tpu.wait_indirect_dma semaphore(%arg7 : memref<!tpu.dma_semaphore, #tpu.memory_space<semaphore_mem>>) src(%dma_wait3A_800 : memref<1048576x16xf32, #tpu.memory_space<hbm>>) dst(%dma_wait3A_794 : memref<128x16xf32, #tpu.memory_space<vmem>>)
    %add3A_801 = arith.constant 3072 : i32
    %add3A_802 = arith.addi %mul3A_2, %add3A_801 : i32
    %dma_start3A_803 = arith.constant 3072 : i32
    %dma_start3A_804 = arith.constant 0 : i32
    %dma_start3A_805 = tpu.memref_slice %arg6[%dma_start3A_803, %dma_start3A_804] : memref<3328x16xf32, #tpu.memory_space<vmem>> -> memref<128x16xf32, #tpu.memory_space<vmem>>
    %dma_start3A_806 = arith.constant 0 : i32
    %dma_start3A_807 = tpu.memref_slice %arg4[%add3A_802, %dma_start3A_806] : memref<106496x16xf32, #tpu.memory_space<hbm>> -> memref<128x16xf32, #tpu.memory_space<hbm>>
    %dma_start3A_808 = arith.constant 0 : i32
    %dma_start3A_809 = tpu.memref_slice %arg4[%add3A_802, %dma_start3A_808] : memref<106496x16xf32, #tpu.memory_space<hbm>> -> memref<128x16xf32, #tpu.memory_space<hbm>>
    %dma_start3A_810 = arith.constant 3072 : i32
    %dma_start3A_811 = arith.constant 0 : i32
    %dma_start3A_812 = tpu.memref_slice %arg6[%dma_start3A_810, %dma_start3A_811] : memref<3328x16xf32, #tpu.memory_space<vmem>> -> memref<128x16xf32, #tpu.memory_space<vmem>>
    tpu.enqueue_dma source(%dma_start3A_812 : memref<128x16xf32, #tpu.memory_space<vmem>>) target(%dma_start3A_809 : memref<128x16xf32, #tpu.memory_space<hbm>>) target_semaphore(%arg8 : memref<!tpu.dma_semaphore, #tpu.memory_space<semaphore_mem>>)
    %dma_wait3A_813 = arith.constant 25 : i32
    %dma_wait3A_814 = arith.constant 3200 : i32
    %dma_wait3A_815 = arith.constant 0 : i32
    %dma_wait3A_816 = tpu.memref_slice %arg6[%dma_wait3A_814, %dma_wait3A_815] : memref<3328x16xf32, #tpu.memory_space<vmem>> -> memref<128x16xf32, #tpu.memory_space<vmem>>
    %dma_wait3A_817 = arith.constant 0 : i32
    %dma_wait3A_818 = tpu.memref_slice %arg5[%dma_wait3A_813, %dma_wait3A_817] : memref<26x128xi32, #tpu.memory_space<vmem>> -> memref<1x128xi32, #tpu.memory_space<vmem>>
    %dma_wait3A_819 = tpu.memref_squeeze %dma_wait3A_818 : memref<1x128xi32, #tpu.memory_space<vmem>> -> memref<128xi32, #tpu.memory_space<vmem>>
    %dma_wait3A_820 = arith.constant 0 : i32
    %dma_wait3A_821 = arith.constant 0 : i32
    %dma_wait3A_822 = tpu.memref_slice %arg3[%dma_wait3A_820, %dma_wait3A_821] : memref<1048576x16xf32, #tpu.memory_space<hbm>> -> memref<1048576x16xf32, #tpu.memory_space<hbm>>
    tpu.wait_indirect_dma semaphore(%arg7 : memref<!tpu.dma_semaphore, #tpu.memory_space<semaphore_mem>>) src(%dma_wait3A_822 : memref<1048576x16xf32, #tpu.memory_space<hbm>>) dst(%dma_wait3A_816 : memref<128x16xf32, #tpu.memory_space<vmem>>)
    %add3A_823 = arith.constant 3200 : i32
    %add3A_824 = arith.addi %mul3A_2, %add3A_823 : i32
    %dma_start3A_825 = arith.constant 3200 : i32
    %dma_start3A_826 = arith.constant 0 : i32
    %dma_start3A_827 = tpu.memref_slice %arg6[%dma_start3A_825, %dma_start3A_826] : memref<3328x16xf32, #tpu.memory_space<vmem>> -> memref<128x16xf32, #tpu.memory_space<vmem>>
    %dma_start3A_828 = arith.constant 0 : i32
    %dma_start3A_829 = tpu.memref_slice %arg4[%add3A_824, %dma_start3A_828] : memref<106496x16xf32, #tpu.memory_space<hbm>> -> memref<128x16xf32, #tpu.memory_space<hbm>>
    %dma_start3A_830 = arith.constant 0 : i32
    %dma_start3A_831 = tpu.memref_slice %arg4[%add3A_824, %dma_start3A_830] : memref<106496x16xf32, #tpu.memory_space<hbm>> -> memref<128x16xf32, #tpu.memory_space<hbm>>
    %dma_start3A_832 = arith.constant 3200 : i32
    %dma_start3A_833 = arith.constant 0 : i32
    %dma_start3A_834 = tpu.memref_slice %arg6[%dma_start3A_832, %dma_start3A_833] : memref<3328x16xf32, #tpu.memory_space<vmem>> -> memref<128x16xf32, #tpu.memory_space<vmem>>
    tpu.enqueue_dma source(%dma_start3A_834 : memref<128x16xf32, #tpu.memory_space<vmem>>) target(%dma_start3A_831 : memref<128x16xf32, #tpu.memory_space<hbm>>) target_semaphore(%arg8 : memref<!tpu.dma_semaphore, #tpu.memory_space<semaphore_mem>>)
    %dma_wait3A_835 = arith.constant 0 : i32
    %dma_wait3A_836 = arith.constant 0 : i32
    %dma_wait3A_837 = tpu.memref_slice %arg6[%dma_wait3A_835, %dma_wait3A_836] : memref<3328x16xf32, #tpu.memory_space<vmem>> -> memref<128x16xf32, #tpu.memory_space<vmem>>
    %dma_wait3A_838 = arith.constant 0 : i32
    %dma_wait3A_839 = tpu.memref_slice %arg4[%add3A_274, %dma_wait3A_838] : memref<106496x16xf32, #tpu.memory_space<hbm>> -> memref<128x16xf32, #tpu.memory_space<hbm>>
    %dma_wait3A_840 = arith.constant 0 : i32
    %dma_wait3A_841 = tpu.memref_slice %arg4[%add3A_274, %dma_wait3A_840] : memref<106496x16xf32, #tpu.memory_space<hbm>> -> memref<128x16xf32, #tpu.memory_space<hbm>>
    %dma_wait3A_842 = arith.constant 0 : i32
    %dma_wait3A_843 = arith.constant 0 : i32
    %dma_wait3A_844 = tpu.memref_slice %arg6[%dma_wait3A_842, %dma_wait3A_843] : memref<3328x16xf32, #tpu.memory_space<vmem>> -> memref<128x16xf32, #tpu.memory_space<vmem>>
    tpu.wait_dma2 semaphore(%arg8 : memref<!tpu.dma_semaphore, #tpu.memory_space<semaphore_mem>>) src(%dma_wait3A_844 : memref<128x16xf32, #tpu.memory_space<vmem>>) dst(%dma_wait3A_841 : memref<128x16xf32, #tpu.memory_space<hbm>>)
    %dma_wait3A_845 = arith.constant 128 : i32
    %dma_wait3A_846 = arith.constant 0 : i32
    %dma_wait3A_847 = tpu.memref_slice %arg6[%dma_wait3A_845, %dma_wait3A_846] : memref<3328x16xf32, #tpu.memory_space<vmem>> -> memref<128x16xf32, #tpu.memory_space<vmem>>
    %dma_wait3A_848 = arith.constant 0 : i32
    %dma_wait3A_849 = tpu.memref_slice %arg4[%add3A_296, %dma_wait3A_848] : memref<106496x16xf32, #tpu.memory_space<hbm>> -> memref<128x16xf32, #tpu.memory_space<hbm>>
    %dma_wait3A_850 = arith.constant 0 : i32
    %dma_wait3A_851 = tpu.memref_slice %arg4[%add3A_296, %dma_wait3A_850] : memref<106496x16xf32, #tpu.memory_space<hbm>> -> memref<128x16xf32, #tpu.memory_space<hbm>>
    %dma_wait3A_852 = arith.constant 128 : i32
    %dma_wait3A_853 = arith.constant 0 : i32
    %dma_wait3A_854 = tpu.memref_slice %arg6[%dma_wait3A_852, %dma_wait3A_853] : memref<3328x16xf32, #tpu.memory_space<vmem>> -> memref<128x16xf32, #tpu.memory_space<vmem>>
    tpu.wait_dma2 semaphore(%arg8 : memref<!tpu.dma_semaphore, #tpu.memory_space<semaphore_mem>>) src(%dma_wait3A_854 : memref<128x16xf32, #tpu.memory_space<vmem>>) dst(%dma_wait3A_851 : memref<128x16xf32, #tpu.memory_space<hbm>>)
    %dma_wait3A_855 = arith.constant 256 : i32
    %dma_wait3A_856 = arith.constant 0 : i32
    %dma_wait3A_857 = tpu.memref_slice %arg6[%dma_wait3A_855, %dma_wait3A_856] : memref<3328x16xf32, #tpu.memory_space<vmem>> -> memref<128x16xf32, #tpu.memory_space<vmem>>
    %dma_wait3A_858 = arith.constant 0 : i32
    %dma_wait3A_859 = tpu.memref_slice %arg4[%add3A_318, %dma_wait3A_858] : memref<106496x16xf32, #tpu.memory_space<hbm>> -> memref<128x16xf32, #tpu.memory_space<hbm>>
    %dma_wait3A_860 = arith.constant 0 : i32
    %dma_wait3A_861 = tpu.memref_slice %arg4[%add3A_318, %dma_wait3A_860] : memref<106496x16xf32, #tpu.memory_space<hbm>> -> memref<128x16xf32, #tpu.memory_space<hbm>>
    %dma_wait3A_862 = arith.constant 256 : i32
    %dma_wait3A_863 = arith.constant 0 : i32
    %dma_wait3A_864 = tpu.memref_slice %arg6[%dma_wait3A_862, %dma_wait3A_863] : memref<3328x16xf32, #tpu.memory_space<vmem>> -> memref<128x16xf32, #tpu.memory_space<vmem>>
    tpu.wait_dma2 semaphore(%arg8 : memref<!tpu.dma_semaphore, #tpu.memory_space<semaphore_mem>>) src(%dma_wait3A_864 : memref<128x16xf32, #tpu.memory_space<vmem>>) dst(%dma_wait3A_861 : memref<128x16xf32, #tpu.memory_space<hbm>>)
    %dma_wait3A_865 = arith.constant 384 : i32
    %dma_wait3A_866 = arith.constant 0 : i32
    %dma_wait3A_867 = tpu.memref_slice %arg6[%dma_wait3A_865, %dma_wait3A_866] : memref<3328x16xf32, #tpu.memory_space<vmem>> -> memref<128x16xf32, #tpu.memory_space<vmem>>
    %dma_wait3A_868 = arith.constant 0 : i32
    %dma_wait3A_869 = tpu.memref_slice %arg4[%add3A_340, %dma_wait3A_868] : memref<106496x16xf32, #tpu.memory_space<hbm>> -> memref<128x16xf32, #tpu.memory_space<hbm>>
    %dma_wait3A_870 = arith.constant 0 : i32
    %dma_wait3A_871 = tpu.memref_slice %arg4[%add3A_340, %dma_wait3A_870] : memref<106496x16xf32, #tpu.memory_space<hbm>> -> memref<128x16xf32, #tpu.memory_space<hbm>>
    %dma_wait3A_872 = arith.constant 384 : i32
    %dma_wait3A_873 = arith.constant 0 : i32
    %dma_wait3A_874 = tpu.memref_slice %arg6[%dma_wait3A_872, %dma_wait3A_873] : memref<3328x16xf32, #tpu.memory_space<vmem>> -> memref<128x16xf32, #tpu.memory_space<vmem>>
    tpu.wait_dma2 semaphore(%arg8 : memref<!tpu.dma_semaphore, #tpu.memory_space<semaphore_mem>>) src(%dma_wait3A_874 : memref<128x16xf32, #tpu.memory_space<vmem>>) dst(%dma_wait3A_871 : memref<128x16xf32, #tpu.memory_space<hbm>>)
    %dma_wait3A_875 = arith.constant 512 : i32
    %dma_wait3A_876 = arith.constant 0 : i32
    %dma_wait3A_877 = tpu.memref_slice %arg6[%dma_wait3A_875, %dma_wait3A_876] : memref<3328x16xf32, #tpu.memory_space<vmem>> -> memref<128x16xf32, #tpu.memory_space<vmem>>
    %dma_wait3A_878 = arith.constant 0 : i32
    %dma_wait3A_879 = tpu.memref_slice %arg4[%add3A_362, %dma_wait3A_878] : memref<106496x16xf32, #tpu.memory_space<hbm>> -> memref<128x16xf32, #tpu.memory_space<hbm>>
    %dma_wait3A_880 = arith.constant 0 : i32
    %dma_wait3A_881 = tpu.memref_slice %arg4[%add3A_362, %dma_wait3A_880] : memref<106496x16xf32, #tpu.memory_space<hbm>> -> memref<128x16xf32, #tpu.memory_space<hbm>>
    %dma_wait3A_882 = arith.constant 512 : i32
    %dma_wait3A_883 = arith.constant 0 : i32
    %dma_wait3A_884 = tpu.memref_slice %arg6[%dma_wait3A_882, %dma_wait3A_883] : memref<3328x16xf32, #tpu.memory_space<vmem>> -> memref<128x16xf32, #tpu.memory_space<vmem>>
    tpu.wait_dma2 semaphore(%arg8 : memref<!tpu.dma_semaphore, #tpu.memory_space<semaphore_mem>>) src(%dma_wait3A_884 : memref<128x16xf32, #tpu.memory_space<vmem>>) dst(%dma_wait3A_881 : memref<128x16xf32, #tpu.memory_space<hbm>>)
    %dma_wait3A_885 = arith.constant 640 : i32
    %dma_wait3A_886 = arith.constant 0 : i32
    %dma_wait3A_887 = tpu.memref_slice %arg6[%dma_wait3A_885, %dma_wait3A_886] : memref<3328x16xf32, #tpu.memory_space<vmem>> -> memref<128x16xf32, #tpu.memory_space<vmem>>
    %dma_wait3A_888 = arith.constant 0 : i32
    %dma_wait3A_889 = tpu.memref_slice %arg4[%add3A_384, %dma_wait3A_888] : memref<106496x16xf32, #tpu.memory_space<hbm>> -> memref<128x16xf32, #tpu.memory_space<hbm>>
    %dma_wait3A_890 = arith.constant 0 : i32
    %dma_wait3A_891 = tpu.memref_slice %arg4[%add3A_384, %dma_wait3A_890] : memref<106496x16xf32, #tpu.memory_space<hbm>> -> memref<128x16xf32, #tpu.memory_space<hbm>>
    %dma_wait3A_892 = arith.constant 640 : i32
    %dma_wait3A_893 = arith.constant 0 : i32
    %dma_wait3A_894 = tpu.memref_slice %arg6[%dma_wait3A_892, %dma_wait3A_893] : memref<3328x16xf32, #tpu.memory_space<vmem>> -> memref<128x16xf32, #tpu.memory_space<vmem>>
    tpu.wait_dma2 semaphore(%arg8 : memref<!tpu.dma_semaphore, #tpu.memory_space<semaphore_mem>>) src(%dma_wait3A_894 : memref<128x16xf32, #tpu.memory_space<vmem>>) dst(%dma_wait3A_891 : memref<128x16xf32, #tpu.memory_space<hbm>>)
    %dma_wait3A_895 = arith.constant 768 : i32
    %dma_wait3A_896 = arith.constant 0 : i32
    %dma_wait3A_897 = tpu.memref_slice %arg6[%dma_wait3A_895, %dma_wait3A_896] : memref<3328x16xf32, #tpu.memory_space<vmem>> -> memref<128x16xf32, #tpu.memory_space<vmem>>
    %dma_wait3A_898 = arith.constant 0 : i32
    %dma_wait3A_899 = tpu.memref_slice %arg4[%add3A_406, %dma_wait3A_898] : memref<106496x16xf32, #tpu.memory_space<hbm>> -> memref<128x16xf32, #tpu.memory_space<hbm>>
    %dma_wait3A_900 = arith.constant 0 : i32
    %dma_wait3A_901 = tpu.memref_slice %arg4[%add3A_406, %dma_wait3A_900] : memref<106496x16xf32, #tpu.memory_space<hbm>> -> memref<128x16xf32, #tpu.memory_space<hbm>>
    %dma_wait3A_902 = arith.constant 768 : i32
    %dma_wait3A_903 = arith.constant 0 : i32
    %dma_wait3A_904 = tpu.memref_slice %arg6[%dma_wait3A_902, %dma_wait3A_903] : memref<3328x16xf32, #tpu.memory_space<vmem>> -> memref<128x16xf32, #tpu.memory_space<vmem>>
    tpu.wait_dma2 semaphore(%arg8 : memref<!tpu.dma_semaphore, #tpu.memory_space<semaphore_mem>>) src(%dma_wait3A_904 : memref<128x16xf32, #tpu.memory_space<vmem>>) dst(%dma_wait3A_901 : memref<128x16xf32, #tpu.memory_space<hbm>>)
    %dma_wait3A_905 = arith.constant 896 : i32
    %dma_wait3A_906 = arith.constant 0 : i32
    %dma_wait3A_907 = tpu.memref_slice %arg6[%dma_wait3A_905, %dma_wait3A_906] : memref<3328x16xf32, #tpu.memory_space<vmem>> -> memref<128x16xf32, #tpu.memory_space<vmem>>
    %dma_wait3A_908 = arith.constant 0 : i32
    %dma_wait3A_909 = tpu.memref_slice %arg4[%add3A_428, %dma_wait3A_908] : memref<106496x16xf32, #tpu.memory_space<hbm>> -> memref<128x16xf32, #tpu.memory_space<hbm>>
    %dma_wait3A_910 = arith.constant 0 : i32
    %dma_wait3A_911 = tpu.memref_slice %arg4[%add3A_428, %dma_wait3A_910] : memref<106496x16xf32, #tpu.memory_space<hbm>> -> memref<128x16xf32, #tpu.memory_space<hbm>>
    %dma_wait3A_912 = arith.constant 896 : i32
    %dma_wait3A_913 = arith.constant 0 : i32
    %dma_wait3A_914 = tpu.memref_slice %arg6[%dma_wait3A_912, %dma_wait3A_913] : memref<3328x16xf32, #tpu.memory_space<vmem>> -> memref<128x16xf32, #tpu.memory_space<vmem>>
    tpu.wait_dma2 semaphore(%arg8 : memref<!tpu.dma_semaphore, #tpu.memory_space<semaphore_mem>>) src(%dma_wait3A_914 : memref<128x16xf32, #tpu.memory_space<vmem>>) dst(%dma_wait3A_911 : memref<128x16xf32, #tpu.memory_space<hbm>>)
    %dma_wait3A_915 = arith.constant 1024 : i32
    %dma_wait3A_916 = arith.constant 0 : i32
    %dma_wait3A_917 = tpu.memref_slice %arg6[%dma_wait3A_915, %dma_wait3A_916] : memref<3328x16xf32, #tpu.memory_space<vmem>> -> memref<128x16xf32, #tpu.memory_space<vmem>>
    %dma_wait3A_918 = arith.constant 0 : i32
    %dma_wait3A_919 = tpu.memref_slice %arg4[%add3A_450, %dma_wait3A_918] : memref<106496x16xf32, #tpu.memory_space<hbm>> -> memref<128x16xf32, #tpu.memory_space<hbm>>
    %dma_wait3A_920 = arith.constant 0 : i32
    %dma_wait3A_921 = tpu.memref_slice %arg4[%add3A_450, %dma_wait3A_920] : memref<106496x16xf32, #tpu.memory_space<hbm>> -> memref<128x16xf32, #tpu.memory_space<hbm>>
    %dma_wait3A_922 = arith.constant 1024 : i32
    %dma_wait3A_923 = arith.constant 0 : i32
    %dma_wait3A_924 = tpu.memref_slice %arg6[%dma_wait3A_922, %dma_wait3A_923] : memref<3328x16xf32, #tpu.memory_space<vmem>> -> memref<128x16xf32, #tpu.memory_space<vmem>>
    tpu.wait_dma2 semaphore(%arg8 : memref<!tpu.dma_semaphore, #tpu.memory_space<semaphore_mem>>) src(%dma_wait3A_924 : memref<128x16xf32, #tpu.memory_space<vmem>>) dst(%dma_wait3A_921 : memref<128x16xf32, #tpu.memory_space<hbm>>)
    %dma_wait3A_925 = arith.constant 1152 : i32
    %dma_wait3A_926 = arith.constant 0 : i32
    %dma_wait3A_927 = tpu.memref_slice %arg6[%dma_wait3A_925, %dma_wait3A_926] : memref<3328x16xf32, #tpu.memory_space<vmem>> -> memref<128x16xf32, #tpu.memory_space<vmem>>
    %dma_wait3A_928 = arith.constant 0 : i32
    %dma_wait3A_929 = tpu.memref_slice %arg4[%add3A_472, %dma_wait3A_928] : memref<106496x16xf32, #tpu.memory_space<hbm>> -> memref<128x16xf32, #tpu.memory_space<hbm>>
    %dma_wait3A_930 = arith.constant 0 : i32
    %dma_wait3A_931 = tpu.memref_slice %arg4[%add3A_472, %dma_wait3A_930] : memref<106496x16xf32, #tpu.memory_space<hbm>> -> memref<128x16xf32, #tpu.memory_space<hbm>>
    %dma_wait3A_932 = arith.constant 1152 : i32
    %dma_wait3A_933 = arith.constant 0 : i32
    %dma_wait3A_934 = tpu.memref_slice %arg6[%dma_wait3A_932, %dma_wait3A_933] : memref<3328x16xf32, #tpu.memory_space<vmem>> -> memref<128x16xf32, #tpu.memory_space<vmem>>
    tpu.wait_dma2 semaphore(%arg8 : memref<!tpu.dma_semaphore, #tpu.memory_space<semaphore_mem>>) src(%dma_wait3A_934 : memref<128x16xf32, #tpu.memory_space<vmem>>) dst(%dma_wait3A_931 : memref<128x16xf32, #tpu.memory_space<hbm>>)
    %dma_wait3A_935 = arith.constant 1280 : i32
    %dma_wait3A_936 = arith.constant 0 : i32
    %dma_wait3A_937 = tpu.memref_slice %arg6[%dma_wait3A_935, %dma_wait3A_936] : memref<3328x16xf32, #tpu.memory_space<vmem>> -> memref<128x16xf32, #tpu.memory_space<vmem>>
    %dma_wait3A_938 = arith.constant 0 : i32
    %dma_wait3A_939 = tpu.memref_slice %arg4[%add3A_494, %dma_wait3A_938] : memref<106496x16xf32, #tpu.memory_space<hbm>> -> memref<128x16xf32, #tpu.memory_space<hbm>>
    %dma_wait3A_940 = arith.constant 0 : i32
    %dma_wait3A_941 = tpu.memref_slice %arg4[%add3A_494, %dma_wait3A_940] : memref<106496x16xf32, #tpu.memory_space<hbm>> -> memref<128x16xf32, #tpu.memory_space<hbm>>
    %dma_wait3A_942 = arith.constant 1280 : i32
    %dma_wait3A_943 = arith.constant 0 : i32
    %dma_wait3A_944 = tpu.memref_slice %arg6[%dma_wait3A_942, %dma_wait3A_943] : memref<3328x16xf32, #tpu.memory_space<vmem>> -> memref<128x16xf32, #tpu.memory_space<vmem>>
    tpu.wait_dma2 semaphore(%arg8 : memref<!tpu.dma_semaphore, #tpu.memory_space<semaphore_mem>>) src(%dma_wait3A_944 : memref<128x16xf32, #tpu.memory_space<vmem>>) dst(%dma_wait3A_941 : memref<128x16xf32, #tpu.memory_space<hbm>>)
    %dma_wait3A_945 = arith.constant 1408 : i32
    %dma_wait3A_946 = arith.constant 0 : i32
    %dma_wait3A_947 = tpu.memref_slice %arg6[%dma_wait3A_945, %dma_wait3A_946] : memref<3328x16xf32, #tpu.memory_space<vmem>> -> memref<128x16xf32, #tpu.memory_space<vmem>>
    %dma_wait3A_948 = arith.constant 0 : i32
    %dma_wait3A_949 = tpu.memref_slice %arg4[%add3A_516, %dma_wait3A_948] : memref<106496x16xf32, #tpu.memory_space<hbm>> -> memref<128x16xf32, #tpu.memory_space<hbm>>
    %dma_wait3A_950 = arith.constant 0 : i32
    %dma_wait3A_951 = tpu.memref_slice %arg4[%add3A_516, %dma_wait3A_950] : memref<106496x16xf32, #tpu.memory_space<hbm>> -> memref<128x16xf32, #tpu.memory_space<hbm>>
    %dma_wait3A_952 = arith.constant 1408 : i32
    %dma_wait3A_953 = arith.constant 0 : i32
    %dma_wait3A_954 = tpu.memref_slice %arg6[%dma_wait3A_952, %dma_wait3A_953] : memref<3328x16xf32, #tpu.memory_space<vmem>> -> memref<128x16xf32, #tpu.memory_space<vmem>>
    tpu.wait_dma2 semaphore(%arg8 : memref<!tpu.dma_semaphore, #tpu.memory_space<semaphore_mem>>) src(%dma_wait3A_954 : memref<128x16xf32, #tpu.memory_space<vmem>>) dst(%dma_wait3A_951 : memref<128x16xf32, #tpu.memory_space<hbm>>)
    %dma_wait3A_955 = arith.constant 1536 : i32
    %dma_wait3A_956 = arith.constant 0 : i32
    %dma_wait3A_957 = tpu.memref_slice %arg6[%dma_wait3A_955, %dma_wait3A_956] : memref<3328x16xf32, #tpu.memory_space<vmem>> -> memref<128x16xf32, #tpu.memory_space<vmem>>
    %dma_wait3A_958 = arith.constant 0 : i32
    %dma_wait3A_959 = tpu.memref_slice %arg4[%add3A_538, %dma_wait3A_958] : memref<106496x16xf32, #tpu.memory_space<hbm>> -> memref<128x16xf32, #tpu.memory_space<hbm>>
    %dma_wait3A_960 = arith.constant 0 : i32
    %dma_wait3A_961 = tpu.memref_slice %arg4[%add3A_538, %dma_wait3A_960] : memref<106496x16xf32, #tpu.memory_space<hbm>> -> memref<128x16xf32, #tpu.memory_space<hbm>>
    %dma_wait3A_962 = arith.constant 1536 : i32
    %dma_wait3A_963 = arith.constant 0 : i32
    %dma_wait3A_964 = tpu.memref_slice %arg6[%dma_wait3A_962, %dma_wait3A_963] : memref<3328x16xf32, #tpu.memory_space<vmem>> -> memref<128x16xf32, #tpu.memory_space<vmem>>
    tpu.wait_dma2 semaphore(%arg8 : memref<!tpu.dma_semaphore, #tpu.memory_space<semaphore_mem>>) src(%dma_wait3A_964 : memref<128x16xf32, #tpu.memory_space<vmem>>) dst(%dma_wait3A_961 : memref<128x16xf32, #tpu.memory_space<hbm>>)
    %dma_wait3A_965 = arith.constant 1664 : i32
    %dma_wait3A_966 = arith.constant 0 : i32
    %dma_wait3A_967 = tpu.memref_slice %arg6[%dma_wait3A_965, %dma_wait3A_966] : memref<3328x16xf32, #tpu.memory_space<vmem>> -> memref<128x16xf32, #tpu.memory_space<vmem>>
    %dma_wait3A_968 = arith.constant 0 : i32
    %dma_wait3A_969 = tpu.memref_slice %arg4[%add3A_560, %dma_wait3A_968] : memref<106496x16xf32, #tpu.memory_space<hbm>> -> memref<128x16xf32, #tpu.memory_space<hbm>>
    %dma_wait3A_970 = arith.constant 0 : i32
    %dma_wait3A_971 = tpu.memref_slice %arg4[%add3A_560, %dma_wait3A_970] : memref<106496x16xf32, #tpu.memory_space<hbm>> -> memref<128x16xf32, #tpu.memory_space<hbm>>
    %dma_wait3A_972 = arith.constant 1664 : i32
    %dma_wait3A_973 = arith.constant 0 : i32
    %dma_wait3A_974 = tpu.memref_slice %arg6[%dma_wait3A_972, %dma_wait3A_973] : memref<3328x16xf32, #tpu.memory_space<vmem>> -> memref<128x16xf32, #tpu.memory_space<vmem>>
    tpu.wait_dma2 semaphore(%arg8 : memref<!tpu.dma_semaphore, #tpu.memory_space<semaphore_mem>>) src(%dma_wait3A_974 : memref<128x16xf32, #tpu.memory_space<vmem>>) dst(%dma_wait3A_971 : memref<128x16xf32, #tpu.memory_space<hbm>>)
    %dma_wait3A_975 = arith.constant 1792 : i32
    %dma_wait3A_976 = arith.constant 0 : i32
    %dma_wait3A_977 = tpu.memref_slice %arg6[%dma_wait3A_975, %dma_wait3A_976] : memref<3328x16xf32, #tpu.memory_space<vmem>> -> memref<128x16xf32, #tpu.memory_space<vmem>>
    %dma_wait3A_978 = arith.constant 0 : i32
    %dma_wait3A_979 = tpu.memref_slice %arg4[%add3A_582, %dma_wait3A_978] : memref<106496x16xf32, #tpu.memory_space<hbm>> -> memref<128x16xf32, #tpu.memory_space<hbm>>
    %dma_wait3A_980 = arith.constant 0 : i32
    %dma_wait3A_981 = tpu.memref_slice %arg4[%add3A_582, %dma_wait3A_980] : memref<106496x16xf32, #tpu.memory_space<hbm>> -> memref<128x16xf32, #tpu.memory_space<hbm>>
    %dma_wait3A_982 = arith.constant 1792 : i32
    %dma_wait3A_983 = arith.constant 0 : i32
    %dma_wait3A_984 = tpu.memref_slice %arg6[%dma_wait3A_982, %dma_wait3A_983] : memref<3328x16xf32, #tpu.memory_space<vmem>> -> memref<128x16xf32, #tpu.memory_space<vmem>>
    tpu.wait_dma2 semaphore(%arg8 : memref<!tpu.dma_semaphore, #tpu.memory_space<semaphore_mem>>) src(%dma_wait3A_984 : memref<128x16xf32, #tpu.memory_space<vmem>>) dst(%dma_wait3A_981 : memref<128x16xf32, #tpu.memory_space<hbm>>)
    %dma_wait3A_985 = arith.constant 1920 : i32
    %dma_wait3A_986 = arith.constant 0 : i32
    %dma_wait3A_987 = tpu.memref_slice %arg6[%dma_wait3A_985, %dma_wait3A_986] : memref<3328x16xf32, #tpu.memory_space<vmem>> -> memref<128x16xf32, #tpu.memory_space<vmem>>
    %dma_wait3A_988 = arith.constant 0 : i32
    %dma_wait3A_989 = tpu.memref_slice %arg4[%add3A_604, %dma_wait3A_988] : memref<106496x16xf32, #tpu.memory_space<hbm>> -> memref<128x16xf32, #tpu.memory_space<hbm>>
    %dma_wait3A_990 = arith.constant 0 : i32
    %dma_wait3A_991 = tpu.memref_slice %arg4[%add3A_604, %dma_wait3A_990] : memref<106496x16xf32, #tpu.memory_space<hbm>> -> memref<128x16xf32, #tpu.memory_space<hbm>>
    %dma_wait3A_992 = arith.constant 1920 : i32
    %dma_wait3A_993 = arith.constant 0 : i32
    %dma_wait3A_994 = tpu.memref_slice %arg6[%dma_wait3A_992, %dma_wait3A_993] : memref<3328x16xf32, #tpu.memory_space<vmem>> -> memref<128x16xf32, #tpu.memory_space<vmem>>
    tpu.wait_dma2 semaphore(%arg8 : memref<!tpu.dma_semaphore, #tpu.memory_space<semaphore_mem>>) src(%dma_wait3A_994 : memref<128x16xf32, #tpu.memory_space<vmem>>) dst(%dma_wait3A_991 : memref<128x16xf32, #tpu.memory_space<hbm>>)
    %dma_wait3A_995 = arith.constant 2048 : i32
    %dma_wait3A_996 = arith.constant 0 : i32
    %dma_wait3A_997 = tpu.memref_slice %arg6[%dma_wait3A_995, %dma_wait3A_996] : memref<3328x16xf32, #tpu.memory_space<vmem>> -> memref<128x16xf32, #tpu.memory_space<vmem>>
    %dma_wait3A_998 = arith.constant 0 : i32
    %dma_wait3A_999 = tpu.memref_slice %arg4[%add3A_626, %dma_wait3A_998] : memref<106496x16xf32, #tpu.memory_space<hbm>> -> memref<128x16xf32, #tpu.memory_space<hbm>>
    %dma_wait3A_1000 = arith.constant 0 : i32
    %dma_wait3A_1001 = tpu.memref_slice %arg4[%add3A_626, %dma_wait3A_1000] : memref<106496x16xf32, #tpu.memory_space<hbm>> -> memref<128x16xf32, #tpu.memory_space<hbm>>
    %dma_wait3A_1002 = arith.constant 2048 : i32
    %dma_wait3A_1003 = arith.constant 0 : i32
    %dma_wait3A_1004 = tpu.memref_slice %arg6[%dma_wait3A_1002, %dma_wait3A_1003] : memref<3328x16xf32, #tpu.memory_space<vmem>> -> memref<128x16xf32, #tpu.memory_space<vmem>>
    tpu.wait_dma2 semaphore(%arg8 : memref<!tpu.dma_semaphore, #tpu.memory_space<semaphore_mem>>) src(%dma_wait3A_1004 : memref<128x16xf32, #tpu.memory_space<vmem>>) dst(%dma_wait3A_1001 : memref<128x16xf32, #tpu.memory_space<hbm>>)
    %dma_wait3A_1005 = arith.constant 2176 : i32
    %dma_wait3A_1006 = arith.constant 0 : i32
    %dma_wait3A_1007 = tpu.memref_slice %arg6[%dma_wait3A_1005, %dma_wait3A_1006] : memref<3328x16xf32, #tpu.memory_space<vmem>> -> memref<128x16xf32, #tpu.memory_space<vmem>>
    %dma_wait3A_1008 = arith.constant 0 : i32
    %dma_wait3A_1009 = tpu.memref_slice %arg4[%add3A_648, %dma_wait3A_1008] : memref<106496x16xf32, #tpu.memory_space<hbm>> -> memref<128x16xf32, #tpu.memory_space<hbm>>
    %dma_wait3A_1010 = arith.constant 0 : i32
    %dma_wait3A_1011 = tpu.memref_slice %arg4[%add3A_648, %dma_wait3A_1010] : memref<106496x16xf32, #tpu.memory_space<hbm>> -> memref<128x16xf32, #tpu.memory_space<hbm>>
    %dma_wait3A_1012 = arith.constant 2176 : i32
    %dma_wait3A_1013 = arith.constant 0 : i32
    %dma_wait3A_1014 = tpu.memref_slice %arg6[%dma_wait3A_1012, %dma_wait3A_1013] : memref<3328x16xf32, #tpu.memory_space<vmem>> -> memref<128x16xf32, #tpu.memory_space<vmem>>
    tpu.wait_dma2 semaphore(%arg8 : memref<!tpu.dma_semaphore, #tpu.memory_space<semaphore_mem>>) src(%dma_wait3A_1014 : memref<128x16xf32, #tpu.memory_space<vmem>>) dst(%dma_wait3A_1011 : memref<128x16xf32, #tpu.memory_space<hbm>>)
    %dma_wait3A_1015 = arith.constant 2304 : i32
    %dma_wait3A_1016 = arith.constant 0 : i32
    %dma_wait3A_1017 = tpu.memref_slice %arg6[%dma_wait3A_1015, %dma_wait3A_1016] : memref<3328x16xf32, #tpu.memory_space<vmem>> -> memref<128x16xf32, #tpu.memory_space<vmem>>
    %dma_wait3A_1018 = arith.constant 0 : i32
    %dma_wait3A_1019 = tpu.memref_slice %arg4[%add3A_670, %dma_wait3A_1018] : memref<106496x16xf32, #tpu.memory_space<hbm>> -> memref<128x16xf32, #tpu.memory_space<hbm>>
    %dma_wait3A_1020 = arith.constant 0 : i32
    %dma_wait3A_1021 = tpu.memref_slice %arg4[%add3A_670, %dma_wait3A_1020] : memref<106496x16xf32, #tpu.memory_space<hbm>> -> memref<128x16xf32, #tpu.memory_space<hbm>>
    %dma_wait3A_1022 = arith.constant 2304 : i32
    %dma_wait3A_1023 = arith.constant 0 : i32
    %dma_wait3A_1024 = tpu.memref_slice %arg6[%dma_wait3A_1022, %dma_wait3A_1023] : memref<3328x16xf32, #tpu.memory_space<vmem>> -> memref<128x16xf32, #tpu.memory_space<vmem>>
    tpu.wait_dma2 semaphore(%arg8 : memref<!tpu.dma_semaphore, #tpu.memory_space<semaphore_mem>>) src(%dma_wait3A_1024 : memref<128x16xf32, #tpu.memory_space<vmem>>) dst(%dma_wait3A_1021 : memref<128x16xf32, #tpu.memory_space<hbm>>)
    %dma_wait3A_1025 = arith.constant 2432 : i32
    %dma_wait3A_1026 = arith.constant 0 : i32
    %dma_wait3A_1027 = tpu.memref_slice %arg6[%dma_wait3A_1025, %dma_wait3A_1026] : memref<3328x16xf32, #tpu.memory_space<vmem>> -> memref<128x16xf32, #tpu.memory_space<vmem>>
    %dma_wait3A_1028 = arith.constant 0 : i32
    %dma_wait3A_1029 = tpu.memref_slice %arg4[%add3A_692, %dma_wait3A_1028] : memref<106496x16xf32, #tpu.memory_space<hbm>> -> memref<128x16xf32, #tpu.memory_space<hbm>>
    %dma_wait3A_1030 = arith.constant 0 : i32
    %dma_wait3A_1031 = tpu.memref_slice %arg4[%add3A_692, %dma_wait3A_1030] : memref<106496x16xf32, #tpu.memory_space<hbm>> -> memref<128x16xf32, #tpu.memory_space<hbm>>
    %dma_wait3A_1032 = arith.constant 2432 : i32
    %dma_wait3A_1033 = arith.constant 0 : i32
    %dma_wait3A_1034 = tpu.memref_slice %arg6[%dma_wait3A_1032, %dma_wait3A_1033] : memref<3328x16xf32, #tpu.memory_space<vmem>> -> memref<128x16xf32, #tpu.memory_space<vmem>>
    tpu.wait_dma2 semaphore(%arg8 : memref<!tpu.dma_semaphore, #tpu.memory_space<semaphore_mem>>) src(%dma_wait3A_1034 : memref<128x16xf32, #tpu.memory_space<vmem>>) dst(%dma_wait3A_1031 : memref<128x16xf32, #tpu.memory_space<hbm>>)
    %dma_wait3A_1035 = arith.constant 2560 : i32
    %dma_wait3A_1036 = arith.constant 0 : i32
    %dma_wait3A_1037 = tpu.memref_slice %arg6[%dma_wait3A_1035, %dma_wait3A_1036] : memref<3328x16xf32, #tpu.memory_space<vmem>> -> memref<128x16xf32, #tpu.memory_space<vmem>>
    %dma_wait3A_1038 = arith.constant 0 : i32
    %dma_wait3A_1039 = tpu.memref_slice %arg4[%add3A_714, %dma_wait3A_1038] : memref<106496x16xf32, #tpu.memory_space<hbm>> -> memref<128x16xf32, #tpu.memory_space<hbm>>
    %dma_wait3A_1040 = arith.constant 0 : i32
    %dma_wait3A_1041 = tpu.memref_slice %arg4[%add3A_714, %dma_wait3A_1040] : memref<106496x16xf32, #tpu.memory_space<hbm>> -> memref<128x16xf32, #tpu.memory_space<hbm>>
    %dma_wait3A_1042 = arith.constant 2560 : i32
    %dma_wait3A_1043 = arith.constant 0 : i32
    %dma_wait3A_1044 = tpu.memref_slice %arg6[%dma_wait3A_1042, %dma_wait3A_1043] : memref<3328x16xf32, #tpu.memory_space<vmem>> -> memref<128x16xf32, #tpu.memory_space<vmem>>
    tpu.wait_dma2 semaphore(%arg8 : memref<!tpu.dma_semaphore, #tpu.memory_space<semaphore_mem>>) src(%dma_wait3A_1044 : memref<128x16xf32, #tpu.memory_space<vmem>>) dst(%dma_wait3A_1041 : memref<128x16xf32, #tpu.memory_space<hbm>>)
    %dma_wait3A_1045 = arith.constant 2688 : i32
    %dma_wait3A_1046 = arith.constant 0 : i32
    %dma_wait3A_1047 = tpu.memref_slice %arg6[%dma_wait3A_1045, %dma_wait3A_1046] : memref<3328x16xf32, #tpu.memory_space<vmem>> -> memref<128x16xf32, #tpu.memory_space<vmem>>
    %dma_wait3A_1048 = arith.constant 0 : i32
    %dma_wait3A_1049 = tpu.memref_slice %arg4[%add3A_736, %dma_wait3A_1048] : memref<106496x16xf32, #tpu.memory_space<hbm>> -> memref<128x16xf32, #tpu.memory_space<hbm>>
    %dma_wait3A_1050 = arith.constant 0 : i32
    %dma_wait3A_1051 = tpu.memref_slice %arg4[%add3A_736, %dma_wait3A_1050] : memref<106496x16xf32, #tpu.memory_space<hbm>> -> memref<128x16xf32, #tpu.memory_space<hbm>>
    %dma_wait3A_1052 = arith.constant 2688 : i32
    %dma_wait3A_1053 = arith.constant 0 : i32
    %dma_wait3A_1054 = tpu.memref_slice %arg6[%dma_wait3A_1052, %dma_wait3A_1053] : memref<3328x16xf32, #tpu.memory_space<vmem>> -> memref<128x16xf32, #tpu.memory_space<vmem>>
    tpu.wait_dma2 semaphore(%arg8 : memref<!tpu.dma_semaphore, #tpu.memory_space<semaphore_mem>>) src(%dma_wait3A_1054 : memref<128x16xf32, #tpu.memory_space<vmem>>) dst(%dma_wait3A_1051 : memref<128x16xf32, #tpu.memory_space<hbm>>)
    %dma_wait3A_1055 = arith.constant 2816 : i32
    %dma_wait3A_1056 = arith.constant 0 : i32
    %dma_wait3A_1057 = tpu.memref_slice %arg6[%dma_wait3A_1055, %dma_wait3A_1056] : memref<3328x16xf32, #tpu.memory_space<vmem>> -> memref<128x16xf32, #tpu.memory_space<vmem>>
    %dma_wait3A_1058 = arith.constant 0 : i32
    %dma_wait3A_1059 = tpu.memref_slice %arg4[%add3A_758, %dma_wait3A_1058] : memref<106496x16xf32, #tpu.memory_space<hbm>> -> memref<128x16xf32, #tpu.memory_space<hbm>>
    %dma_wait3A_1060 = arith.constant 0 : i32
    %dma_wait3A_1061 = tpu.memref_slice %arg4[%add3A_758, %dma_wait3A_1060] : memref<106496x16xf32, #tpu.memory_space<hbm>> -> memref<128x16xf32, #tpu.memory_space<hbm>>
    %dma_wait3A_1062 = arith.constant 2816 : i32
    %dma_wait3A_1063 = arith.constant 0 : i32
    %dma_wait3A_1064 = tpu.memref_slice %arg6[%dma_wait3A_1062, %dma_wait3A_1063] : memref<3328x16xf32, #tpu.memory_space<vmem>> -> memref<128x16xf32, #tpu.memory_space<vmem>>
    tpu.wait_dma2 semaphore(%arg8 : memref<!tpu.dma_semaphore, #tpu.memory_space<semaphore_mem>>) src(%dma_wait3A_1064 : memref<128x16xf32, #tpu.memory_space<vmem>>) dst(%dma_wait3A_1061 : memref<128x16xf32, #tpu.memory_space<hbm>>)
    %dma_wait3A_1065 = arith.constant 2944 : i32
    %dma_wait3A_1066 = arith.constant 0 : i32
    %dma_wait3A_1067 = tpu.memref_slice %arg6[%dma_wait3A_1065, %dma_wait3A_1066] : memref<3328x16xf32, #tpu.memory_space<vmem>> -> memref<128x16xf32, #tpu.memory_space<vmem>>
    %dma_wait3A_1068 = arith.constant 0 : i32
    %dma_wait3A_1069 = tpu.memref_slice %arg4[%add3A_780, %dma_wait3A_1068] : memref<106496x16xf32, #tpu.memory_space<hbm>> -> memref<128x16xf32, #tpu.memory_space<hbm>>
    %dma_wait3A_1070 = arith.constant 0 : i32
    %dma_wait3A_1071 = tpu.memref_slice %arg4[%add3A_780, %dma_wait3A_1070] : memref<106496x16xf32, #tpu.memory_space<hbm>> -> memref<128x16xf32, #tpu.memory_space<hbm>>
    %dma_wait3A_1072 = arith.constant 2944 : i32
    %dma_wait3A_1073 = arith.constant 0 : i32
    %dma_wait3A_1074 = tpu.memref_slice %arg6[%dma_wait3A_1072, %dma_wait3A_1073] : memref<3328x16xf32, #tpu.memory_space<vmem>> -> memref<128x16xf32, #tpu.memory_space<vmem>>
    tpu.wait_dma2 semaphore(%arg8 : memref<!tpu.dma_semaphore, #tpu.memory_space<semaphore_mem>>) src(%dma_wait3A_1074 : memref<128x16xf32, #tpu.memory_space<vmem>>) dst(%dma_wait3A_1071 : memref<128x16xf32, #tpu.memory_space<hbm>>)
    %dma_wait3A_1075 = arith.constant 3072 : i32
    %dma_wait3A_1076 = arith.constant 0 : i32
    %dma_wait3A_1077 = tpu.memref_slice %arg6[%dma_wait3A_1075, %dma_wait3A_1076] : memref<3328x16xf32, #tpu.memory_space<vmem>> -> memref<128x16xf32, #tpu.memory_space<vmem>>
    %dma_wait3A_1078 = arith.constant 0 : i32
    %dma_wait3A_1079 = tpu.memref_slice %arg4[%add3A_802, %dma_wait3A_1078] : memref<106496x16xf32, #tpu.memory_space<hbm>> -> memref<128x16xf32, #tpu.memory_space<hbm>>
    %dma_wait3A_1080 = arith.constant 0 : i32
    %dma_wait3A_1081 = tpu.memref_slice %arg4[%add3A_802, %dma_wait3A_1080] : memref<106496x16xf32, #tpu.memory_space<hbm>> -> memref<128x16xf32, #tpu.memory_space<hbm>>
    %dma_wait3A_1082 = arith.constant 3072 : i32
    %dma_wait3A_1083 = arith.constant 0 : i32
    %dma_wait3A_1084 = tpu.memref_slice %arg6[%dma_wait3A_1082, %dma_wait3A_1083] : memref<3328x16xf32, #tpu.memory_space<vmem>> -> memref<128x16xf32, #tpu.memory_space<vmem>>
    tpu.wait_dma2 semaphore(%arg8 : memref<!tpu.dma_semaphore, #tpu.memory_space<semaphore_mem>>) src(%dma_wait3A_1084 : memref<128x16xf32, #tpu.memory_space<vmem>>) dst(%dma_wait3A_1081 : memref<128x16xf32, #tpu.memory_space<hbm>>)
    %dma_wait3A_1085 = arith.constant 3200 : i32
    %dma_wait3A_1086 = arith.constant 0 : i32
    %dma_wait3A_1087 = tpu.memref_slice %arg6[%dma_wait3A_1085, %dma_wait3A_1086] : memref<3328x16xf32, #tpu.memory_space<vmem>> -> memref<128x16xf32, #tpu.memory_space<vmem>>
    %dma_wait3A_1088 = arith.constant 0 : i32
    %dma_wait3A_1089 = tpu.memref_slice %arg4[%add3A_824, %dma_wait3A_1088] : memref<106496x16xf32, #tpu.memory_space<hbm>> -> memref<128x16xf32, #tpu.memory_space<hbm>>
    %dma_wait3A_1090 = arith.constant 0 : i32
    %dma_wait3A_1091 = tpu.memref_slice %arg4[%add3A_824, %dma_wait3A_1090] : memref<106496x16xf32, #tpu.memory_space<hbm>> -> memref<128x16xf32, #tpu.memory_space<hbm>>
    %dma_wait3A_1092 = arith.constant 3200 : i32
    %dma_wait3A_1093 = arith.constant 0 : i32
    %dma_wait3A_1094 = tpu.memref_slice %arg6[%dma_wait3A_1092, %dma_wait3A_1093] : memref<3328x16xf32, #tpu.memory_space<vmem>> -> memref<128x16xf32, #tpu.memory_space<vmem>>
    tpu.wait_dma2 semaphore(%arg8 : memref<!tpu.dma_semaphore, #tpu.memory_space<semaphore_mem>>) src(%dma_wait3A_1094 : memref<128x16xf32, #tpu.memory_space<vmem>>) dst(%dma_wait3A_1091 : memref<128x16xf32, #tpu.memory_space<hbm>>)
    return
  }
}

module attributes {stable_mosaic.version = 14 : i64} {
  func.func @_fmt_body(%arg0: i32, %arg1: memref<10x8192xf32, #tpu.memory_space<vmem>>, %arg2: memref<10x8192xf32, #tpu.memory_space<vmem>>, %arg3: memref<10x8192xf32, #tpu.memory_space<vmem>>, %arg4: memref<10x8192xf32, #tpu.memory_space<vmem>>, %arg5: memref<10x8192xf32, #tpu.memory_space<vmem>>, %arg6: memref<10x8192xf32, #tpu.memory_space<vmem>>, %arg7: memref<10x8192xf32, #tpu.memory_space<vmem>>, %arg8: memref<10x8192xf32, #tpu.memory_space<vmem>>, %arg9: memref<10x8192xf32, #tpu.memory_space<vmem>>, %arg10: memref<10x8192xf32, #tpu.memory_space<vmem>>, %arg11: memref<10x8192xf32, #tpu.memory_space<vmem>>, %arg12: memref<10x8192xf32, #tpu.memory_space<vmem>>, %arg13: memref<10x8192xf32, #tpu.memory_space<vmem>>, %arg14: memref<10x8192xf32, #tpu.memory_space<vmem>>, %arg15: memref<10x8192xf32, #tpu.memory_space<vmem>>, %arg16: memref<10x8192xf32, #tpu.memory_space<vmem>>, %arg17: memref<8192x128xf32, #tpu.memory_space<vmem>>) attributes {dimension_semantics = [#tpu.dimension_semantics<arbitrary>], iteration_bounds = array<i64: 16>, scalar_prefetch = 0 : i64, scratch_operands = 0 : i64, tpu.core_type = #tpu.core_type<tc>, window_params = [{transform_indices = @transform_0, window_bounds = array<i64: 10, 8192>}, {transform_indices = @transform_1, window_bounds = array<i64: 10, 8192>}, {transform_indices = @transform_2, window_bounds = array<i64: 10, 8192>}, {transform_indices = @transform_3, window_bounds = array<i64: 10, 8192>}, {transform_indices = @transform_4, window_bounds = array<i64: 10, 8192>}, {transform_indices = @transform_5, window_bounds = array<i64: 10, 8192>}, {transform_indices = @transform_6, window_bounds = array<i64: 10, 8192>}, {transform_indices = @transform_7, window_bounds = array<i64: 10, 8192>}, {transform_indices = @transform_8, window_bounds = array<i64: 10, 8192>}, {transform_indices = @transform_9, window_bounds = array<i64: 10, 8192>}, {transform_indices = @transform_10, window_bounds = array<i64: 10, 8192>}, {transform_indices = @transform_11, window_bounds = array<i64: 10, 8192>}, {transform_indices = @transform_12, window_bounds = array<i64: 10, 8192>}, {transform_indices = @transform_13, window_bounds = array<i64: 10, 8192>}, {transform_indices = @transform_14, window_bounds = array<i64: 10, 8192>}, {transform_indices = @transform_15, window_bounds = array<i64: 10, 8192>}, {transform_indices = @transform_16, window_bounds = array<i64: 8192, 128>}]} {
    %get3A = arith.constant 0 : index
    %get3A_0 = arith.constant 0 : index
    %get3A_1 = vector.load %arg1[%get3A, %get3A_0] : memref<10x8192xf32, #tpu.memory_space<vmem>>, vector<10x8192xf32>
    %get3A_2 = arith.constant 0 : index
    %get3A_3 = arith.constant 0 : index
    %get3A_4 = vector.load %arg9[%get3A_2, %get3A_3] : memref<10x8192xf32, #tpu.memory_space<vmem>>, vector<10x8192xf32>
    %reduce_sum3A = arith.constant dense<0.000000e+00> : vector<8192xf32>
    %reduce_sum3A_5 = vector.multi_reduction <add>, %get3A_4, %reduce_sum3A [0] : vector<10x8192xf32> to vector<8192xf32>
    %broadcast_in_dim3A = vector.shape_cast %reduce_sum3A_5 : vector<8192xf32> to vector<1x8192xf32>
    %broadcast_in_dim3A_6 = arith.constant 0.000000e+00 : f32
    %broadcast_in_dim3A_7 = vector.broadcast %broadcast_in_dim3A_6 : f32 to vector<5x8192xf32>
    %get3A_8 = arith.constant 0 : index
    %get3A_9 = arith.constant 0 : index
    %get3A_10 = vector.load %arg2[%get3A_8, %get3A_9] : memref<10x8192xf32, #tpu.memory_space<vmem>>, vector<10x8192xf32>
    %get3A_11 = arith.constant 0 : index
    %get3A_12 = arith.constant 0 : index
    %get3A_13 = vector.load %arg10[%get3A_11, %get3A_12] : memref<10x8192xf32, #tpu.memory_space<vmem>>, vector<10x8192xf32>
    %reduce_sum3A_14 = arith.constant dense<0.000000e+00> : vector<8192xf32>
    %reduce_sum3A_15 = vector.multi_reduction <add>, %get3A_13, %reduce_sum3A_14 [0] : vector<10x8192xf32> to vector<8192xf32>
    %broadcast_in_dim3A_16 = vector.shape_cast %reduce_sum3A_15 : vector<8192xf32> to vector<1x8192xf32>
    %broadcast_in_dim3A_17 = arith.constant 0.000000e+00 : f32
    %broadcast_in_dim3A_18 = vector.broadcast %broadcast_in_dim3A_17 : f32 to vector<5x8192xf32>
    %get3A_19 = arith.constant 0 : index
    %get3A_20 = arith.constant 0 : index
    %get3A_21 = vector.load %arg3[%get3A_19, %get3A_20] : memref<10x8192xf32, #tpu.memory_space<vmem>>, vector<10x8192xf32>
    %get3A_22 = arith.constant 0 : index
    %get3A_23 = arith.constant 0 : index
    %get3A_24 = vector.load %arg11[%get3A_22, %get3A_23] : memref<10x8192xf32, #tpu.memory_space<vmem>>, vector<10x8192xf32>
    %reduce_sum3A_25 = arith.constant dense<0.000000e+00> : vector<8192xf32>
    %reduce_sum3A_26 = vector.multi_reduction <add>, %get3A_24, %reduce_sum3A_25 [0] : vector<10x8192xf32> to vector<8192xf32>
    %broadcast_in_dim3A_27 = vector.shape_cast %reduce_sum3A_26 : vector<8192xf32> to vector<1x8192xf32>
    %broadcast_in_dim3A_28 = arith.constant 0.000000e+00 : f32
    %broadcast_in_dim3A_29 = vector.broadcast %broadcast_in_dim3A_28 : f32 to vector<5x8192xf32>
    %get3A_30 = arith.constant 0 : index
    %get3A_31 = arith.constant 0 : index
    %get3A_32 = vector.load %arg4[%get3A_30, %get3A_31] : memref<10x8192xf32, #tpu.memory_space<vmem>>, vector<10x8192xf32>
    %get3A_33 = arith.constant 0 : index
    %get3A_34 = arith.constant 0 : index
    %get3A_35 = vector.load %arg12[%get3A_33, %get3A_34] : memref<10x8192xf32, #tpu.memory_space<vmem>>, vector<10x8192xf32>
    %reduce_sum3A_36 = arith.constant dense<0.000000e+00> : vector<8192xf32>
    %reduce_sum3A_37 = vector.multi_reduction <add>, %get3A_35, %reduce_sum3A_36 [0] : vector<10x8192xf32> to vector<8192xf32>
    %broadcast_in_dim3A_38 = vector.shape_cast %reduce_sum3A_37 : vector<8192xf32> to vector<1x8192xf32>
    %broadcast_in_dim3A_39 = arith.constant 0.000000e+00 : f32
    %broadcast_in_dim3A_40 = vector.broadcast %broadcast_in_dim3A_39 : f32 to vector<5x8192xf32>
    %get3A_41 = arith.constant 0 : index
    %get3A_42 = arith.constant 0 : index
    %get3A_43 = vector.load %arg5[%get3A_41, %get3A_42] : memref<10x8192xf32, #tpu.memory_space<vmem>>, vector<10x8192xf32>
    %get3A_44 = arith.constant 0 : index
    %get3A_45 = arith.constant 0 : index
    %get3A_46 = vector.load %arg13[%get3A_44, %get3A_45] : memref<10x8192xf32, #tpu.memory_space<vmem>>, vector<10x8192xf32>
    %reduce_sum3A_47 = arith.constant dense<0.000000e+00> : vector<8192xf32>
    %reduce_sum3A_48 = vector.multi_reduction <add>, %get3A_46, %reduce_sum3A_47 [0] : vector<10x8192xf32> to vector<8192xf32>
    %broadcast_in_dim3A_49 = vector.shape_cast %reduce_sum3A_48 : vector<8192xf32> to vector<1x8192xf32>
    %broadcast_in_dim3A_50 = arith.constant 0.000000e+00 : f32
    %broadcast_in_dim3A_51 = vector.broadcast %broadcast_in_dim3A_50 : f32 to vector<5x8192xf32>
    %get3A_52 = arith.constant 0 : index
    %get3A_53 = arith.constant 0 : index
    %get3A_54 = vector.load %arg6[%get3A_52, %get3A_53] : memref<10x8192xf32, #tpu.memory_space<vmem>>, vector<10x8192xf32>
    %get3A_55 = arith.constant 0 : index
    %get3A_56 = arith.constant 0 : index
    %get3A_57 = vector.load %arg14[%get3A_55, %get3A_56] : memref<10x8192xf32, #tpu.memory_space<vmem>>, vector<10x8192xf32>
    %reduce_sum3A_58 = arith.constant dense<0.000000e+00> : vector<8192xf32>
    %reduce_sum3A_59 = vector.multi_reduction <add>, %get3A_57, %reduce_sum3A_58 [0] : vector<10x8192xf32> to vector<8192xf32>
    %broadcast_in_dim3A_60 = vector.shape_cast %reduce_sum3A_59 : vector<8192xf32> to vector<1x8192xf32>
    %broadcast_in_dim3A_61 = arith.constant 0.000000e+00 : f32
    %broadcast_in_dim3A_62 = vector.broadcast %broadcast_in_dim3A_61 : f32 to vector<5x8192xf32>
    %get3A_63 = arith.constant 0 : index
    %get3A_64 = arith.constant 0 : index
    %get3A_65 = vector.load %arg7[%get3A_63, %get3A_64] : memref<10x8192xf32, #tpu.memory_space<vmem>>, vector<10x8192xf32>
    %get3A_66 = arith.constant 0 : index
    %get3A_67 = arith.constant 0 : index
    %get3A_68 = vector.load %arg15[%get3A_66, %get3A_67] : memref<10x8192xf32, #tpu.memory_space<vmem>>, vector<10x8192xf32>
    %reduce_sum3A_69 = arith.constant dense<0.000000e+00> : vector<8192xf32>
    %reduce_sum3A_70 = vector.multi_reduction <add>, %get3A_68, %reduce_sum3A_69 [0] : vector<10x8192xf32> to vector<8192xf32>
    %broadcast_in_dim3A_71 = vector.shape_cast %reduce_sum3A_70 : vector<8192xf32> to vector<1x8192xf32>
    %broadcast_in_dim3A_72 = arith.constant 0.000000e+00 : f32
    %broadcast_in_dim3A_73 = vector.broadcast %broadcast_in_dim3A_72 : f32 to vector<5x8192xf32>
    %get3A_74 = arith.constant 0 : index
    %get3A_75 = arith.constant 0 : index
    %get3A_76 = vector.load %arg8[%get3A_74, %get3A_75] : memref<10x8192xf32, #tpu.memory_space<vmem>>, vector<10x8192xf32>
    %get3A_77 = arith.constant 0 : index
    %get3A_78 = arith.constant 0 : index
    %get3A_79 = vector.load %arg16[%get3A_77, %get3A_78] : memref<10x8192xf32, #tpu.memory_space<vmem>>, vector<10x8192xf32>
    %reduce_sum3A_80 = arith.constant dense<0.000000e+00> : vector<8192xf32>
    %reduce_sum3A_81 = vector.multi_reduction <add>, %get3A_79, %reduce_sum3A_80 [0] : vector<10x8192xf32> to vector<8192xf32>
    %broadcast_in_dim3A_82 = vector.shape_cast %reduce_sum3A_81 : vector<8192xf32> to vector<1x8192xf32>
    %broadcast_in_dim3A_83 = arith.constant 0.000000e+00 : f32
    %broadcast_in_dim3A_84 = vector.broadcast %broadcast_in_dim3A_83 : f32 to vector<5x8192xf32>
    %concatenate3A = tpu.concatenate %get3A_1, %broadcast_in_dim3A, %broadcast_in_dim3A_7, %get3A_10, %broadcast_in_dim3A_16, %broadcast_in_dim3A_18, %get3A_21, %broadcast_in_dim3A_27, %broadcast_in_dim3A_29, %get3A_32, %broadcast_in_dim3A_38, %broadcast_in_dim3A_40, %get3A_43, %broadcast_in_dim3A_49, %broadcast_in_dim3A_51, %get3A_54, %broadcast_in_dim3A_60, %broadcast_in_dim3A_62, %get3A_65, %broadcast_in_dim3A_71, %broadcast_in_dim3A_73, %get3A_76, %broadcast_in_dim3A_82, %broadcast_in_dim3A_84 in 0 : vector<10x8192xf32>, vector<1x8192xf32>, vector<5x8192xf32>, vector<10x8192xf32>, vector<1x8192xf32>, vector<5x8192xf32>, vector<10x8192xf32>, vector<1x8192xf32>, vector<5x8192xf32>, vector<10x8192xf32>, vector<1x8192xf32>, vector<5x8192xf32>, vector<10x8192xf32>, vector<1x8192xf32>, vector<5x8192xf32>, vector<10x8192xf32>, vector<1x8192xf32>, vector<5x8192xf32>, vector<10x8192xf32>, vector<1x8192xf32>, vector<5x8192xf32>, vector<10x8192xf32>, vector<1x8192xf32>, vector<5x8192xf32> -> vector<128x8192xf32>
    %iota3A = tpu.iota {dimensions = array<i32: 0>} : vector<128x128xi32>
    %iota3A_85 = tpu.iota {dimensions = array<i32: 1>} : vector<128x128xi32>
    %eq3A = arith.cmpi eq, %iota3A, %iota3A_85 : vector<128x128xi32>
    %convert_element_type3A = arith.extui %eq3A : vector<128x128xi1> to vector<128x128xi32>
    %convert_element_type3A_86 = arith.sitofp %convert_element_type3A : vector<128x128xi32> to vector<128x128xf32>
    %convert_element_type3A_87 = arith.truncf %concatenate3A : vector<128x8192xf32> to vector<128x8192xbf16>
    %convert_element_type3A_88 = arith.extf %convert_element_type3A_87 : vector<128x8192xbf16> to vector<128x8192xf32>
    %sub3A = arith.subf %concatenate3A, %convert_element_type3A_88 : vector<128x8192xf32>
    %dot_general3A = arith.constant dense<0.000000e+00> : vector<8192x128xf32>
    %dot_general3A_89 = tpu.matmul %convert_element_type3A_88, %convert_element_type3A_86, %dot_general3A {dimension_numbers = #tpu.dot_dimension_numbers<[0], [0], [1], [1], [0, 1, 1, 1], [], []>, transpose_lhs_hint = false} : vector<128x8192xf32>, vector<128x128xf32>, vector<8192x128xf32> -> vector<8192x128xf32>
    %dot_general3A_90 = arith.constant dense<0.000000e+00> : vector<8192x128xf32>
    %dot_general3A_91 = tpu.matmul %sub3A, %convert_element_type3A_86, %dot_general3A_90 {dimension_numbers = #tpu.dot_dimension_numbers<[0], [0], [1], [1], [0, 1, 1, 1], [], []>, transpose_lhs_hint = false} : vector<128x8192xf32>, vector<128x128xf32>, vector<8192x128xf32> -> vector<8192x128xf32>
    %add3A = arith.addf %dot_general3A_89, %dot_general3A_91 : vector<8192x128xf32>
    %swap3A = arith.constant 0 : index
    %swap3A_92 = arith.constant 0 : index
    %swap3A_93 = vector.load %arg17[%swap3A, %swap3A_92] : memref<8192x128xf32, #tpu.memory_space<vmem>>, vector<8192x128xf32>
    tpu.vector_store %arg17[%swap3A, %swap3A_92], %add3A {strides = array<i32>} : memref<8192x128xf32, #tpu.memory_space<vmem>>, vector<8192x128xf32>,
    return
  }
  func.func @transform_0(%arg0: i32) -> (i32, i32) {
    %mul3A = arith.constant 8 : i32
    %mul3A_0 = arith.muli %mul3A, %arg0 : i32
    %add3A = arith.constant 0 : i32
    %add3A_1 = arith.addi %mul3A_0, %add3A : i32
    %min3A = arith.constant 122 : i32
    %min3A_2 = arith.minsi %add3A_1, %min3A : i32
    %c0_i32 = arith.constant 0 : i32
    %c0_i32_3 = arith.constant 0 : i32
    return %c0_i32, %min3A_2 : i32, i32
  }
  func.func @transform_1(%arg0: i32) -> (i32, i32) {
    %mul3A = arith.constant 8 : i32
    %mul3A_0 = arith.muli %mul3A, %arg0 : i32
    %add3A = arith.constant 1 : i32
    %add3A_1 = arith.addi %mul3A_0, %add3A : i32
    %min3A = arith.constant 122 : i32
    %min3A_2 = arith.minsi %add3A_1, %min3A : i32
    %c0_i32 = arith.constant 0 : i32
    %c0_i32_3 = arith.constant 0 : i32
    return %c0_i32, %min3A_2 : i32, i32
  }
  func.func @transform_2(%arg0: i32) -> (i32, i32) {
    %mul3A = arith.constant 8 : i32
    %mul3A_0 = arith.muli %mul3A, %arg0 : i32
    %add3A = arith.constant 2 : i32
    %add3A_1 = arith.addi %mul3A_0, %add3A : i32
    %min3A = arith.constant 122 : i32
    %min3A_2 = arith.minsi %add3A_1, %min3A : i32
    %c0_i32 = arith.constant 0 : i32
    %c0_i32_3 = arith.constant 0 : i32
    return %c0_i32, %min3A_2 : i32, i32
  }
  func.func @transform_3(%arg0: i32) -> (i32, i32) {
    %mul3A = arith.constant 8 : i32
    %mul3A_0 = arith.muli %mul3A, %arg0 : i32
    %add3A = arith.constant 3 : i32
    %add3A_1 = arith.addi %mul3A_0, %add3A : i32
    %min3A = arith.constant 122 : i32
    %min3A_2 = arith.minsi %add3A_1, %min3A : i32
    %c0_i32 = arith.constant 0 : i32
    %c0_i32_3 = arith.constant 0 : i32
    return %c0_i32, %min3A_2 : i32, i32
  }
  func.func @transform_4(%arg0: i32) -> (i32, i32) {
    %mul3A = arith.constant 8 : i32
    %mul3A_0 = arith.muli %mul3A, %arg0 : i32
    %add3A = arith.constant 4 : i32
    %add3A_1 = arith.addi %mul3A_0, %add3A : i32
    %min3A = arith.constant 122 : i32
    %min3A_2 = arith.minsi %add3A_1, %min3A : i32
    %c0_i32 = arith.constant 0 : i32
    %c0_i32_3 = arith.constant 0 : i32
    return %c0_i32, %min3A_2 : i32, i32
  }
  func.func @transform_5(%arg0: i32) -> (i32, i32) {
    %mul3A = arith.constant 8 : i32
    %mul3A_0 = arith.muli %mul3A, %arg0 : i32
    %add3A = arith.constant 5 : i32
    %add3A_1 = arith.addi %mul3A_0, %add3A : i32
    %min3A = arith.constant 122 : i32
    %min3A_2 = arith.minsi %add3A_1, %min3A : i32
    %c0_i32 = arith.constant 0 : i32
    %c0_i32_3 = arith.constant 0 : i32
    return %c0_i32, %min3A_2 : i32, i32
  }
  func.func @transform_6(%arg0: i32) -> (i32, i32) {
    %mul3A = arith.constant 8 : i32
    %mul3A_0 = arith.muli %mul3A, %arg0 : i32
    %add3A = arith.constant 6 : i32
    %add3A_1 = arith.addi %mul3A_0, %add3A : i32
    %min3A = arith.constant 122 : i32
    %min3A_2 = arith.minsi %add3A_1, %min3A : i32
    %c0_i32 = arith.constant 0 : i32
    %c0_i32_3 = arith.constant 0 : i32
    return %c0_i32, %min3A_2 : i32, i32
  }
  func.func @transform_7(%arg0: i32) -> (i32, i32) {
    %mul3A = arith.constant 8 : i32
    %mul3A_0 = arith.muli %mul3A, %arg0 : i32
    %add3A = arith.constant 7 : i32
    %add3A_1 = arith.addi %mul3A_0, %add3A : i32
    %min3A = arith.constant 122 : i32
    %min3A_2 = arith.minsi %add3A_1, %min3A : i32
    %c0_i32 = arith.constant 0 : i32
    %c0_i32_3 = arith.constant 0 : i32
    return %c0_i32, %min3A_2 : i32, i32
  }
  func.func @transform_8(%arg0: i32) -> (i32, i32) {
    %mul3A = arith.constant 8 : i32
    %mul3A_0 = arith.muli %mul3A, %arg0 : i32
    %add3A = arith.constant 0 : i32
    %add3A_1 = arith.addi %mul3A_0, %add3A : i32
    %min3A = arith.constant 122 : i32
    %min3A_2 = arith.minsi %add3A_1, %min3A : i32
    %c0_i32 = arith.constant 0 : i32
    %c0_i32_3 = arith.constant 0 : i32
    return %c0_i32, %min3A_2 : i32, i32
  }
  func.func @transform_9(%arg0: i32) -> (i32, i32) {
    %mul3A = arith.constant 8 : i32
    %mul3A_0 = arith.muli %mul3A, %arg0 : i32
    %add3A = arith.constant 1 : i32
    %add3A_1 = arith.addi %mul3A_0, %add3A : i32
    %min3A = arith.constant 122 : i32
    %min3A_2 = arith.minsi %add3A_1, %min3A : i32
    %c0_i32 = arith.constant 0 : i32
    %c0_i32_3 = arith.constant 0 : i32
    return %c0_i32, %min3A_2 : i32, i32
  }
  func.func @transform_10(%arg0: i32) -> (i32, i32) {
    %mul3A = arith.constant 8 : i32
    %mul3A_0 = arith.muli %mul3A, %arg0 : i32
    %add3A = arith.constant 2 : i32
    %add3A_1 = arith.addi %mul3A_0, %add3A : i32
    %min3A = arith.constant 122 : i32
    %min3A_2 = arith.minsi %add3A_1, %min3A : i32
    %c0_i32 = arith.constant 0 : i32
    %c0_i32_3 = arith.constant 0 : i32
    return %c0_i32, %min3A_2 : i32, i32
  }
  func.func @transform_11(%arg0: i32) -> (i32, i32) {
    %mul3A = arith.constant 8 : i32
    %mul3A_0 = arith.muli %mul3A, %arg0 : i32
    %add3A = arith.constant 3 : i32
    %add3A_1 = arith.addi %mul3A_0, %add3A : i32
    %min3A = arith.constant 122 : i32
    %min3A_2 = arith.minsi %add3A_1, %min3A : i32
    %c0_i32 = arith.constant 0 : i32
    %c0_i32_3 = arith.constant 0 : i32
    return %c0_i32, %min3A_2 : i32, i32
  }
  func.func @transform_12(%arg0: i32) -> (i32, i32) {
    %mul3A = arith.constant 8 : i32
    %mul3A_0 = arith.muli %mul3A, %arg0 : i32
    %add3A = arith.constant 4 : i32
    %add3A_1 = arith.addi %mul3A_0, %add3A : i32
    %min3A = arith.constant 122 : i32
    %min3A_2 = arith.minsi %add3A_1, %min3A : i32
    %c0_i32 = arith.constant 0 : i32
    %c0_i32_3 = arith.constant 0 : i32
    return %c0_i32, %min3A_2 : i32, i32
  }
  func.func @transform_13(%arg0: i32) -> (i32, i32) {
    %mul3A = arith.constant 8 : i32
    %mul3A_0 = arith.muli %mul3A, %arg0 : i32
    %add3A = arith.constant 5 : i32
    %add3A_1 = arith.addi %mul3A_0, %add3A : i32
    %min3A = arith.constant 122 : i32
    %min3A_2 = arith.minsi %add3A_1, %min3A : i32
    %c0_i32 = arith.constant 0 : i32
    %c0_i32_3 = arith.constant 0 : i32
    return %c0_i32, %min3A_2 : i32, i32
  }
  func.func @transform_14(%arg0: i32) -> (i32, i32) {
    %mul3A = arith.constant 8 : i32
    %mul3A_0 = arith.muli %mul3A, %arg0 : i32
    %add3A = arith.constant 6 : i32
    %add3A_1 = arith.addi %mul3A_0, %add3A : i32
    %min3A = arith.constant 122 : i32
    %min3A_2 = arith.minsi %add3A_1, %min3A : i32
    %c0_i32 = arith.constant 0 : i32
    %c0_i32_3 = arith.constant 0 : i32
    return %c0_i32, %min3A_2 : i32, i32
  }
  func.func @transform_15(%arg0: i32) -> (i32, i32) {
    %mul3A = arith.constant 8 : i32
    %mul3A_0 = arith.muli %mul3A, %arg0 : i32
    %add3A = arith.constant 7 : i32
    %add3A_1 = arith.addi %mul3A_0, %add3A : i32
    %min3A = arith.constant 122 : i32
    %min3A_2 = arith.minsi %add3A_1, %min3A : i32
    %c0_i32 = arith.constant 0 : i32
    %c0_i32_3 = arith.constant 0 : i32
    return %c0_i32, %min3A_2 : i32, i32
  }
  func.func @transform_16(%arg0: i32) -> (i32, i32) {
    %c0_i32 = arith.constant 0 : i32
    %c0_i32_0 = arith.constant 0 : i32
    return %arg0, %c0_i32 : i32, i32
  }
}

module attributes {stable_mosaic.version = 14 : i64} {
  func.func @_tc_body(%arg0: i32, %arg1: memref<2048x416xf32, #tpu.memory_space<vmem>>, %arg2: memref<416xf32, #tpu.memory_space<vmem>>, %arg3: memref<416xf32, #tpu.memory_space<vmem>>, %arg4: memref<416x512xf32, #tpu.memory_space<vmem>>, %arg5: memref<512xf32, #tpu.memory_space<vmem>>, %arg6: memref<512x256xf32, #tpu.memory_space<vmem>>, %arg7: memref<256xf32, #tpu.memory_space<vmem>>, %arg8: memref<256x64xf32, #tpu.memory_space<vmem>>, %arg9: memref<64xf32, #tpu.memory_space<vmem>>, %arg10: memref<64x16xf32, #tpu.memory_space<vmem>>, %arg11: memref<16xf32, #tpu.memory_space<vmem>>, %arg12: memref<16x1xf32, #tpu.memory_space<vmem>>, %arg13: memref<1xf32, #tpu.memory_space<vmem>>, %arg14: memref<64x16xf32, #tpu.memory_space<vmem>>, %arg15: memref<16xf32, #tpu.memory_space<vmem>>, %arg16: memref<16x1xf32, #tpu.memory_space<vmem>>, %arg17: memref<1xf32, #tpu.memory_space<vmem>>, %arg18: memref<2x2048xf32, #tpu.memory_space<vmem>>) attributes {dimension_semantics = [#tpu.dimension_semantics<arbitrary>], iteration_bounds = array<i64: 2>, scalar_prefetch = 0 : i64, scratch_operands = 0 : i64, tpu.core_type = #tpu.core_type<tc>, window_params = [{transform_indices = @transform_0, window_bounds = array<i64: 2048, 416>}, {pipeline_mode = #tpu.pipeline_mode<synchronous>, transform_indices = @transform_1, window_bounds = array<i64: 416>}, {pipeline_mode = #tpu.pipeline_mode<synchronous>, transform_indices = @transform_2, window_bounds = array<i64: 416>}, {pipeline_mode = #tpu.pipeline_mode<synchronous>, transform_indices = @transform_3, window_bounds = array<i64: 416, 512>}, {pipeline_mode = #tpu.pipeline_mode<synchronous>, transform_indices = @transform_4, window_bounds = array<i64: 512>}, {pipeline_mode = #tpu.pipeline_mode<synchronous>, transform_indices = @transform_5, window_bounds = array<i64: 512, 256>}, {pipeline_mode = #tpu.pipeline_mode<synchronous>, transform_indices = @transform_6, window_bounds = array<i64: 256>}, {pipeline_mode = #tpu.pipeline_mode<synchronous>, transform_indices = @transform_7, window_bounds = array<i64: 256, 64>}, {pipeline_mode = #tpu.pipeline_mode<synchronous>, transform_indices = @transform_8, window_bounds = array<i64: 64>}, {pipeline_mode = #tpu.pipeline_mode<synchronous>, transform_indices = @transform_9, window_bounds = array<i64: 64, 16>}, {pipeline_mode = #tpu.pipeline_mode<synchronous>, transform_indices = @transform_10, window_bounds = array<i64: 16>}, {pipeline_mode = #tpu.pipeline_mode<synchronous>, transform_indices = @transform_11, window_bounds = array<i64: 16, 1>}, {pipeline_mode = #tpu.pipeline_mode<synchronous>, transform_indices = @transform_12, window_bounds = array<i64: 1>}, {pipeline_mode = #tpu.pipeline_mode<synchronous>, transform_indices = @transform_13, window_bounds = array<i64: 64, 16>}, {pipeline_mode = #tpu.pipeline_mode<synchronous>, transform_indices = @transform_14, window_bounds = array<i64: 16>}, {pipeline_mode = #tpu.pipeline_mode<synchronous>, transform_indices = @transform_15, window_bounds = array<i64: 16, 1>}, {pipeline_mode = #tpu.pipeline_mode<synchronous>, transform_indices = @transform_16, window_bounds = array<i64: 1>}, {transform_indices = @transform_17, window_bounds = array<i64: 2, 2048>}]} {
    %get3A = arith.constant 0 : index
    %get3A_0 = arith.constant 0 : index
    %get3A_1 = vector.load %arg1[%get3A, %get3A_0] : memref<2048x416xf32, #tpu.memory_space<vmem>>, vector<2048x416xf32>
    %iota3A = tpu.iota {dimensions = array<i32: 1>} : vector<1x416xi32>
    %jit3A = arith.constant 16 : i32
    %eq3A = arith.constant 0 : i32
    %eq3A_2 = arith.cmpi eq, %jit3A, %eq3A : i32
    %jit3A_3 = arith.constant 1 : i32
    %select_n3A = arith.select %eq3A_2, %jit3A_3, %jit3A : i32
    %rem3A = vector.broadcast %select_n3A : i32 to vector<1x416xi32>
    %rem3A_4 = arith.remsi %iota3A, %rem3A : vector<1x416xi32>
    %ne3A = arith.constant 0 : i32
    %ne3A_5 = vector.broadcast %ne3A : i32 to vector<1x416xi32>
    %ne3A_6 = arith.cmpi ne, %rem3A_4, %ne3A_5 : vector<1x416xi32>
    %lt3A = arith.constant 0 : i32
    %lt3A_7 = vector.broadcast %lt3A : i32 to vector<1x416xi32>
    %lt3A_8 = arith.cmpi slt, %rem3A_4, %lt3A_7 : vector<1x416xi32>
    %lt3A_9 = arith.constant 0 : i32
    %lt3A_10 = arith.cmpi slt, %select_n3A, %lt3A_9 : i32
    %ne3A_11 = vector.broadcast %lt3A_10 : i1 to vector<1x416xi1>
    %ne3A_12 = vector.broadcast %ne3A_11 : vector<1x416xi1> to vector<1x416xi1>
    %ne3A_13 = arith.xori %lt3A_8, %ne3A_12 : vector<1x416xi1>
    %and3A = arith.andi %ne3A_13, %ne3A_6 : vector<1x416xi1>
    %add3A = vector.broadcast %select_n3A : i32 to vector<1x416xi32>
    %add3A_14 = arith.addi %rem3A_4, %add3A : vector<1x416xi32>
    %select_n3A_15 = arith.select %and3A, %add3A_14, %rem3A_4 : vector<1x416xi1>, vector<1x416xi32>
    %lt3A_16 = arith.constant 10 : i32
    %lt3A_17 = vector.broadcast %lt3A_16 : i32 to vector<1x416xi32>
    %lt3A_18 = arith.cmpi slt, %select_n3A_15, %lt3A_17 : vector<1x416xi32>
    %jit3A_19 = arith.constant 0.000000e+00 : f32
    %broadcast_in_dim3A = vector.shape_cast %lt3A_18 : vector<1x416xi1> to vector<1x416xi1>
    %broadcast_in_dim3A_20 = vector.broadcast %broadcast_in_dim3A : vector<1x416xi1> to vector<2048x416xi1>
    %broadcast_in_dim3A_21 = vector.broadcast %jit3A_19 : f32 to vector<2048x416xf32>
    %select_n3A_22 = arith.select %broadcast_in_dim3A_20, %get3A_1, %broadcast_in_dim3A_21 : vector<2048x416xi1>, vector<2048x416xf32>
    %eq3A_23 = arith.constant 10 : i32
    %eq3A_24 = vector.broadcast %eq3A_23 : i32 to vector<1x416xi32>
    %eq3A_25 = arith.cmpi eq, %select_n3A_15, %eq3A_24 : vector<1x416xi32>
    %jit3A_26 = arith.constant 0.000000e+00 : f32
    %broadcast_in_dim3A_27 = vector.shape_cast %eq3A_25 : vector<1x416xi1> to vector<1x416xi1>
    %broadcast_in_dim3A_28 = vector.broadcast %broadcast_in_dim3A_27 : vector<1x416xi1> to vector<2048x416xi1>
    %broadcast_in_dim3A_29 = vector.broadcast %jit3A_26 : f32 to vector<2048x416xf32>
    %select_n3A_30 = arith.select %broadcast_in_dim3A_28, %get3A_1, %broadcast_in_dim3A_29 : vector<2048x416xi1>, vector<2048x416xf32>
    %reduce_sum3A = arith.constant dense<0.000000e+00> : vector<2048xf32>
    %reduce_sum3A_31 = vector.multi_reduction <add>, %select_n3A_30, %reduce_sum3A [1] : vector<2048x416xf32> to vector<2048xf32>
    %broadcast_in_dim3A_32 = vector.shape_cast %reduce_sum3A_31 : vector<2048xf32> to vector<2048x1xf32>
    %reduce_sum3A_33 = arith.constant dense<0.000000e+00> : vector<2048xf32>
    %reduce_sum3A_34 = vector.multi_reduction <add>, %select_n3A_22, %reduce_sum3A_33 [1] : vector<2048x416xf32> to vector<2048xf32>
    %broadcast_in_dim3A_35 = vector.shape_cast %reduce_sum3A_34 : vector<2048xf32> to vector<2048x1xf32>
    %square3A = arith.mulf %select_n3A_22, %select_n3A_22 : vector<2048x416xf32>
    %reduce_sum3A_36 = arith.constant dense<0.000000e+00> : vector<2048xf32>
    %reduce_sum3A_37 = vector.multi_reduction <add>, %square3A, %reduce_sum3A_36 [1] : vector<2048x416xf32> to vector<2048xf32>
    %broadcast_in_dim3A_38 = vector.shape_cast %reduce_sum3A_37 : vector<2048xf32> to vector<2048x1xf32>
    %mul3A = arith.constant 0.00384615385 : f32
    %mul3A_39 = vector.broadcast %mul3A : f32 to vector<2048x1xf32>
    %mul3A_40 = arith.mulf %broadcast_in_dim3A_35, %mul3A_39 : vector<2048x1xf32>
    %mul3A_41 = arith.constant 0.00384615385 : f32
    %mul3A_42 = vector.broadcast %mul3A_41 : f32 to vector<2048x1xf32>
    %mul3A_43 = arith.mulf %broadcast_in_dim3A_38, %mul3A_42 : vector<2048x1xf32>
    %square3A_44 = arith.mulf %mul3A_40, %mul3A_40 : vector<2048x1xf32>
    %sub3A = arith.subf %mul3A_43, %square3A_44 : vector<2048x1xf32>
    %sub3A_45 = vector.broadcast %mul3A_40 : vector<2048x1xf32> to vector<2048x416xf32>
    %sub3A_46 = arith.subf %select_n3A_22, %sub3A_45 : vector<2048x416xf32>
    %add3A_47 = arith.constant 9.99999974E-6 : f32
    %add3A_48 = vector.broadcast %add3A_47 : f32 to vector<2048x1xf32>
    %add3A_49 = arith.addf %sub3A, %add3A_48 : vector<2048x1xf32>
    %rsqrt3A = math.rsqrt %add3A_49 : vector<2048x1xf32>
    %mul3A_50 = vector.broadcast %rsqrt3A : vector<2048x1xf32> to vector<2048x416xf32>
    %mul3A_51 = arith.mulf %sub3A_46, %mul3A_50 : vector<2048x416xf32>
    %get3A_52 = arith.constant 0 : index
    %get3A_53 = vector.load %arg2[%get3A_52] : memref<416xf32, #tpu.memory_space<vmem>>, vector<416xf32>
    %broadcast_in_dim3A_54 = vector.shape_cast %get3A_53 : vector<416xf32> to vector<1x416xf32>
    %mul3A_55 = vector.broadcast %broadcast_in_dim3A_54 : vector<1x416xf32> to vector<2048x416xf32>
    %mul3A_56 = arith.mulf %mul3A_51, %mul3A_55 : vector<2048x416xf32>
    %get3A_57 = arith.constant 0 : index
    %get3A_58 = vector.load %arg3[%get3A_57] : memref<416xf32, #tpu.memory_space<vmem>>, vector<416xf32>
    %broadcast_in_dim3A_59 = vector.shape_cast %get3A_58 : vector<416xf32> to vector<1x416xf32>
    %add3A_60 = vector.broadcast %broadcast_in_dim3A_59 : vector<1x416xf32> to vector<2048x416xf32>
    %add3A_61 = arith.addf %mul3A_56, %add3A_60 : vector<2048x416xf32>
    %get3A_62 = arith.constant 0 : index
    %get3A_63 = arith.constant 0 : index
    %get3A_64 = vector.load %arg4[%get3A_62, %get3A_63] : memref<416x512xf32, #tpu.memory_space<vmem>>, vector<416x512xf32>
    %dot_general3A = arith.constant dense<0.000000e+00> : vector<2048x512xf32>
    %dot_general3A_65 = tpu.matmul %add3A_61, %get3A_64, %dot_general3A {dimension_numbers = #tpu.dot_dimension_numbers<[1], [0], [0], [1], [0, 0, 1, 1], [], []>, transpose_lhs_hint = false} : vector<2048x416xf32>, vector<416x512xf32>, vector<2048x512xf32> -> vector<2048x512xf32>
    %get3A_66 = arith.constant 0 : index
    %get3A_67 = vector.load %arg5[%get3A_66] : memref<512xf32, #tpu.memory_space<vmem>>, vector<512xf32>
    %broadcast_in_dim3A_68 = vector.shape_cast %get3A_67 : vector<512xf32> to vector<1x512xf32>
    %add3A_69 = vector.broadcast %broadcast_in_dim3A_68 : vector<1x512xf32> to vector<2048x512xf32>
    %add3A_70 = arith.addf %dot_general3A_65, %add3A_69 : vector<2048x512xf32>
    %max3A = arith.constant 0.000000e+00 : f32
    %max3A_71 = vector.broadcast %max3A : f32 to vector<2048x512xf32>
    %max3A_72 = arith.maximumf %add3A_70, %max3A_71 : vector<2048x512xf32>
    %get3A_73 = arith.constant 0 : index
    %get3A_74 = arith.constant 0 : index
    %get3A_75 = vector.load %arg6[%get3A_73, %get3A_74] : memref<512x256xf32, #tpu.memory_space<vmem>>, vector<512x256xf32>
    %dot_general3A_76 = arith.constant dense<0.000000e+00> : vector<2048x256xf32>
    %dot_general3A_77 = tpu.matmul %max3A_72, %get3A_75, %dot_general3A_76 {dimension_numbers = #tpu.dot_dimension_numbers<[1], [0], [0], [1], [0, 0, 1, 1], [], []>, transpose_lhs_hint = false} : vector<2048x512xf32>, vector<512x256xf32>, vector<2048x256xf32> -> vector<2048x256xf32>
    %get3A_78 = arith.constant 0 : index
    %get3A_79 = vector.load %arg7[%get3A_78] : memref<256xf32, #tpu.memory_space<vmem>>, vector<256xf32>
    %broadcast_in_dim3A_80 = vector.shape_cast %get3A_79 : vector<256xf32> to vector<1x256xf32>
    %add3A_81 = vector.broadcast %broadcast_in_dim3A_80 : vector<1x256xf32> to vector<2048x256xf32>
    %add3A_82 = arith.addf %dot_general3A_77, %add3A_81 : vector<2048x256xf32>
    %max3A_83 = arith.constant 0.000000e+00 : f32
    %max3A_84 = vector.broadcast %max3A_83 : f32 to vector<2048x256xf32>
    %max3A_85 = arith.maximumf %add3A_82, %max3A_84 : vector<2048x256xf32>
    %get3A_86 = arith.constant 0 : index
    %get3A_87 = arith.constant 0 : index
    %get3A_88 = vector.load %arg8[%get3A_86, %get3A_87] : memref<256x64xf32, #tpu.memory_space<vmem>>, vector<256x64xf32>
    %dot_general3A_89 = arith.constant dense<0.000000e+00> : vector<2048x64xf32>
    %dot_general3A_90 = tpu.matmul %max3A_85, %get3A_88, %dot_general3A_89 {dimension_numbers = #tpu.dot_dimension_numbers<[1], [0], [0], [1], [0, 0, 1, 1], [], []>, transpose_lhs_hint = false} : vector<2048x256xf32>, vector<256x64xf32>, vector<2048x64xf32> -> vector<2048x64xf32>
    %get3A_91 = arith.constant 0 : index
    %get3A_92 = vector.load %arg9[%get3A_91] : memref<64xf32, #tpu.memory_space<vmem>>, vector<64xf32>
    %broadcast_in_dim3A_93 = vector.shape_cast %get3A_92 : vector<64xf32> to vector<1x64xf32>
    %add3A_94 = vector.broadcast %broadcast_in_dim3A_93 : vector<1x64xf32> to vector<2048x64xf32>
    %add3A_95 = arith.addf %dot_general3A_90, %add3A_94 : vector<2048x64xf32>
    %max3A_96 = arith.constant 0.000000e+00 : f32
    %max3A_97 = vector.broadcast %max3A_96 : f32 to vector<2048x64xf32>
    %max3A_98 = arith.maximumf %add3A_95, %max3A_97 : vector<2048x64xf32>
    %add3A_99 = vector.broadcast %broadcast_in_dim3A_32 : vector<2048x1xf32> to vector<2048x64xf32>
    %add3A_100 = arith.addf %max3A_98, %add3A_99 : vector<2048x64xf32>
    %get3A_101 = arith.constant 0 : index
    %get3A_102 = arith.constant 0 : index
    %get3A_103 = vector.load %arg10[%get3A_101, %get3A_102] : memref<64x16xf32, #tpu.memory_space<vmem>>, vector<64x16xf32>
    %dot_general3A_104 = arith.constant dense<0.000000e+00> : vector<2048x16xf32>
    %dot_general3A_105 = tpu.matmul %add3A_100, %get3A_103, %dot_general3A_104 {dimension_numbers = #tpu.dot_dimension_numbers<[1], [0], [0], [1], [0, 0, 1, 1], [], []>, transpose_lhs_hint = false} : vector<2048x64xf32>, vector<64x16xf32>, vector<2048x16xf32> -> vector<2048x16xf32>
    %get3A_106 = arith.constant 0 : index
    %get3A_107 = vector.load %arg11[%get3A_106] : memref<16xf32, #tpu.memory_space<vmem>>, vector<16xf32>
    %broadcast_in_dim3A_108 = vector.shape_cast %get3A_107 : vector<16xf32> to vector<1x16xf32>
    %add3A_109 = vector.broadcast %broadcast_in_dim3A_108 : vector<1x16xf32> to vector<2048x16xf32>
    %add3A_110 = arith.addf %dot_general3A_105, %add3A_109 : vector<2048x16xf32>
    %max3A_111 = arith.constant 0.000000e+00 : f32
    %max3A_112 = vector.broadcast %max3A_111 : f32 to vector<2048x16xf32>
    %max3A_113 = arith.maximumf %add3A_110, %max3A_112 : vector<2048x16xf32>
    %get3A_114 = arith.constant 0 : index
    %get3A_115 = arith.constant 0 : index
    %get3A_116 = vector.load %arg12[%get3A_114, %get3A_115] : memref<16x1xf32, #tpu.memory_space<vmem>>, vector<16x1xf32>
    %dot_general3A_117 = arith.constant dense<0.000000e+00> : vector<2048x1xf32>
    %dot_general3A_118 = tpu.matmul %max3A_113, %get3A_116, %dot_general3A_117 {dimension_numbers = #tpu.dot_dimension_numbers<[1], [0], [0], [1], [0, 0, 1, 1], [], []>, transpose_lhs_hint = false} : vector<2048x16xf32>, vector<16x1xf32>, vector<2048x1xf32> -> vector<2048x1xf32>
    %get3A_119 = arith.constant 0 : index
    %get3A_120 = vector.load %arg13[%get3A_119] : memref<1xf32, #tpu.memory_space<vmem>>, vector<1xf32>
    %broadcast_in_dim3A_121 = vector.shape_cast %get3A_120 : vector<1xf32> to vector<1x1xf32>
    %add3A_122 = vector.broadcast %broadcast_in_dim3A_121 : vector<1x1xf32> to vector<2048x1xf32>
    %add3A_123 = arith.addf %dot_general3A_118, %add3A_122 : vector<2048x1xf32>
    %get3A_124 = arith.constant 0 : index
    %get3A_125 = arith.constant 0 : index
    %get3A_126 = vector.load %arg14[%get3A_124, %get3A_125] : memref<64x16xf32, #tpu.memory_space<vmem>>, vector<64x16xf32>
    %dot_general3A_127 = arith.constant dense<0.000000e+00> : vector<2048x16xf32>
    %dot_general3A_128 = tpu.matmul %add3A_100, %get3A_126, %dot_general3A_127 {dimension_numbers = #tpu.dot_dimension_numbers<[1], [0], [0], [1], [0, 0, 1, 1], [], []>, transpose_lhs_hint = false} : vector<2048x64xf32>, vector<64x16xf32>, vector<2048x16xf32> -> vector<2048x16xf32>
    %get3A_129 = arith.constant 0 : index
    %get3A_130 = vector.load %arg15[%get3A_129] : memref<16xf32, #tpu.memory_space<vmem>>, vector<16xf32>
    %broadcast_in_dim3A_131 = vector.shape_cast %get3A_130 : vector<16xf32> to vector<1x16xf32>
    %add3A_132 = vector.broadcast %broadcast_in_dim3A_131 : vector<1x16xf32> to vector<2048x16xf32>
    %add3A_133 = arith.addf %dot_general3A_128, %add3A_132 : vector<2048x16xf32>
    %max3A_134 = arith.constant 0.000000e+00 : f32
    %max3A_135 = vector.broadcast %max3A_134 : f32 to vector<2048x16xf32>
    %max3A_136 = arith.maximumf %add3A_133, %max3A_135 : vector<2048x16xf32>
    %get3A_137 = arith.constant 0 : index
    %get3A_138 = arith.constant 0 : index
    %get3A_139 = vector.load %arg16[%get3A_137, %get3A_138] : memref<16x1xf32, #tpu.memory_space<vmem>>, vector<16x1xf32>
    %dot_general3A_140 = arith.constant dense<0.000000e+00> : vector<2048x1xf32>
    %dot_general3A_141 = tpu.matmul %max3A_136, %get3A_139, %dot_general3A_140 {dimension_numbers = #tpu.dot_dimension_numbers<[1], [0], [0], [1], [0, 0, 1, 1], [], []>, transpose_lhs_hint = false} : vector<2048x16xf32>, vector<16x1xf32>, vector<2048x1xf32> -> vector<2048x1xf32>
    %get3A_142 = arith.constant 0 : index
    %get3A_143 = vector.load %arg17[%get3A_142] : memref<1xf32, #tpu.memory_space<vmem>>, vector<1xf32>
    %broadcast_in_dim3A_144 = vector.shape_cast %get3A_143 : vector<1xf32> to vector<1x1xf32>
    %add3A_145 = vector.broadcast %broadcast_in_dim3A_144 : vector<1x1xf32> to vector<2048x1xf32>
    %add3A_146 = arith.addf %dot_general3A_141, %add3A_145 : vector<2048x1xf32>
    %concatenate3A = tpu.concatenate %add3A_123, %add3A_146 in 1 : vector<2048x1xf32>, vector<2048x1xf32> -> vector<2048x2xf32>
    %transpose3A = tpu.transpose %concatenate3A, [1, 0] : vector<2048x2xf32> -> vector<2x2048xf32>
    %swap3A = arith.constant 0 : index
    %swap3A_147 = arith.constant 0 : index
    %swap3A_148 = vector.load %arg18[%swap3A, %swap3A_147] : memref<2x2048xf32, #tpu.memory_space<vmem>>, vector<2x2048xf32>
    tpu.vector_store %arg18[%swap3A, %swap3A_147], %transpose3A {strides = array<i32>} : memref<2x2048xf32, #tpu.memory_space<vmem>>, vector<2x2048xf32>,
    return
  }
  func.func @transform_0(%arg0: i32) -> (i32, i32) {
    %c0_i32 = arith.constant 0 : i32
    %c0_i32_0 = arith.constant 0 : i32
    return %arg0, %c0_i32 : i32, i32
  }
  func.func @transform_1(%arg0: i32) -> i32 {
    %c0_i32 = arith.constant 0 : i32
    %c0_i32_0 = arith.constant 0 : i32
    return %c0_i32 : i32
  }
  func.func @transform_2(%arg0: i32) -> i32 {
    %c0_i32 = arith.constant 0 : i32
    %c0_i32_0 = arith.constant 0 : i32
    return %c0_i32 : i32
  }
  func.func @transform_3(%arg0: i32) -> (i32, i32) {
    %c0_i32 = arith.constant 0 : i32
    %c0_i32_0 = arith.constant 0 : i32
    %c0_i32_1 = arith.constant 0 : i32
    return %c0_i32, %c0_i32_0 : i32, i32
  }
  func.func @transform_4(%arg0: i32) -> i32 {
    %c0_i32 = arith.constant 0 : i32
    %c0_i32_0 = arith.constant 0 : i32
    return %c0_i32 : i32
  }
  func.func @transform_5(%arg0: i32) -> (i32, i32) {
    %c0_i32 = arith.constant 0 : i32
    %c0_i32_0 = arith.constant 0 : i32
    %c0_i32_1 = arith.constant 0 : i32
    return %c0_i32, %c0_i32_0 : i32, i32
  }
  func.func @transform_6(%arg0: i32) -> i32 {
    %c0_i32 = arith.constant 0 : i32
    %c0_i32_0 = arith.constant 0 : i32
    return %c0_i32 : i32
  }
  func.func @transform_7(%arg0: i32) -> (i32, i32) {
    %c0_i32 = arith.constant 0 : i32
    %c0_i32_0 = arith.constant 0 : i32
    %c0_i32_1 = arith.constant 0 : i32
    return %c0_i32, %c0_i32_0 : i32, i32
  }
  func.func @transform_8(%arg0: i32) -> i32 {
    %c0_i32 = arith.constant 0 : i32
    %c0_i32_0 = arith.constant 0 : i32
    return %c0_i32 : i32
  }
  func.func @transform_9(%arg0: i32) -> (i32, i32) {
    %c0_i32 = arith.constant 0 : i32
    %c0_i32_0 = arith.constant 0 : i32
    %c0_i32_1 = arith.constant 0 : i32
    return %c0_i32, %c0_i32_0 : i32, i32
  }
  func.func @transform_10(%arg0: i32) -> i32 {
    %c0_i32 = arith.constant 0 : i32
    %c0_i32_0 = arith.constant 0 : i32
    return %c0_i32 : i32
  }
  func.func @transform_11(%arg0: i32) -> (i32, i32) {
    %c0_i32 = arith.constant 0 : i32
    %c0_i32_0 = arith.constant 0 : i32
    %c0_i32_1 = arith.constant 0 : i32
    return %c0_i32, %c0_i32_0 : i32, i32
  }
  func.func @transform_12(%arg0: i32) -> i32 {
    %c0_i32 = arith.constant 0 : i32
    %c0_i32_0 = arith.constant 0 : i32
    return %c0_i32 : i32
  }
  func.func @transform_13(%arg0: i32) -> (i32, i32) {
    %c0_i32 = arith.constant 0 : i32
    %c0_i32_0 = arith.constant 0 : i32
    %c0_i32_1 = arith.constant 0 : i32
    return %c0_i32, %c0_i32_0 : i32, i32
  }
  func.func @transform_14(%arg0: i32) -> i32 {
    %c0_i32 = arith.constant 0 : i32
    %c0_i32_0 = arith.constant 0 : i32
    return %c0_i32 : i32
  }
  func.func @transform_15(%arg0: i32) -> (i32, i32) {
    %c0_i32 = arith.constant 0 : i32
    %c0_i32_0 = arith.constant 0 : i32
    %c0_i32_1 = arith.constant 0 : i32
    return %c0_i32, %c0_i32_0 : i32, i32
  }
  func.func @transform_16(%arg0: i32) -> i32 {
    %c0_i32 = arith.constant 0 : i32
    %c0_i32_0 = arith.constant 0 : i32
    return %c0_i32 : i32
  }
  func.func @transform_17(%arg0: i32) -> (i32, i32) {
    %c0_i32 = arith.constant 0 : i32
    %c0_i32_0 = arith.constant 0 : i32
    return %c0_i32, %arg0 : i32, i32
  }
}

</mosaic_0001>

<sc_bundles>
// kernel: kernel.5.cloned.1.call-start
scs
__scs_entry_jumppad:
0x0: {  	(pc) =	sbr.rel $0x88, $3  }
0x1: {  	(tag) =	ssettag $0x0;
	lr =	simm.s32 $0x1  }
0x2: {  	[smem:$0x3F8E] =	sst lr;
	_ =	strace $0xD0000000  }
0x3: {  	_ = 	snop  }
0x4: {  	_ = 	snop  }
0x5: {  	_ = 	snop  }
0x6: {  	_ = 	snop  }
0x7: {  	_ = 	snop  }
__scs_overlays_trampoline_lowered:
0x8: {  	[smem:$0x3F9D] =	sst s0  }
0x9: {  	[smem:$0x3F9E] =	sst s1  }
0xa: {  	[smem:$0x3F9F] =	sst s2  }
0xb: {  	[smem:$0x3FA0] =	sst s3  }
0xc: {  	[smem:$0x3FA1] =	sst s4  }
0xd: {  	[smem:$0x3FA2] =	sst s5  }
0xe: {  	[smem:$0x3FA3] =	sst s6  }
0xf: {  	[smem:$0x3FA4] =	sst s7  }
0x10: {  	[smem:$0x3FA5] =	sst s8  }
0x11: {  	[smem:$0x3FA6] =	sst s9;
	s0 =	simm.s32 @!p0 $0x0  }
0x12: {  	s1 =	sld [smem:$0x3F8C];
	s0 =	simm.s32 @p0 $0x1  }
0x13: {  	[smem:$0x3FA7] =	sst s0;
	s0 =	simm.s32 @!p1 $0x0  }
0x14: {  	s2 =	sld [smem:$0x3F8B];
	s0 =	simm.s32 @p1 $0x1  }
0x15: {  	[smem:$0x3FA8] =	sst s0;
	s0 =	simm.s32 @!p2 $0x0  }
0x16: {  	s3 =	sld [smem:$0x3FDB];
	s0 =	simm.s32 @p2 $0x1  }
0x17: {  	s4 =	simm.s32 $0x1BF5;
	[smem:$0x3FAA] =	sst s0  }
0x18: {  	s0 =	sld [smem:$0x3F8D];
	_ =	swait.ge [sflag:s4], $0x0  }
0x19: {  	s7 =	sld [smem:$0x3F8E]  }
0x1a: {  	s8 =	sadd.s32 $0xFFFFE003, lr  }
0x1b: {  	s9 =	sadd.s32 $0xFFFFFEF7, lr;
	s5 =	simm.s32 $0xFFFFFFFF;
	p2 =	slt.u32 s8, $0xFFFFF086  }
0x1c: {  	p1 =	slt.u32 s9, $0xF7A;
	s5 =	simm.s32 @!p2 $0x0  }
0x1d: {  	s5 =	simm.s32 @p1 $0x1;
	p0 =	seq.s32 s7, s2  }
0x1e: {  	s7 =	smul.u32 @!p0 $0xF7A, s2;
	p2 =	seq.s32 @!p0 s5, $0x0  }
0x1f: {  	s9 =	smul.u32 $0xF7A, s1;
	s8 =	simm.s32 @!p0 $0x1BF5;
	p2 =	por !p2, p0  }
0x20: {  	[sflag:s8] =	ssyncset.s32 @!p0 $0xFFFFF086;
	s6 =	sadd.s32 @!p0 s3, s7;
	s7 =	simm.s32 @!p0 $0x108  }
0x21: {  	s3 =	sadd.s32 s3, s9;
	s6 =	sadd.s32 @!p0 $0x88, s6;
	s7 =	simm.s32 @p2 $0x1082  }
0x22: {  	[simem:s7], [sflag:s8] =	dma.local @!p0 [hbm:s6], $0xF7A  }
0x23: {  	s9 =	sor.u32 $0xD0000000, s2;
	s6 =	simm.s32 $0x108;
	_ =	swait.ge @!p0 [sflag:s8], $0x0  }
0x24: {  	s3 =	sadd.s32 $0x88, s3;
	s6 =	simm.s32 @!p1 $0x1082;
	[sflag:s4] =	ssyncset.s32 $0xFFFFF086  }
0x25: {  	[simem:s6], [sflag:s4] =	dma.local [hbm:s3], $0xF7A  }
0x26: {  	[smem:$0x3F8E] =	sst s1;
	(tag) =	ssettag s2;
	_ =	strace s9  }
0x27: {  	s1 =	sld [smem:$0x3F9E]  }
0x28: {  	s2 =	sld [smem:$0x3F9F]  }
0x29: {  	s4 =	sld [smem:$0x3FA1]  }
0x2a: {  	p0 =	seq.s32 s5, $0x0;
	s5 =	sld [smem:$0x3FA2]  }
0x2b: {  	s6 =	sld [smem:$0x3FA3]  }
0x2c: {  	s7 =	sld [smem:$0x3FA4]  }
0x2d: {  	s3 =	simm.s32 $0x108;
	s8 =	sld [smem:$0x3FA5]  }
0x2e: {  	s3 =	simm.s32 @!p0 $0x1082;
	s9 =	sld [smem:$0x3FA6]  }
0x2f: {  	lr =	sadd.s32 s0, s3;
	s0 =	sld [smem:$0x3F9D]  }
0x30: {  	s3 =	sld [smem:$0x3FA0]  }
0x31: {  	[smem:$0x3FA9] =	sst s10  }
0x32: {  	s10 =	sld [smem:$0x3FA7];
	_ =	sdelay $0x3  }
0x33: {  	p0 =	seq.s32 s10, $0x1;
	s10 =	sld [smem:$0x3FA9];
	_ =	sdelay $0x3  }
0x34: {  	[smem:$0x3FA9] =	sst s10  }
0x35: {  	s10 =	sld [smem:$0x3FA8];
	_ =	sdelay $0x3  }
0x36: {  	p1 =	seq.s32 s10, $0x1;
	s10 =	sld [smem:$0x3FA9];
	_ =	sdelay $0x3  }
0x37: {  	[smem:$0x3FA9] =	sst s10  }
0x38: {  	s10 =	sld [smem:$0x3FAA]  }
0x39: {  	_ = 	snop;
	(pc) =	sbr.ind lr, $3  }
0x3a: {  	_ = 	snop  }
0x3b: {  	_ = 	snop  }
0x3c: {  	p2 =	seq.s32 s10, $0x1;
	s10 =	sld [smem:$0x3FA9]  }
0x3d: {  	_ =	shalt  }
0x3e: {  	_ =	shalt  }
0x3f: {  	_ =	shalt  }
0x40: {  	_ =	shalt  }
0x41: {  	_ =	shalt  }
0x42: {  	_ =	shalt  }
0x43: {  	_ =	shalt  }
0x44: {  	_ =	shalt  }
0x45: {  	_ =	shalt  }
0x46: {  	_ =	shalt  }
0x47: {  	_ =	shalt  }
0x48: {  	_ =	shalt  }
0x49: {  	_ =	shalt  }
0x4a: {  	_ =	shalt  }
0x4b: {  	_ =	shalt  }
0x4c: {  	_ =	shalt  }
0x4d: {  	_ =	shalt  }
0x4e: {  	_ =	shalt  }
0x4f: {  	_ =	shalt  }
0x50: {  	_ =	shalt  }
0x51: {  	_ =	shalt  }
0x52: {  	_ =	shalt  }
0x53: {  	_ =	shalt  }
0x54: {  	_ =	shalt  }
0x55: {  	_ =	shalt  }
0x56: {  	_ =	shalt  }
0x57: {  	_ =	shalt  }
0x58: {  	_ =	shalt  }
0x59: {  	_ =	shalt  }
0x5a: {  	_ =	shalt  }
0x5b: {  	_ =	shalt  }
0x5c: {  	_ =	shalt  }
0x5d: {  	_ =	shalt  }
0x5e: {  	_ =	shalt  }
0x5f: {  	_ =	shalt  }
0x60: {  	_ =	shalt  }
0x61: {  	_ =	shalt  }
0x62: {  	_ =	shalt  }
0x63: {  	_ =	shalt  }
0x64: {  	_ =	shalt  }
0x65: {  	_ =	shalt  }
0x66: {  	_ =	shalt  }
0x67: {  	_ =	shalt  }
0x68: {  	_ =	shalt  }
0x69: {  	_ =	shalt  }
0x6a: {  	_ =	shalt  }
0x6b: {  	_ =	shalt  }
0x6c: {  	_ =	shalt  }
0x6d: {  	_ =	shalt  }
0x6e: {  	_ =	shalt  }
0x6f: {  	_ =	shalt  }
0x70: {  	_ =	shalt  }
0x71: {  	_ =	shalt  }
0x72: {  	_ =	shalt  }
0x73: {  	_ =	shalt  }
0x74: {  	_ =	shalt  }
0x75: {  	_ =	shalt  }
0x76: {  	_ =	shalt  }
0x77: {  	_ =	shalt  }
0x78: {  	_ =	shalt  }
0x79: {  	_ =	shalt  }
0x7a: {  	_ =	shalt  }
0x7b: {  	_ =	shalt  }
0x7c: {  	_ =	shalt  }
0x7d: {  	_ =	shalt  }
0x7e: {  	_ =	shalt  }
0x7f: {  	_ =	shalt  }
0x80: {  	_ =	shalt  }
0x81: {  	_ =	shalt  }
0x82: {  	_ =	shalt  }
0x83: {  	_ =	shalt  }
0x84: {  	_ =	shalt  }
0x85: {  	_ =	shalt  }
0x86: {  	_ =	shalt  }
0x87: {  	_ =	shalt  }
.Lfunc_end0:
.L_simem_size_0:
called_computation_lowered:
.L_overlay_start_0:
0x88: {  	s2 =	sld [smem:$0x3FD9]  }
0x89: {  	s3 =	sld [smem:$0x3FFE];
	_ =	sdelay $0x1  }
0x8a: {  	s1 =	srdreg.scid  }
0x8b: {  	s0 =	sand.u32 $0x1, s1  }
0x8c: {  	s16 =	sshll.u32 s0, $0xA;
	s2 =	sadd.s32 s3, s2  }
0x8d: {  	s2 =	sadd.s32 s2, s16  }
0x8e: {  	[smem:$0x3FB5] =	sst s2  }
0x8f: {  	_ = 	snop  }
0x90: {  	(tm) =	ssettm $0x1  }
0x91: {  	s17 =	sld [smem:$0x3FFB];
	_ =	sdelay $0x3  }
0x92: {  	_ =	strace s17  }
0x93: {  	s2 =	sld [smem:$0x3FFC];
	_ =	sdelay $0x3  }
0x94: {  	_ =	strace s2  }
0x95: {  	s2 =	sld [smem:$0x3FFD];
	_ =	sdelay $0x3  }
0x96: {  	_ =	strace s2  }
0x97: {  	_ =	strace $0x8FFFFFFF  }
0x98: {  	s18 =	sld [smem:$0x3FDB];
	_ =	sdelay $0x1  }
0x99: {  	s19 =	simm.s32 $_scs_section_size  }
0x9a: {  	s4 =	simm.s32 $_size__tile_overlayer_lowered;
	s5 =	simm.s32 $_tile_overlayer_lowered  }
0x9b: {  	s22 =	simm.s32 $0x1BFF;
	s21 =	sshll.u32 s5, $0x1;
	s2 =	sadd.s32 s19, s18  }
0x9c: {  	s6 =	simm.s32 $0x0;
	s20 =	sshll.u32 s4, $0x1;
	s4 =	sadd.s32 s21, s2  }
0x9d: {  	[timem:s6], [sflag:s22] =	dma.local [hbm:s4], s20  }
0x9e: {  	_ =	swait.ge [sflag:s22], s20  }
0x9f: {  	s3 =	ssub.s32 $0x0, s20;
	[sflag:s22] =	ssyncset.done $0x0  }
0xa0: {  	[sflag:s22] =	ssyncadd.s32 s3;
	_ =	sdelay $0x1  }
0xa1: {  	s23 =	simm.s32 $0x1B8B  }
0xa2: {  	_ =	swait.ge [sflag:s23], $0x1  }
0xa3: {  	[sflag:s23] =	ssyncset.done $0x0  }
0xa4: {  	s25 =	simm.s32 $0x1B8E;
	s24 =	sld [smem:$0x3FFE];
	[sflag:s23] =	ssyncadd.s32 $0xFFFFFFFF  }
0xa5: {  	s26 =	simm.s32 $execute0_lowered;
	[smem:$0x3FD2] =	sst s25  }
0xa6: {  	s4 =	sshll.u32 s26, $0x1;
	_ =	strace $0x80000046;
	[dreg:$0x1] =	wrdreg $0xFFFFFFFF  }
0xa7: {  	s28 =	simm.s32 $_size_execute0_lowered;
	s2 =	sadd.s32 s2, s4;
	[dreg:$0x0] =	wrdreg $0x0  }
0xa8: {  	s4 =	sshll.u32 s28, $0x1;
	[dreg:$0x2] =	wrdreg s2  }
0xa9: {  	[dreg:$0x3] =	wrdreg s4  }
0xaa: {  	[dreg:$0x4] =	wrdreg $0xC0  }
0xab: {  	_ =	task [dreg:s6], $0x5FFFF  }
0xac: {  	[dreg:$0x1] =	wrdreg $0xFFFFFFFF  }
0xad: {  	[dreg:$0x0] =	wrdreg $0x60  }
0xae: {  	[dreg:$0x2] =	wrdreg s24  }
0xaf: {  	[dreg:$0x3] =	wrdreg $0x9  }
0xb0: {  	_ =	task.clear_ibuf [dreg:s6], $0x4FFFF;
	_ =	strace $0x90000046  }
0xb1: {  	s29 =	simm.s32 $0x9;
	_ =	strace $0x80000048  }
0xb2: {  	_ =	swait.ge [sflag:s29], $0x1  }
0xb3: {  	[sflag:s29] =	ssyncadd.s32 $0xFFFFFFFF  }
0xb4: {  	_ =	strace $0x90000048  }
0xb5: {  	_ =	sfence  }
0xb6: {  	s30 =	sld [smem:$0x0];
	_ =	sdelay $0x2  }
0xb7: {  	s31 =	sshll.u32 s1, $0xD;
	s1 =	sshrl.u32 s1, $0x2  }
0xb8: {  	s3 =	sand.u32 $0x4000, s31;
	s1 =	sadd.s32 s1, s30  }
0xb9: {  	s0 =	sor.u32 s3, s0;
	s1 =	sshll.u32 s1, $0x11  }
0xba: {  	s0 =	sor.u32 s1, s0  }
0xbb: {  	s0 =	sadd.s32 $0x8F2B, s0  }
0xbc: {  	[sflag:s0] =	ssyncadd.remote.s32 $0x1  }
0xbd: {  	_ =	sfence.sel $0xFFFF  }
0xbe: {  	[dreg:$0x0] =	wrdreg $0xFFFFFFFF;
	(pc) =	sbr.abs _section_cstart, $3  }
0xbf: {  	[dreg:$0x1] =	wrdreg $0xFFFFFFFF  }
0xc0: {  	_ =	task.clear_ibuf [dreg:s6], $0x2FFFF;
	_ =	strace $0x9FFFFFFF  }
0xc1: {  	(tm) =	ssettm $0x7FFFFFFF  }
tec
execute0_lowered:
.L_overlay_start_1:
0x0: {  	(tag) =	ssettag $0x1  }
0x1: {  	s0 =	srdreg.scid;
	s1 =	stileid.u32  }
0x2: {  	s0 =	sand.u32 $0x1, s0;
	s1 =	sshll.u32 s1, $0x1  }
0x3: {  	s3 =	sor.u32 s0, s1  }
0x4: {  	s4 =	smul.u32 $0x1A0, s3  }
0x5: {  	s2 =	simm.s32 $0x0;
	s1 =	rddreg [dreg:$0x0];
	s5 =	smul.u32 $0x1A00, s3  }
0x6: {  	[smem:$0x7FF] =	sst s2;
	s6 =	sadd.s32 $0x205400, s1  }
0x7: {  	_ =	strace $0x80000047;
	s4 =	sadd.s32 s4, s1;
	s5 =	sadd.s32 s6, s5  }
0x8: {  	s3 =	smul.u32 $0xD000, s3;
	s4 =	sadd.s32 $0x2000, s4;
	[smem:$0x7E9] =	sst s5  }
0x9: {  	s7 =	sadd.s32 $0x100, s5;
	[dreg:$0x2] =	wrdreg s4  }
0xa: {  	s3 =	sshrl.u32 s3, $0x3;
	s5 =	simm.s32 $0x100;
	[dreg:$0x3] =	wrdreg s7  }
0xb: {  	s3 =	sadd.s32 s6, s3;
	s6 =	simm.s32 $0x180;
	[dreg:$0x1c] =	wrdreg s5  }
0xc: {  	s8 =	sadd.s32 $0x200, s3;
	[dreg:$0x1d] =	wrdreg s6  }
0xd: {  	s9 =	sadd.s32 $0x300, s3;
	[dreg:$0x4] =	wrdreg s8  }
0xe: {  	s10 =	sadd.s32 $0x400, s3;
	[dreg:$0x5] =	wrdreg s9  }
0xf: {  	s11 =	sadd.s32 $0x500, s3;
	[dreg:$0x6] =	wrdreg s10  }
0x10: {  	s12 =	sadd.s32 $0x600, s3;
	[dreg:$0x7] =	wrdreg s11  }
0x11: {  	s13 =	sadd.s32 $0x700, s3;
	[dreg:$0x8] =	wrdreg s12  }
0x12: {  	s14 =	sadd.s32 $0x800, s3;
	[dreg:$0x9] =	wrdreg s13  }
0x13: {  	s15 =	sadd.s32 $0x900, s3;
	[dreg:$0xa] =	wrdreg s14  }
0x14: {  	s16 =	sadd.s32 $0xA00, s3;
	[dreg:$0xb] =	wrdreg s15  }
0x15: {  	s17 =	sadd.s32 $0xB00, s3;
	[dreg:$0xc] =	wrdreg s16  }
0x16: {  	s18 =	sadd.s32 $0xC00, s3;
	[dreg:$0xd] =	wrdreg s17  }
0x17: {  	s19 =	sadd.s32 $0xD00, s3;
	[dreg:$0xe] =	wrdreg s18  }
0x18: {  	s20 =	sadd.s32 $0xE00, s3;
	[dreg:$0xf] =	wrdreg s19  }
0x19: {  	s21 =	sadd.s32 $0xF00, s3;
	[dreg:$0x10] =	wrdreg s20  }
0x1a: {  	s22 =	sadd.s32 $0x1000, s3;
	[dreg:$0x11] =	wrdreg s21  }
0x1b: {  	s23 =	sadd.s32 $0x1100, s3;
	[dreg:$0x12] =	wrdreg s22  }
0x1c: {  	s24 =	sadd.s32 $0x1200, s3;
	[dreg:$0x13] =	wrdreg s23  }
0x1d: {  	s25 =	sadd.s32 $0x1300, s3;
	[dreg:$0x14] =	wrdreg s24  }
0x1e: {  	s26 =	sadd.s32 $0x1400, s3;
	[dreg:$0x15] =	wrdreg s25  }
0x1f: {  	s28 =	sadd.s32 $0x1500, s3;
	[dreg:$0x16] =	wrdreg s26  }
0x20: {  	s29 =	sadd.s32 $0x1600, s3;
	[dreg:$0x17] =	wrdreg s28  }
0x21: {  	s30 =	sadd.s32 $0x1700, s3;
	[dreg:$0x18] =	wrdreg s29  }
0x22: {  	s31 =	sadd.s32 $0x1800, s3;
	[dreg:$0x19] =	wrdreg s30  }
0x23: {  	s3 =	sadd.s32 $0x1900, s3;
	[dreg:$0x1a] =	wrdreg s31  }
0x24: {  	s7 =	simm.s32 $0x200;
	[dreg:$0x1b] =	wrdreg s3  }
0x25: {  	[dreg:$0x1e] =	wrdreg s7;
	s8 =	simm.s32 $0x280  }
0x26: {  	s10 =	simm.s32 $0x300;
	[dreg:$0x1f] =	wrdreg s8  }
0x27: {  	s11 =	simm.s32 $0x380;
	[smem:$0x7EA] =	sst s10  }
0x28: {  	s12 =	simm.s32 $0x400;
	[smem:$0x7EB] =	sst s11  }
0x29: {  	s13 =	simm.s32 $0x480;
	[smem:$0x7EC] =	sst s12  }
0x2a: {  	s14 =	simm.s32 $0x500;
	[smem:$0x7ED] =	sst s13  }
0x2b: {  	s15 =	simm.s32 $0x580;
	[smem:$0x7EE] =	sst s14  }
0x2c: {  	s16 =	simm.s32 $0x600;
	[smem:$0x7EF] =	sst s15  }
0x2d: {  	s17 =	simm.s32 $0x680;
	[smem:$0x7F0] =	sst s16  }
0x2e: {  	s18 =	simm.s32 $0x700;
	[smem:$0x7F1] =	sst s17  }
0x2f: {  	s19 =	simm.s32 $0x780;
	[smem:$0x7F2] =	sst s18  }
0x30: {  	s20 =	simm.s32 $0x800;
	[smem:$0x7F3] =	sst s19  }
0x31: {  	p0 =	por $0x0, $0x0;
	s21 =	simm.s32 $0x880;
	[smem:$0x7F4] =	sst s20  }
0x32: {  	s0 =	ssub.s32 $0x2, s0;
	s22 =	simm.s32 $0x900;
	[smem:$0x7F5] =	sst s21  }
0x33: {  	s5 =	simm.s32 $0x3;
	s24 =	simm.s32 $0x980;
	[smem:$0x7F6] =	sst s22  }
0x34: {  	s9 =	sshrl.u32 s0, $0x1;
	s25 =	simm.s32 $0xA00;
	[smem:$0x7F7] =	sst s24  }
0x35: {  	s26 =	simm.s32 $0xA80;
	s0 =	ssub.s32 s0, s9;
	[smem:$0x7F8] =	sst s25  }
0x36: {  	s28 =	simm.s32 $0xB00;
	[smem:$0x7F9] =	sst s26;
	s3 =	smax.u32 s0, $0x1  }
0x37: {  	s29 =	simm.s32 $0xB80;
	[smem:$0x7FA] =	sst s28;
	p1 =	sne.s32 s3, $0x1  }
.Ltmp0:
0x38: {  	s30 =	simm.s32 $0xC00;
	[smem:$0x7FB] =	sst s29;
	(pc) =	sbr.rel @!p1 .LBB2_1-.Ltmp0, $4  }
0x39: {  	s4 =	simm.s32 $0x80;
	s31 =	simm.s32 $0xC80;
	[smem:$0x7FC] =	sst s30  }
0x3a: {  	s6 =	simm.s32 $0x1;
	s23 =	sadd.s32 $0x5400, s1;
	[smem:$0x7FD] =	sst s31  }
0x3b: {  	s7 =	simm.s32 $0xD00;
	s9 =	simm.s32 $0x1D00;
	s8 =	rddreg [dreg:$0x2]  }
0x3c: {  	s0 =	simm.s32 $0x1500;
	s1 =	sadd.s32 $0xFFFFFFFF, s3;
	s3 =	simm.s32 $0x2  }
0x3d: {  	[tilespmem:s2], [sflag:$0x3] =	stream.linear.gather [hbm4b:s8+s2], $0xD00, $0x38;
	[tilespmem:$0xDD00] =	vst v63  }
0x3e: {  	_ =	swait.ge [sflag:s5], $0xD00  }
0x3f: {  	[sflag:s5] =	ssyncset.done $0x0  }
0x40: {  	[sflag:s5] =	ssyncadd.s32 $0xFFFFF300  }
0x41: {  	[tilespmem:s7], [sflag:$0x1] =	stream.indirect.gather [hbm4b:s23+s4], $0x10, s2, s4, $0xb8;
	[tilespmem:$0xDD00] =	vst v63  }
0x42: {  	s14 =	rddreg [dreg:$0x1c]  }
0x43: {  	[tilespmem:s0], [sflag:$0x1] =	stream.indirect.gather [hbm4b:s23+s4], $0x10, s4, s4, $0xb8;
	[tilespmem:$0xDD00] =	vst v63  }
0x44: {  	s15 =	rddreg [dreg:$0x1d]  }
0x45: {  	[tilespmem:s9], [sflag:$0x1] =	stream.indirect.gather [hbm4b:s23+s4], $0x10, s14, s4, $0xb8;
	[tilespmem:$0xDD00] =	vst v63  }
0x46: {  	s10 =	simm.s32 $0x2500;
	s16 =	rddreg [dreg:$0x1e]  }
0x47: {  	[tilespmem:s10], [sflag:$0x1] =	stream.indirect.gather [hbm4b:s23+s4], $0x10, s15, s4, $0xb8;
	[tilespmem:$0xDD00] =	vst v63  }
0x48: {  	s31 =	simm.s32 $0x2D00;
	s17 =	rddreg [dreg:$0x1f]  }
0x49: {  	[tilespmem:s31], [sflag:$0x1] =	stream.indirect.gather [hbm4b:s23+s4], $0x10, s16, s4, $0xb8;
	[tilespmem:$0xDD00] =	vst v63  }
0x4a: {  	s30 =	simm.s32 $0x3500;
	s18 =	sld [smem:$0x7EA]  }
0x4b: {  	[tilespmem:s30], [sflag:$0x1] =	stream.indirect.gather [hbm4b:s23+s4], $0x10, s17, s4, $0xb8;
	[tilespmem:$0xDD00] =	vst v63  }
0x4c: {  	s29 =	simm.s32 $0x3D00;
	s19 =	sld [smem:$0x7EB]  }
0x4d: {  	[tilespmem:s29], [sflag:$0x1] =	stream.indirect.gather [hbm4b:s23+s4], $0x10, s18, s4, $0xb8;
	[tilespmem:$0xDD00] =	vst v63  }
0x4e: {  	s28 =	simm.s32 $0x4500;
	s20 =	sld [smem:$0x7EC]  }
0x4f: {  	[tilespmem:s28], [sflag:$0x1] =	stream.indirect.gather [hbm4b:s23+s4], $0x10, s19, s4, $0xb8;
	[tilespmem:$0xDD00] =	vst v63  }
0x50: {  	s26 =	simm.s32 $0x4D00;
	s21 =	sld [smem:$0x7ED]  }
0x51: {  	[tilespmem:s26], [sflag:$0x1] =	stream.indirect.gather [hbm4b:s23+s4], $0x10, s20, s4, $0xb8;
	[tilespmem:$0xDD00] =	vst v63  }
0x52: {  	s25 =	simm.s32 $0x5500;
	s22 =	sld [smem:$0x7EE]  }
0x53: {  	[tilespmem:s25], [sflag:$0x1] =	stream.indirect.gather [hbm4b:s23+s4], $0x10, s21, s4, $0xb8;
	[tilespmem:$0xDD00] =	vst v63  }
0x54: {  	s24 =	simm.s32 $0x5D00;
	s11 =	sld [smem:$0x7EF]  }
0x55: {  	[tilespmem:s24], [sflag:$0x1] =	stream.indirect.gather [hbm4b:s23+s4], $0x10, s22, s4, $0xb8;
	[tilespmem:$0xDD00] =	vst v63  }
0x56: {  	s12 =	sld [smem:$0x7F0];
	s22 =	simm.s32 $0x6500  }
0x57: {  	[tilespmem:s22], [sflag:$0x1] =	stream.indirect.gather [hbm4b:s23+s4], $0x10, s11, s4, $0xb8;
	[tilespmem:$0xDD00] =	vst v63  }
0x58: {  	s13 =	sld [smem:$0x7F1];
	s20 =	simm.s32 $0x6D00  }
0x59: {  	[tilespmem:s20], [sflag:$0x1] =	stream.indirect.gather [hbm4b:s23+s4], $0x10, s12, s4, $0xb8;
	[tilespmem:$0xDD00] =	vst v63  }
0x5a: {  	s14 =	sld [smem:$0x7F2];
	s21 =	simm.s32 $0x7500  }
0x5b: {  	[tilespmem:s21], [sflag:$0x1] =	stream.indirect.gather [hbm4b:s23+s4], $0x10, s13, s4, $0xb8;
	[tilespmem:$0xDD00] =	vst v63  }
0x5c: {  	s15 =	sld [smem:$0x7F3];
	s19 =	simm.s32 $0x7D00  }
0x5d: {  	[tilespmem:s19], [sflag:$0x1] =	stream.indirect.gather [hbm4b:s23+s4], $0x10, s14, s4, $0xb8;
	[tilespmem:$0xDD00] =	vst v63  }
0x5e: {  	s16 =	sld [smem:$0x7F4];
	s12 =	simm.s32 $0x8500  }
0x5f: {  	[tilespmem:s12], [sflag:$0x1] =	stream.indirect.gather [hbm4b:s23+s4], $0x10, s15, s4, $0xb8;
	[tilespmem:$0xDD00] =	vst v63  }
0x60: {  	s17 =	sld [smem:$0x7F5];
	s13 =	simm.s32 $0x8D00  }
0x61: {  	[tilespmem:s13], [sflag:$0x1] =	stream.indirect.gather [hbm4b:s23+s4], $0x10, s16, s4, $0xb8;
	[tilespmem:$0xDD00] =	vst v63  }
0x62: {  	s18 =	sld [smem:$0x7F6];
	s14 =	simm.s32 $0x9500  }
0x63: {  	[tilespmem:s14], [sflag:$0x1] =	stream.indirect.gather [hbm4b:s23+s4], $0x10, s17, s4, $0xb8;
	[tilespmem:$0xDD00] =	vst v63  }
0x64: {  	s11 =	simm.s32 $0x9D00;
	s15 =	sld [smem:$0x7F7]  }
0x65: {  	[tilespmem:s11], [sflag:$0x1] =	stream.indirect.gather [hbm4b:s23+s4], $0x10, s18, s4, $0xb8;
	[tilespmem:$0xDD00] =	vst v63  }
0x66: {  	s16 =	sld [smem:$0x7F8];
	s18 =	simm.s32 $0xA500  }
0x67: {  	[tilespmem:s18], [sflag:$0x1] =	stream.indirect.gather [hbm4b:s23+s4], $0x10, s15, s4, $0xb8;
	[tilespmem:$0xDD00] =	vst v63  }
0x68: {  	s17 =	simm.s32 $0xAD00;
	s15 =	sld [smem:$0x7F9]  }
0x69: {  	[tilespmem:s17], [sflag:$0x1] =	stream.indirect.gather [hbm4b:s23+s4], $0x10, s16, s4, $0xb8;
	[tilespmem:$0xDD00] =	vst v63  }
0x6a: {  	s8 =	sld [smem:$0x7FA];
	s16 =	simm.s32 $0xB500  }
0x6b: {  	[tilespmem:s16], [sflag:$0x1] =	stream.indirect.gather [hbm4b:s23+s4], $0x10, s15, s4, $0xb8;
	[tilespmem:$0xDD00] =	vst v63  }
0x6c: {  	s7 =	sld [smem:$0x7FB];
	s15 =	simm.s32 $0xBD00  }
0x6d: {  	[tilespmem:s15], [sflag:$0x1] =	stream.indirect.gather [hbm4b:s23+s4], $0x10, s8, s4, $0xb8;
	[tilespmem:$0xDD00] =	vst v63  }
0x6e: {  	s8 =	sld [smem:$0x7FC];
	s15 =	simm.s32 $0xC500  }
0x6f: {  	[tilespmem:s15], [sflag:$0x1] =	stream.indirect.gather [hbm4b:s23+s4], $0x10, s7, s4, $0xb8;
	[tilespmem:$0xDD00] =	vst v63  }
0x70: {  	s7 =	sld [smem:$0x7FD];
	s15 =	simm.s32 $0xCD00  }
0x71: {  	[tilespmem:s15], [sflag:$0x1] =	stream.indirect.gather [hbm4b:s23+s4], $0x10, s8, s4, $0xb8;
	[tilespmem:$0xDD00] =	vst v63  }
0x72: {  	s8 =	simm.s32 $0xD500  }
0x73: {  	[tilespmem:s8], [sflag:$0x1] =	stream.indirect.gather [hbm4b:s23+s4], $0x10, s7, s4, $0xb8;
	[tilespmem:$0xDD00] =	vst v63  }
0x74: {  	_ =	swait.ge [sflag:s6], $0x800  }
0x75: {  	s7 =	sld [smem:$0x7E9]  }
0x76: {  	[sflag:s6] =	ssyncset.done $0x0  }
0x77: {  	s5 =	smov.u32 s1;
	s1 =	simm.s32 $0xD00;
	[sflag:s6] =	ssyncadd.s32 $0xFFFFF800  }
0x78: {  	[hbm4b:s7+s2] =	stream.linear.scatter [tilespmem:s1], [sflag:$0x2], $0x800, $0x38;
	[tilespmem:$0xDD00] =	vst v63  }
0x79: {  	_ =	swait.ge [sflag:s6], $0x800  }
0x7a: {  	[sflag:s6] =	ssyncset.done $0x0  }
0x7b: {  	s1 =	rddreg [dreg:$0x3];
	[sflag:s6] =	ssyncadd.s32 $0xFFFFF800  }
0x7c: {  	[hbm4b:s1+s2] =	stream.linear.scatter [tilespmem:s0], [sflag:$0x2], $0x800, $0x38;
	[tilespmem:$0xDD00] =	vst v63  }
0x7d: {  	_ =	swait.ge [sflag:s6], $0x800  }
0x7e: {  	[sflag:s6] =	ssyncset.done $0x0  }
0x7f: {  	s1 =	rddreg [dreg:$0x4];
	[sflag:s6] =	ssyncadd.s32 $0xFFFFF800  }
0x80: {  	[hbm4b:s1+s2] =	stream.linear.scatter [tilespmem:s9], [sflag:$0x2], $0x800, $0x38;
	[tilespmem:$0xDD00] =	vst v63  }
0x81: {  	_ =	swait.ge [sflag:s6], $0x800  }
0x82: {  	[sflag:s6] =	ssyncset.done $0x0  }
0x83: {  	s1 =	rddreg [dreg:$0x5];
	[sflag:s6] =	ssyncadd.s32 $0xFFFFF800  }
0x84: {  	[hbm4b:s1+s2] =	stream.linear.scatter [tilespmem:s10], [sflag:$0x2], $0x800, $0x38;
	[tilespmem:$0xDD00] =	vst v63  }
0x85: {  	_ =	swait.ge [sflag:s6], $0x800  }
0x86: {  	[sflag:s6] =	ssyncset.done $0x0  }
0x87: {  	s1 =	rddreg [dreg:$0x6];
	[sflag:s6] =	ssyncadd.s32 $0xFFFFF800  }
0x88: {  	[hbm4b:s1+s2] =	stream.linear.scatter [tilespmem:s31], [sflag:$0x2], $0x800, $0x38;
	[tilespmem:$0xDD00] =	vst v63  }
0x89: {  	_ =	swait.ge [sflag:s6], $0x800  }
0x8a: {  	[sflag:s6] =	ssyncset.done $0x0  }
0x8b: {  	s10 =	rddreg [dreg:$0x7];
	[sflag:s6] =	ssyncadd.s32 $0xFFFFF800  }
0x8c: {  	[hbm4b:s10+s2] =	stream.linear.scatter [tilespmem:s30], [sflag:$0x2], $0x800, $0x38;
	[tilespmem:$0xDD00] =	vst v63  }
0x8d: {  	_ =	swait.ge [sflag:s6], $0x800  }
0x8e: {  	[sflag:s6] =	ssyncset.done $0x0  }
0x8f: {  	s31 =	rddreg [dreg:$0x8];
	[sflag:s6] =	ssyncadd.s32 $0xFFFFF800  }
0x90: {  	[hbm4b:s31+s2] =	stream.linear.scatter [tilespmem:s29], [sflag:$0x2], $0x800, $0x38;
	[tilespmem:$0xDD00] =	vst v63  }
0x91: {  	_ =	swait.ge [sflag:s6], $0x800  }
0x92: {  	[sflag:s6] =	ssyncset.done $0x0  }
0x93: {  	s1 =	rddreg [dreg:$0x9];
	[sflag:s6] =	ssyncadd.s32 $0xFFFFF800  }
0x94: {  	[hbm4b:s1+s2] =	stream.linear.scatter [tilespmem:s28], [sflag:$0x2], $0x800, $0x38;
	[tilespmem:$0xDD00] =	vst v63  }
0x95: {  	_ =	swait.ge [sflag:s6], $0x800  }
0x96: {  	[sflag:s6] =	ssyncset.done $0x0  }
0x97: {  	s10 =	rddreg [dreg:$0xa];
	[sflag:s6] =	ssyncadd.s32 $0xFFFFF800  }
0x98: {  	[hbm4b:s10+s2] =	stream.linear.scatter [tilespmem:s26], [sflag:$0x2], $0x800, $0x38;
	[tilespmem:$0xDD00] =	vst v63  }
0x99: {  	_ =	swait.ge [sflag:s6], $0x800  }
0x9a: {  	[sflag:s6] =	ssyncset.done $0x0  }
0x9b: {  	s26 =	rddreg [dreg:$0xb];
	[sflag:s6] =	ssyncadd.s32 $0xFFFFF800  }
0x9c: {  	[hbm4b:s26+s2] =	stream.linear.scatter [tilespmem:s25], [sflag:$0x2], $0x800, $0x38;
	[tilespmem:$0xDD00] =	vst v63  }
0x9d: {  	_ =	swait.ge [sflag:s6], $0x800  }
0x9e: {  	[sflag:s6] =	ssyncset.done $0x0  }
0x9f: {  	s28 =	rddreg [dreg:$0xc];
	[sflag:s6] =	ssyncadd.s32 $0xFFFFF800  }
0xa0: {  	[hbm4b:s28+s2] =	stream.linear.scatter [tilespmem:s24], [sflag:$0x2], $0x800, $0x38;
	[tilespmem:$0xDD00] =	vst v63  }
0xa1: {  	_ =	swait.ge [sflag:s6], $0x800  }
0xa2: {  	[sflag:s6] =	ssyncset.done $0x0  }
0xa3: {  	s29 =	rddreg [dreg:$0xd];
	[sflag:s6] =	ssyncadd.s32 $0xFFFFF800  }
0xa4: {  	[hbm4b:s29+s2] =	stream.linear.scatter [tilespmem:s22], [sflag:$0x2], $0x800, $0x38;
	[tilespmem:$0xDD00] =	vst v63  }
0xa5: {  	_ =	swait.ge [sflag:s6], $0x800  }
0xa6: {  	[sflag:s6] =	ssyncset.done $0x0  }
0xa7: {  	s30 =	rddreg [dreg:$0xe];
	[sflag:s6] =	ssyncadd.s32 $0xFFFFF800  }
0xa8: {  	[hbm4b:s30+s2] =	stream.linear.scatter [tilespmem:s20], [sflag:$0x2], $0x800, $0x38;
	[tilespmem:$0xDD00] =	vst v63  }
0xa9: {  	_ =	swait.ge [sflag:s6], $0x800  }
0xaa: {  	[sflag:s6] =	ssyncset.done $0x0  }
0xab: {  	s31 =	rddreg [dreg:$0xf];
	[sflag:s6] =	ssyncadd.s32 $0xFFFFF800  }
0xac: {  	[hbm4b:s31+s2] =	stream.linear.scatter [tilespmem:s21], [sflag:$0x2], $0x800, $0x38;
	[tilespmem:$0xDD00] =	vst v63  }
0xad: {  	_ =	swait.ge [sflag:s6], $0x800  }
0xae: {  	[sflag:s6] =	ssyncset.done $0x0  }
0xaf: {  	s1 =	rddreg [dreg:$0x10];
	[sflag:s6] =	ssyncadd.s32 $0xFFFFF800  }
0xb0: {  	[hbm4b:s1+s2] =	stream.linear.scatter [tilespmem:s19], [sflag:$0x2], $0x800, $0x38;
	[tilespmem:$0xDD00] =	vst v63  }
0xb1: {  	_ =	swait.ge [sflag:s6], $0x800  }
0xb2: {  	[sflag:s6] =	ssyncset.done $0x0  }
0xb3: {  	s10 =	rddreg [dreg:$0x11];
	[sflag:s6] =	ssyncadd.s32 $0xFFFFF800  }
0xb4: {  	[hbm4b:s10+s2] =	stream.linear.scatter [tilespmem:s12], [sflag:$0x2], $0x800, $0x38;
	[tilespmem:$0xDD00] =	vst v63  }
0xb5: {  	_ =	swait.ge [sflag:s6], $0x800  }
0xb6: {  	[sflag:s6] =	ssyncset.done $0x0  }
0xb7: {  	s12 =	rddreg [dreg:$0x12];
	[sflag:s6] =	ssyncadd.s32 $0xFFFFF800  }
0xb8: {  	[hbm4b:s12+s2] =	stream.linear.scatter [tilespmem:s13], [sflag:$0x2], $0x800, $0x38;
	[tilespmem:$0xDD00] =	vst v63  }
0xb9: {  	_ =	swait.ge [sflag:s6], $0x800  }
0xba: {  	[sflag:s6] =	ssyncset.done $0x0  }
0xbb: {  	s19 =	rddreg [dreg:$0x13];
	[sflag:s6] =	ssyncadd.s32 $0xFFFFF800  }
0xbc: {  	[hbm4b:s19+s2] =	stream.linear.scatter [tilespmem:s14], [sflag:$0x2], $0x800, $0x38;
	[tilespmem:$0xDD00] =	vst v63  }
0xbd: {  	_ =	swait.ge [sflag:s6], $0x800  }
0xbe: {  	[sflag:s6] =	ssyncset.done $0x0  }
0xbf: {  	s20 =	rddreg [dreg:$0x14];
	[sflag:s6] =	ssyncadd.s32 $0xFFFFF800  }
0xc0: {  	[hbm4b:s20+s2] =	stream.linear.scatter [tilespmem:s11], [sflag:$0x2], $0x800, $0x38;
	[tilespmem:$0xDD00] =	vst v63  }
0xc1: {  	_ =	swait.ge [sflag:s6], $0x800  }
0xc2: {  	[sflag:s6] =	ssyncset.done $0x0  }
0xc3: {  	s21 =	rddreg [dreg:$0x15];
	[sflag:s6] =	ssyncadd.s32 $0xFFFFF800  }
0xc4: {  	[hbm4b:s21+s2] =	stream.linear.scatter [tilespmem:s18], [sflag:$0x2], $0x800, $0x38;
	[tilespmem:$0xDD00] =	vst v63  }
0xc5: {  	_ =	swait.ge [sflag:s6], $0x800  }
0xc6: {  	[sflag:s6] =	ssyncset.done $0x0  }
0xc7: {  	s22 =	rddreg [dreg:$0x16];
	[sflag:s6] =	ssyncadd.s32 $0xFFFFF800  }
0xc8: {  	[hbm4b:s22+s2] =	stream.linear.scatter [tilespmem:s17], [sflag:$0x2], $0x800, $0x38;
	[tilespmem:$0xDD00] =	vst v63  }
0xc9: {  	_ =	swait.ge [sflag:s6], $0x800  }
0xca: {  	[sflag:s6] =	ssyncset.done $0x0  }
0xcb: {  	s24 =	rddreg [dreg:$0x17];
	[sflag:s6] =	ssyncadd.s32 $0xFFFFF800  }
0xcc: {  	[hbm4b:s24+s2] =	stream.linear.scatter [tilespmem:s16], [sflag:$0x2], $0x800, $0x38;
	[tilespmem:$0xDD00] =	vst v63  }
0xcd: {  	_ =	swait.ge [sflag:s6], $0x800  }
0xce: {  	[sflag:s6] =	ssyncset.done $0x0  }
0xcf: {  	s26 =	simm.s32 $0xBD00;
	s25 =	rddreg [dreg:$0x18];
	[sflag:s6] =	ssyncadd.s32 $0xFFFFF800  }
0xd0: {  	[hbm4b:s25+s2] =	stream.linear.scatter [tilespmem:s26], [sflag:$0x2], $0x800, $0x38;
	[tilespmem:$0xDD00] =	vst v63  }
0xd1: {  	_ =	swait.ge [sflag:s6], $0x800  }
0xd2: {  	[sflag:s6] =	ssyncset.done $0x0  }
0xd3: {  	s29 =	simm.s32 $0xC500;
	s28 =	rddreg [dreg:$0x19];
	[sflag:s6] =	ssyncadd.s32 $0xFFFFF800  }
0xd4: {  	[hbm4b:s28+s2] =	stream.linear.scatter [tilespmem:s29], [sflag:$0x2], $0x800, $0x38;
	[tilespmem:$0xDD00] =	vst v63  }
0xd5: {  	_ =	swait.ge [sflag:s6], $0x800  }
0xd6: {  	[sflag:s6] =	ssyncset.done $0x0  }
0xd7: {  	s15 =	simm.s32 $0xCD00;
	s30 =	rddreg [dreg:$0x1a];
	[sflag:s6] =	ssyncadd.s32 $0xFFFFF800  }
0xd8: {  	[hbm4b:s30+s2] =	stream.linear.scatter [tilespmem:s15], [sflag:$0x2], $0x800, $0x38;
	[tilespmem:$0xDD00] =	vst v63  }
0xd9: {  	_ =	swait.ge [sflag:s6], $0x800  }
0xda: {  	[sflag:s6] =	ssyncset.done $0x0  }
0xdb: {  	s31 =	rddreg [dreg:$0x1b];
	[sflag:s6] =	ssyncadd.s32 $0xFFFFF800  }
0xdc: {  	[hbm4b:s31+s2] =	stream.linear.scatter [tilespmem:s8], [sflag:$0x2], $0x800, $0x38;
	[tilespmem:$0xDD00] =	vst v63  }
0xdd: {  	_ =	swait.ge [sflag:s3], $0x800  }
0xde: {  	[sflag:s3] =	ssyncset.done $0x0  }
0xdf: {  	[sflag:s3] =	ssyncadd.s32 $0xFFFFF800  }
0xe0: {  	_ =	swait.ge [sflag:s3], $0x800  }
0xe1: {  	[sflag:s3] =	ssyncset.done $0x0  }
0xe2: {  	[sflag:s3] =	ssyncadd.s32 $0xFFFFF800  }
0xe3: {  	_ =	swait.ge [sflag:s3], $0x800  }
0xe4: {  	[sflag:s3] =	ssyncset.done $0x0  }
0xe5: {  	[sflag:s3] =	ssyncadd.s32 $0xFFFFF800  }
0xe6: {  	_ =	swait.ge [sflag:s3], $0x800  }
0xe7: {  	[sflag:s3] =	ssyncset.done $0x0  }
0xe8: {  	[sflag:s3] =	ssyncadd.s32 $0xFFFFF800  }
0xe9: {  	_ =	swait.ge [sflag:s3], $0x800  }
0xea: {  	[sflag:s3] =	ssyncset.done $0x0  }
0xeb: {  	[sflag:s3] =	ssyncadd.s32 $0xFFFFF800  }
0xec: {  	_ =	swait.ge [sflag:s3], $0x800  }
0xed: {  	[sflag:s3] =	ssyncset.done $0x0  }
0xee: {  	[sflag:s3] =	ssyncadd.s32 $0xFFFFF800  }
0xef: {  	_ =	swait.ge [sflag:s3], $0x800  }
0xf0: {  	[sflag:s3] =	ssyncset.done $0x0  }
0xf1: {  	[sflag:s3] =	ssyncadd.s32 $0xFFFFF800  }
0xf2: {  	_ =	swait.ge [sflag:s3], $0x800  }
0xf3: {  	[sflag:s3] =	ssyncset.done $0x0  }
0xf4: {  	[sflag:s3] =	ssyncadd.s32 $0xFFFFF800  }
0xf5: {  	_ =	swait.ge [sflag:s3], $0x800  }
0xf6: {  	[sflag:s3] =	ssyncset.done $0x0  }
0xf7: {  	[sflag:s3] =	ssyncadd.s32 $0xFFFFF800  }
0xf8: {  	_ =	swait.ge [sflag:s3], $0x800  }
0xf9: {  	[sflag:s3] =	ssyncset.done $0x0  }
0xfa: {  	[sflag:s3] =	ssyncadd.s32 $0xFFFFF800  }
0xfb: {  	_ =	swait.ge [sflag:s3], $0x800  }
0xfc: {  	[sflag:s3] =	ssyncset.done $0x0  }
0xfd: {  	[sflag:s3] =	ssyncadd.s32 $0xFFFFF800  }
0xfe: {  	_ =	swait.ge [sflag:s3], $0x800  }
0xff: {  	[sflag:s3] =	ssyncset.done $0x0  }
0x100: {  	[sflag:s3] =	ssyncadd.s32 $0xFFFFF800  }
0x101: {  	_ =	swait.ge [sflag:s3], $0x800  }
0x102: {  	[sflag:s3] =	ssyncset.done $0x0  }
0x103: {  	[sflag:s3] =	ssyncadd.s32 $0xFFFFF800  }
0x104: {  	_ =	swait.ge [sflag:s3], $0x800  }
0x105: {  	[sflag:s3] =	ssyncset.done $0x0  }
0x106: {  	[sflag:s3] =	ssyncadd.s32 $0xFFFFF800  }
0x107: {  	_ =	swait.ge [sflag:s3], $0x800  }
0x108: {  	[sflag:s3] =	ssyncset.done $0x0  }
0x109: {  	[sflag:s3] =	ssyncadd.s32 $0xFFFFF800  }
0x10a: {  	_ =	swait.ge [sflag:s3], $0x800  }
0x10b: {  	[sflag:s3] =	ssyncset.done $0x0  }
0x10c: {  	[sflag:s3] =	ssyncadd.s32 $0xFFFFF800  }
0x10d: {  	_ =	swait.ge [sflag:s3], $0x800  }
0x10e: {  	[sflag:s3] =	ssyncset.done $0x0  }
0x10f: {  	[sflag:s3] =	ssyncadd.s32 $0xFFFFF800  }
0x110: {  	_ =	swait.ge [sflag:s3], $0x800  }
0x111: {  	[sflag:s3] =	ssyncset.done $0x0  }
0x112: {  	[sflag:s3] =	ssyncadd.s32 $0xFFFFF800  }
0x113: {  	_ =	swait.ge [sflag:s3], $0x800  }
0x114: {  	[sflag:s3] =	ssyncset.done $0x0  }
0x115: {  	[sflag:s3] =	ssyncadd.s32 $0xFFFFF800  }
0x116: {  	_ =	swait.ge [sflag:s3], $0x800  }
0x117: {  	[sflag:s3] =	ssyncset.done $0x0  }
0x118: {  	[sflag:s3] =	ssyncadd.s32 $0xFFFFF800  }
0x119: {  	_ =	swait.ge [sflag:s3], $0x800  }
0x11a: {  	[sflag:s3] =	ssyncset.done $0x0  }
0x11b: {  	[sflag:s3] =	ssyncadd.s32 $0xFFFFF800  }
0x11c: {  	_ =	swait.ge [sflag:s3], $0x800  }
0x11d: {  	[sflag:s3] =	ssyncset.done $0x0  }
0x11e: {  	[sflag:s3] =	ssyncadd.s32 $0xFFFFF800  }
0x11f: {  	_ =	swait.ge [sflag:s3], $0x800  }
0x120: {  	[sflag:s3] =	ssyncset.done $0x0  }
0x121: {  	[sflag:s3] =	ssyncadd.s32 $0xFFFFF800  }
0x122: {  	_ =	swait.ge [sflag:s3], $0x800  }
0x123: {  	[sflag:s3] =	ssyncset.done $0x0  }
0x124: {  	p1 =	sne.s32 s5, $0x1;
	[sflag:s3] =	ssyncadd.s32 $0xFFFFF800  }
.Ltmp1:
0x125: {  	_ =	swait.ge [sflag:s3], $0x800;
	(pc) =	sbr.rel @!p1 .LBB2_7-.Ltmp1, $4  }
0x126: {  	[sflag:s3] =	ssyncset.done $0x0  }
0x127: {  	[sflag:s3] =	ssyncadd.s32 $0xFFFFF800  }
0x128: {  	p0 =	por $0x1, $0x1;
	_ =	swait.ge [sflag:s3], $0x800  }
0x129: {  	s7 =	sadd.s32 $0xFFFFFFFF, s5;
	s8 =	rddreg [dreg:$0x2];
	[sflag:s3] =	ssyncset.done $0x0  }
0x12a: {  	s10 =	simm.s32 $0x2500;
	s31 =	simm.s32 $0x2D00  }
0x12b: {  	s30 =	simm.s32 $0x3500;
	s29 =	simm.s32 $0x3D00;
	s28 =	simm.s32 $0x4500  }
0x12c: {  	s26 =	simm.s32 $0x4D00;
	s25 =	simm.s32 $0x5500;
	s24 =	simm.s32 $0x5D00  }
0x12d: {  	s22 =	simm.s32 $0x6500;
	s20 =	simm.s32 $0x6D00;
	s21 =	simm.s32 $0x7500  }
0x12e: {  	s19 =	simm.s32 $0x7D00;
	s12 =	simm.s32 $0x8500;
	s13 =	simm.s32 $0x8D00  }
0x12f: {  	s14 =	simm.s32 $0x9500;
	s11 =	simm.s32 $0x9D00;
	s18 =	simm.s32 $0xA500  }
0x130: {  	s17 =	simm.s32 $0xAD00;
	s16 =	simm.s32 $0xB500;
	s15 =	simm.s32 $0xBD00  }
.LBB2_4:
0x131: {  	[sflag:s3] =	ssyncadd.s32 $0xFFFFF800;
	s1 =	simm.s32 $0x3  }
0x132: {  	[tilespmem:s2], [sflag:$0x3] =	stream.linear.gather [hbm4b:s8+s2], $0xD00, $0x38;
	[tilespmem:$0xDD00] =	vst v63  }
0x133: {  	_ =	swait.ge [sflag:s1], $0xD00  }
0x134: {  	[sflag:s1] =	ssyncset.done $0x0  }
0x135: {  	[sflag:s1] =	ssyncadd.s32 $0xFFFFF300;
	s1 =	simm.s32 $0xD00  }
0x136: {  	[tilespmem:s1], [sflag:$0x1] =	stream.indirect.gather [hbm4b:s23+s4], $0x10, s2, s4, $0xb8;
	[tilespmem:$0xDD00] =	vst v63  }
0x137: {  	s8 =	rddreg [dreg:$0x1c]  }
0x138: {  	[tilespmem:s0], [sflag:$0x1] =	stream.indirect.gather [hbm4b:s23+s4], $0x10, s4, s4, $0xb8;
	[tilespmem:$0xDD00] =	vst v63  }
0x139: {  	s5 =	simm.s32 $0x1D00;
	s9 =	rddreg [dreg:$0x1d]  }
0x13a: {  	[tilespmem:s5], [sflag:$0x1] =	stream.indirect.gather [hbm4b:s23+s4], $0x10, s8, s4, $0xb8;
	[tilespmem:$0xDD00] =	vst v63  }
0x13b: {  	s5 =	rddreg [dreg:$0x1e]  }
0x13c: {  	[tilespmem:s10], [sflag:$0x1] =	stream.indirect.gather [hbm4b:s23+s4], $0x10, s9, s4, $0xb8;
	[tilespmem:$0xDD00] =	vst v63  }
0x13d: {  	s9 =	rddreg [dreg:$0x1f]  }
0x13e: {  	[tilespmem:s31], [sflag:$0x1] =	stream.indirect.gather [hbm4b:s23+s4], $0x10, s5, s4, $0xb8;
	[tilespmem:$0xDD00] =	vst v63  }
0x13f: {  	s5 =	sld [smem:$0x7EA]  }
0x140: {  	[tilespmem:s30], [sflag:$0x1] =	stream.indirect.gather [hbm4b:s23+s4], $0x10, s9, s4, $0xb8;
	[tilespmem:$0xDD00] =	vst v63  }
0x141: {  	s9 =	sld [smem:$0x7EB]  }
0x142: {  	[tilespmem:s29], [sflag:$0x1] =	stream.indirect.gather [hbm4b:s23+s4], $0x10, s5, s4, $0xb8;
	[tilespmem:$0xDD00] =	vst v63  }
0x143: {  	s5 =	sld [smem:$0x7EC]  }
0x144: {  	[tilespmem:s28], [sflag:$0x1] =	stream.indirect.gather [hbm4b:s23+s4], $0x10, s9, s4, $0xb8;
	[tilespmem:$0xDD00] =	vst v63  }
0x145: {  	s9 =	sld [smem:$0x7ED]  }
0x146: {  	[tilespmem:s26], [sflag:$0x1] =	stream.indirect.gather [hbm4b:s23+s4], $0x10, s5, s4, $0xb8;
	[tilespmem:$0xDD00] =	vst v63  }
0x147: {  	s5 =	sld [smem:$0x7EE]  }
0x148: {  	[tilespmem:s25], [sflag:$0x1] =	stream.indirect.gather [hbm4b:s23+s4], $0x10, s9, s4, $0xb8;
	[tilespmem:$0xDD00] =	vst v63  }
0x149: {  	s9 =	sld [smem:$0x7EF]  }
0x14a: {  	[tilespmem:s24], [sflag:$0x1] =	stream.indirect.gather [hbm4b:s23+s4], $0x10, s5, s4, $0xb8;
	[tilespmem:$0xDD00] =	vst v63  }
0x14b: {  	s5 =	sld [smem:$0x7F0]  }
0x14c: {  	[tilespmem:s22], [sflag:$0x1] =	stream.indirect.gather [hbm4b:s23+s4], $0x10, s9, s4, $0xb8;
	[tilespmem:$0xDD00] =	vst v63  }
0x14d: {  	s9 =	sld [smem:$0x7F1]  }
0x14e: {  	[tilespmem:s20], [sflag:$0x1] =	stream.indirect.gather [hbm4b:s23+s4], $0x10, s5, s4, $0xb8;
	[tilespmem:$0xDD00] =	vst v63  }
0x14f: {  	s5 =	sld [smem:$0x7F2]  }
0x150: {  	[tilespmem:s21], [sflag:$0x1] =	stream.indirect.gather [hbm4b:s23+s4], $0x10, s9, s4, $0xb8;
	[tilespmem:$0xDD00] =	vst v63  }
0x151: {  	s9 =	sld [smem:$0x7F3]  }
0x152: {  	[tilespmem:s19], [sflag:$0x1] =	stream.indirect.gather [hbm4b:s23+s4], $0x10, s5, s4, $0xb8;
	[tilespmem:$0xDD00] =	vst v63  }
0x153: {  	s5 =	sld [smem:$0x7F4]  }
0x154: {  	[tilespmem:s12], [sflag:$0x1] =	stream.indirect.gather [hbm4b:s23+s4], $0x10, s9, s4, $0xb8;
	[tilespmem:$0xDD00] =	vst v63  }
0x155: {  	s9 =	sld [smem:$0x7F5]  }
0x156: {  	[tilespmem:s13], [sflag:$0x1] =	stream.indirect.gather [hbm4b:s23+s4], $0x10, s5, s4, $0xb8;
	[tilespmem:$0xDD00] =	vst v63  }
0x157: {  	s5 =	sld [smem:$0x7F6]  }
0x158: {  	[tilespmem:s14], [sflag:$0x1] =	stream.indirect.gather [hbm4b:s23+s4], $0x10, s9, s4, $0xb8;
	[tilespmem:$0xDD00] =	vst v63  }
0x159: {  	s9 =	sld [smem:$0x7F7]  }
0x15a: {  	[tilespmem:s11], [sflag:$0x1] =	stream.indirect.gather [hbm4b:s23+s4], $0x10, s5, s4, $0xb8;
	[tilespmem:$0xDD00] =	vst v63  }
0x15b: {  	s5 =	sld [smem:$0x7F8]  }
0x15c: {  	[tilespmem:s18], [sflag:$0x1] =	stream.indirect.gather [hbm4b:s23+s4], $0x10, s9, s4, $0xb8;
	[tilespmem:$0xDD00] =	vst v63  }
0x15d: {  	s9 =	sld [smem:$0x7F9]  }
0x15e: {  	[tilespmem:s17], [sflag:$0x1] =	stream.indirect.gather [hbm4b:s23+s4], $0x10, s5, s4, $0xb8;
	[tilespmem:$0xDD00] =	vst v63  }
0x15f: {  	s5 =	sld [smem:$0x7FA]  }
0x160: {  	[tilespmem:s16], [sflag:$0x1] =	stream.indirect.gather [hbm4b:s23+s4], $0x10, s9, s4, $0xb8;
	[tilespmem:$0xDD00] =	vst v63  }
0x161: {  	s9 =	sld [smem:$0x7FB]  }
0x162: {  	[tilespmem:s15], [sflag:$0x1] =	stream.indirect.gather [hbm4b:s23+s4], $0x10, s5, s4, $0xb8;
	[tilespmem:$0xDD00] =	vst v63  }
0x163: {  	s8 =	sld [smem:$0x7FC];
	s5 =	simm.s32 $0xC500  }
0x164: {  	[tilespmem:s5], [sflag:$0x1] =	stream.indirect.gather [hbm4b:s23+s4], $0x10, s9, s4, $0xb8;
	[tilespmem:$0xDD00] =	vst v63  }
0x165: {  	s9 =	sld [smem:$0x7FD];
	s5 =	simm.s32 $0xCD00  }
0x166: {  	[tilespmem:s5], [sflag:$0x1] =	stream.indirect.gather [hbm4b:s23+s4], $0x10, s8, s4, $0xb8;
	[tilespmem:$0xDD00] =	vst v63  }
0x167: {  	s8 =	simm.s32 $0xD500  }
0x168: {  	[tilespmem:s8], [sflag:$0x1] =	stream.indirect.gather [hbm4b:s23+s4], $0x10, s9, s4, $0xb8;
	[tilespmem:$0xDD00] =	vst v63  }
0x169: {  	_ =	swait.ge [sflag:s6], $0x800  }
0x16a: {  	s8 =	sld [smem:$0x7E9]  }
0x16b: {  	[sflag:s6] =	ssyncset.done $0x0  }
0x16c: {  	[sflag:s6] =	ssyncadd.s32 $0xFFFFF800  }
0x16d: {  	[hbm4b:s8+s2] =	stream.linear.scatter [tilespmem:s1], [sflag:$0x2], $0x800, $0x38;
	[tilespmem:$0xDD00] =	vst v63  }
0x16e: {  	_ =	swait.ge [sflag:s6], $0x800  }
0x16f: {  	[sflag:s6] =	ssyncset.done $0x0  }
0x170: {  	s0 =	simm.s32 $0x1500;
	s1 =	rddreg [dreg:$0x3];
	[sflag:s6] =	ssyncadd.s32 $0xFFFFF800  }
0x171: {  	[hbm4b:s1+s2] =	stream.linear.scatter [tilespmem:s0], [sflag:$0x2], $0x800, $0x38;
	[tilespmem:$0xDD00] =	vst v63  }
0x172: {  	_ =	swait.ge [sflag:s6], $0x800  }
0x173: {  	[sflag:s6] =	ssyncset.done $0x0  }
0x174: {  	s9 =	simm.s32 $0x1D00;
	s1 =	rddreg [dreg:$0x4];
	[sflag:s6] =	ssyncadd.s32 $0xFFFFF800  }
0x175: {  	[hbm4b:s1+s2] =	stream.linear.scatter [tilespmem:s9], [sflag:$0x2], $0x800, $0x38;
	[tilespmem:$0xDD00] =	vst v63  }
0x176: {  	_ =	swait.ge [sflag:s6], $0x800  }
0x177: {  	[sflag:s6] =	ssyncset.done $0x0  }
0x178: {  	s1 =	rddreg [dreg:$0x5];
	[sflag:s6] =	ssyncadd.s32 $0xFFFFF800  }
0x179: {  	[hbm4b:s1+s2] =	stream.linear.scatter [tilespmem:s10], [sflag:$0x2], $0x800, $0x38;
	[tilespmem:$0xDD00] =	vst v63  }
0x17a: {  	_ =	swait.ge [sflag:s6], $0x800  }
0x17b: {  	[sflag:s6] =	ssyncset.done $0x0  }
0x17c: {  	s1 =	rddreg [dreg:$0x6];
	[sflag:s6] =	ssyncadd.s32 $0xFFFFF800  }
0x17d: {  	[hbm4b:s1+s2] =	stream.linear.scatter [tilespmem:s31], [sflag:$0x2], $0x800, $0x38;
	[tilespmem:$0xDD00] =	vst v63  }
0x17e: {  	_ =	swait.ge [sflag:s6], $0x800  }
0x17f: {  	[sflag:s6] =	ssyncset.done $0x0  }
0x180: {  	s1 =	rddreg [dreg:$0x7];
	[sflag:s6] =	ssyncadd.s32 $0xFFFFF800  }
0x181: {  	[hbm4b:s1+s2] =	stream.linear.scatter [tilespmem:s30], [sflag:$0x2], $0x800, $0x38;
	[tilespmem:$0xDD00] =	vst v63  }
0x182: {  	_ =	swait.ge [sflag:s6], $0x800  }
0x183: {  	[sflag:s6] =	ssyncset.done $0x0  }
0x184: {  	s1 =	rddreg [dreg:$0x8];
	[sflag:s6] =	ssyncadd.s32 $0xFFFFF800  }
0x185: {  	[hbm4b:s1+s2] =	stream.linear.scatter [tilespmem:s29], [sflag:$0x2], $0x800, $0x38;
	[tilespmem:$0xDD00] =	vst v63  }
0x186: {  	_ =	swait.ge [sflag:s6], $0x800  }
0x187: {  	[sflag:s6] =	ssyncset.done $0x0  }
0x188: {  	s1 =	rddreg [dreg:$0x9];
	[sflag:s6] =	ssyncadd.s32 $0xFFFFF800  }
0x189: {  	[hbm4b:s1+s2] =	stream.linear.scatter [tilespmem:s28], [sflag:$0x2], $0x800, $0x38;
	[tilespmem:$0xDD00] =	vst v63  }
0x18a: {  	_ =	swait.ge [sflag:s6], $0x800  }
0x18b: {  	[sflag:s6] =	ssyncset.done $0x0  }
0x18c: {  	s1 =	rddreg [dreg:$0xa];
	[sflag:s6] =	ssyncadd.s32 $0xFFFFF800  }
0x18d: {  	[hbm4b:s1+s2] =	stream.linear.scatter [tilespmem:s26], [sflag:$0x2], $0x800, $0x38;
	[tilespmem:$0xDD00] =	vst v63  }
0x18e: {  	_ =	swait.ge [sflag:s6], $0x800  }
0x18f: {  	[sflag:s6] =	ssyncset.done $0x0  }
0x190: {  	s1 =	rddreg [dreg:$0xb];
	[sflag:s6] =	ssyncadd.s32 $0xFFFFF800  }
0x191: {  	[hbm4b:s1+s2] =	stream.linear.scatter [tilespmem:s25], [sflag:$0x2], $0x800, $0x38;
	[tilespmem:$0xDD00] =	vst v63  }
0x192: {  	_ =	swait.ge [sflag:s6], $0x800  }
0x193: {  	[sflag:s6] =	ssyncset.done $0x0  }
0x194: {  	s1 =	rddreg [dreg:$0xc];
	[sflag:s6] =	ssyncadd.s32 $0xFFFFF800  }
0x195: {  	[hbm4b:s1+s2] =	stream.linear.scatter [tilespmem:s24], [sflag:$0x2], $0x800, $0x38;
	[tilespmem:$0xDD00] =	vst v63  }
0x196: {  	_ =	swait.ge [sflag:s6], $0x800  }
0x197: {  	[sflag:s6] =	ssyncset.done $0x0  }
0x198: {  	s1 =	rddreg [dreg:$0xd];
	[sflag:s6] =	ssyncadd.s32 $0xFFFFF800  }
0x199: {  	[hbm4b:s1+s2] =	stream.linear.scatter [tilespmem:s22], [sflag:$0x2], $0x800, $0x38;
	[tilespmem:$0xDD00] =	vst v63  }
0x19a: {  	_ =	swait.ge [sflag:s6], $0x800  }
0x19b: {  	[sflag:s6] =	ssyncset.done $0x0  }
0x19c: {  	s1 =	rddreg [dreg:$0xe];
	[sflag:s6] =	ssyncadd.s32 $0xFFFFF800  }
0x19d: {  	[hbm4b:s1+s2] =	stream.linear.scatter [tilespmem:s20], [sflag:$0x2], $0x800, $0x38;
	[tilespmem:$0xDD00] =	vst v63  }
0x19e: {  	_ =	swait.ge [sflag:s6], $0x800  }
0x19f: {  	[sflag:s6] =	ssyncset.done $0x0  }
0x1a0: {  	s1 =	rddreg [dreg:$0xf];
	[sflag:s6] =	ssyncadd.s32 $0xFFFFF800  }
0x1a1: {  	[hbm4b:s1+s2] =	stream.linear.scatter [tilespmem:s21], [sflag:$0x2], $0x800, $0x38;
	[tilespmem:$0xDD00] =	vst v63  }
0x1a2: {  	_ =	swait.ge [sflag:s6], $0x800  }
0x1a3: {  	[sflag:s6] =	ssyncset.done $0x0  }
0x1a4: {  	s1 =	rddreg [dreg:$0x10];
	[sflag:s6] =	ssyncadd.s32 $0xFFFFF800  }
0x1a5: {  	[hbm4b:s1+s2] =	stream.linear.scatter [tilespmem:s19], [sflag:$0x2], $0x800, $0x38;
	[tilespmem:$0xDD00] =	vst v63  }
0x1a6: {  	_ =	swait.ge [sflag:s6], $0x800  }
0x1a7: {  	[sflag:s6] =	ssyncset.done $0x0  }
0x1a8: {  	s1 =	rddreg [dreg:$0x11];
	[sflag:s6] =	ssyncadd.s32 $0xFFFFF800  }
0x1a9: {  	[hbm4b:s1+s2] =	stream.linear.scatter [tilespmem:s12], [sflag:$0x2], $0x800, $0x38;
	[tilespmem:$0xDD00] =	vst v63  }
0x1aa: {  	_ =	swait.ge [sflag:s6], $0x800  }
0x1ab: {  	[sflag:s6] =	ssyncset.done $0x0  }
0x1ac: {  	s1 =	rddreg [dreg:$0x12];
	[sflag:s6] =	ssyncadd.s32 $0xFFFFF800  }
0x1ad: {  	[hbm4b:s1+s2] =	stream.linear.scatter [tilespmem:s13], [sflag:$0x2], $0x800, $0x38;
	[tilespmem:$0xDD00] =	vst v63  }
0x1ae: {  	_ =	swait.ge [sflag:s6], $0x800  }
0x1af: {  	[sflag:s6] =	ssyncset.done $0x0  }
0x1b0: {  	s1 =	rddreg [dreg:$0x13];
	[sflag:s6] =	ssyncadd.s32 $0xFFFFF800  }
0x1b1: {  	[hbm4b:s1+s2] =	stream.linear.scatter [tilespmem:s14], [sflag:$0x2], $0x800, $0x38;
	[tilespmem:$0xDD00] =	vst v63  }
0x1b2: {  	_ =	swait.ge [sflag:s6], $0x800  }
0x1b3: {  	[sflag:s6] =	ssyncset.done $0x0  }
0x1b4: {  	s1 =	rddreg [dreg:$0x14];
	[sflag:s6] =	ssyncadd.s32 $0xFFFFF800  }
0x1b5: {  	[hbm4b:s1+s2] =	stream.linear.scatter [tilespmem:s11], [sflag:$0x2], $0x800, $0x38;
	[tilespmem:$0xDD00] =	vst v63  }
0x1b6: {  	_ =	swait.ge [sflag:s6], $0x800  }
0x1b7: {  	[sflag:s6] =	ssyncset.done $0x0  }
0x1b8: {  	s1 =	rddreg [dreg:$0x15];
	[sflag:s6] =	ssyncadd.s32 $0xFFFFF800  }
0x1b9: {  	[hbm4b:s1+s2] =	stream.linear.scatter [tilespmem:s18], [sflag:$0x2], $0x800, $0x38;
	[tilespmem:$0xDD00] =	vst v63  }
0x1ba: {  	_ =	swait.ge [sflag:s6], $0x800  }
0x1bb: {  	[sflag:s6] =	ssyncset.done $0x0  }
0x1bc: {  	s1 =	rddreg [dreg:$0x16];
	[sflag:s6] =	ssyncadd.s32 $0xFFFFF800  }
0x1bd: {  	[hbm4b:s1+s2] =	stream.linear.scatter [tilespmem:s17], [sflag:$0x2], $0x800, $0x38;
	[tilespmem:$0xDD00] =	vst v63  }
0x1be: {  	_ =	swait.ge [sflag:s6], $0x800  }
0x1bf: {  	[sflag:s6] =	ssyncset.done $0x0  }
0x1c0: {  	s1 =	rddreg [dreg:$0x17];
	[sflag:s6] =	ssyncadd.s32 $0xFFFFF800  }
0x1c1: {  	[hbm4b:s1+s2] =	stream.linear.scatter [tilespmem:s16], [sflag:$0x2], $0x800, $0x38;
	[tilespmem:$0xDD00] =	vst v63  }
0x1c2: {  	_ =	swait.ge [sflag:s6], $0x800  }
0x1c3: {  	[sflag:s6] =	ssyncset.done $0x0  }
0x1c4: {  	s1 =	rddreg [dreg:$0x18];
	[sflag:s6] =	ssyncadd.s32 $0xFFFFF800  }
0x1c5: {  	[hbm4b:s1+s2] =	stream.linear.scatter [tilespmem:s15], [sflag:$0x2], $0x800, $0x38;
	[tilespmem:$0xDD00] =	vst v63  }
0x1c6: {  	_ =	swait.ge [sflag:s6], $0x800  }
0x1c7: {  	[sflag:s6] =	ssyncset.done $0x0  }
0x1c8: {  	s1 =	simm.s32 $0xC500;
	s8 =	rddreg [dreg:$0x19];
	[sflag:s6] =	ssyncadd.s32 $0xFFFFF800  }
0x1c9: {  	[hbm4b:s8+s2] =	stream.linear.scatter [tilespmem:s1], [sflag:$0x2], $0x800, $0x38;
	[tilespmem:$0xDD00] =	vst v63  }
0x1ca: {  	_ =	swait.ge [sflag:s6], $0x800  }
0x1cb: {  	[sflag:s6] =	ssyncset.done $0x0  }
0x1cc: {  	s5 =	simm.s32 $0xCD00;
	s1 =	rddreg [dreg:$0x1a];
	[sflag:s6] =	ssyncadd.s32 $0xFFFFF800  }
0x1cd: {  	[hbm4b:s1+s2] =	stream.linear.scatter [tilespmem:s5], [sflag:$0x2], $0x800, $0x38;
	[tilespmem:$0xDD00] =	vst v63  }
0x1ce: {  	_ =	swait.ge [sflag:s6], $0x800  }
0x1cf: {  	[sflag:s6] =	ssyncset.done $0x0  }
0x1d0: {  	s5 =	simm.s32 $0xD500;
	s1 =	rddreg [dreg:$0x1b];
	[sflag:s6] =	ssyncadd.s32 $0xFFFFF800  }
0x1d1: {  	[hbm4b:s1+s2] =	stream.linear.scatter [tilespmem:s5], [sflag:$0x2], $0x800, $0x38;
	[tilespmem:$0xDD00] =	vst v63  }
0x1d2: {  	_ =	swait.ge [sflag:s3], $0x800  }
0x1d3: {  	[sflag:s3] =	ssyncset.done $0x0  }
0x1d4: {  	[sflag:s3] =	ssyncadd.s32 $0xFFFFF800  }
0x1d5: {  	_ =	swait.ge [sflag:s3], $0x800  }
0x1d6: {  	[sflag:s3] =	ssyncset.done $0x0  }
0x1d7: {  	[sflag:s3] =	ssyncadd.s32 $0xFFFFF800  }
0x1d8: {  	_ =	swait.ge [sflag:s3], $0x800  }
0x1d9: {  	[sflag:s3] =	ssyncset.done $0x0  }
0x1da: {  	[sflag:s3] =	ssyncadd.s32 $0xFFFFF800  }
0x1db: {  	_ =	swait.ge [sflag:s3], $0x800  }
0x1dc: {  	[sflag:s3] =	ssyncset.done $0x0  }
0x1dd: {  	[sflag:s3] =	ssyncadd.s32 $0xFFFFF800  }
0x1de: {  	_ =	swait.ge [sflag:s3], $0x800  }
0x1df: {  	[sflag:s3] =	ssyncset.done $0x0  }
0x1e0: {  	[sflag:s3] =	ssyncadd.s32 $0xFFFFF800  }
0x1e1: {  	_ =	swait.ge [sflag:s3], $0x800  }
0x1e2: {  	[sflag:s3] =	ssyncset.done $0x0  }
0x1e3: {  	[sflag:s3] =	ssyncadd.s32 $0xFFFFF800  }
0x1e4: {  	_ =	swait.ge [sflag:s3], $0x800  }
0x1e5: {  	[sflag:s3] =	ssyncset.done $0x0  }
0x1e6: {  	[sflag:s3] =	ssyncadd.s32 $0xFFFFF800  }
0x1e7: {  	_ =	swait.ge [sflag:s3], $0x800  }
0x1e8: {  	[sflag:s3] =	ssyncset.done $0x0  }
0x1e9: {  	[sflag:s3] =	ssyncadd.s32 $0xFFFFF800  }
0x1ea: {  	_ =	swait.ge [sflag:s3], $0x800  }
0x1eb: {  	[sflag:s3] =	ssyncset.done $0x0  }
0x1ec: {  	[sflag:s3] =	ssyncadd.s32 $0xFFFFF800  }
0x1ed: {  	_ =	swait.ge [sflag:s3], $0x800  }
0x1ee: {  	[sflag:s3] =	ssyncset.done $0x0  }
0x1ef: {  	[sflag:s3] =	ssyncadd.s32 $0xFFFFF800  }
0x1f0: {  	_ =	swait.ge [sflag:s3], $0x800  }
0x1f1: {  	[sflag:s3] =	ssyncset.done $0x0  }
0x1f2: {  	[sflag:s3] =	ssyncadd.s32 $0xFFFFF800  }
0x1f3: {  	_ =	swait.ge [sflag:s3], $0x800  }
0x1f4: {  	[sflag:s3] =	ssyncset.done $0x0  }
0x1f5: {  	[sflag:s3] =	ssyncadd.s32 $0xFFFFF800  }
0x1f6: {  	_ =	swait.ge [sflag:s3], $0x800  }
0x1f7: {  	[sflag:s3] =	ssyncset.done $0x0  }
0x1f8: {  	[sflag:s3] =	ssyncadd.s32 $0xFFFFF800  }
0x1f9: {  	_ =	swait.ge [sflag:s3], $0x800  }
0x1fa: {  	[sflag:s3] =	ssyncset.done $0x0  }
0x1fb: {  	[sflag:s3] =	ssyncadd.s32 $0xFFFFF800  }
0x1fc: {  	_ =	swait.ge [sflag:s3], $0x800  }
0x1fd: {  	[sflag:s3] =	ssyncset.done $0x0  }
0x1fe: {  	[sflag:s3] =	ssyncadd.s32 $0xFFFFF800  }
0x1ff: {  	_ =	swait.ge [sflag:s3], $0x800  }
0x200: {  	[sflag:s3] =	ssyncset.done $0x0  }
0x201: {  	[sflag:s3] =	ssyncadd.s32 $0xFFFFF800  }
0x202: {  	_ =	swait.ge [sflag:s3], $0x800  }
0x203: {  	[sflag:s3] =	ssyncset.done $0x0  }
0x204: {  	[sflag:s3] =	ssyncadd.s32 $0xFFFFF800  }
0x205: {  	_ =	swait.ge [sflag:s3], $0x800  }
0x206: {  	[sflag:s3] =	ssyncset.done $0x0  }
0x207: {  	[sflag:s3] =	ssyncadd.s32 $0xFFFFF800  }
0x208: {  	_ =	swait.ge [sflag:s3], $0x800  }
0x209: {  	[sflag:s3] =	ssyncset.done $0x0  }
0x20a: {  	[sflag:s3] =	ssyncadd.s32 $0xFFFFF800  }
0x20b: {  	_ =	swait.ge [sflag:s3], $0x800  }
0x20c: {  	[sflag:s3] =	ssyncset.done $0x0  }
0x20d: {  	[sflag:s3] =	ssyncadd.s32 $0xFFFFF800  }
0x20e: {  	_ =	swait.ge [sflag:s3], $0x800  }
0x20f: {  	[sflag:s3] =	ssyncset.done $0x0  }
0x210: {  	[sflag:s3] =	ssyncadd.s32 $0xFFFFF800  }
0x211: {  	_ =	swait.ge [sflag:s3], $0x800  }
0x212: {  	[sflag:s3] =	ssyncset.done $0x0  }
0x213: {  	[sflag:s3] =	ssyncadd.s32 $0xFFFFF800  }
0x214: {  	_ =	swait.ge [sflag:s3], $0x800  }
0x215: {  	[sflag:s3] =	ssyncset.done $0x0  }
0x216: {  	[sflag:s3] =	ssyncadd.s32 $0xFFFFF800  }
0x217: {  	_ =	swait.ge [sflag:s3], $0x800  }
0x218: {  	[sflag:s3] =	ssyncset.done $0x0  }
0x219: {  	p1 =	sne.s32 s7, $0x1;
	[sflag:s3] =	ssyncadd.s32 $0xFFFFF800  }
.Ltmp2:
0x21a: {  	_ =	swait.ge [sflag:s3], $0x800;
	(pc) =	sbr.rel @p1 .LBB2_4-.Ltmp2, $4  }
0x21b: {  	[sflag:s3] =	ssyncset.done $0x0  }
0x21c: {  	[sflag:s3] =	ssyncadd.s32 $0xFFFFF800  }
0x21d: {  	_ =	swait.ge [sflag:s3], $0x800  }
0x21e: {  	s7 =	sadd.s32 $0xFFFFFFFF, s7;
	s8 =	rddreg [dreg:$0x2];
	[sflag:s3] =	ssyncset.done $0x0  }
0x21f: {  	s30 =	sld [smem:$0x7E9];
	s7 =	simm.s32 $0xD00;
	s5 =	simm.s32 $0x3  }
.LBB2_6:
0x220: {  	[sflag:s3] =	ssyncadd.s32 @p0 $0xFFFFF800  }
0x221: {  	[tilespmem:s2], [sflag:$0x3] =	stream.linear.gather [hbm4b:s8+s2], $0xD00, $0x38;
	[tilespmem:$0xDD00] =	vst v63  }
0x222: {  	_ =	swait.ge [sflag:s5], $0xD00  }
0x223: {  	[sflag:s5] =	ssyncset.done $0x0  }
0x224: {  	[sflag:s5] =	ssyncadd.s32 $0xFFFFF300  }
0x225: {  	[tilespmem:s7], [sflag:$0x1] =	stream.indirect.gather [hbm4b:s23+s4], $0x10, s2, s4, $0xb8;
	[tilespmem:$0xDD00] =	vst v63  }
0x226: {  	s21 =	rddreg [dreg:$0x1c]  }
0x227: {  	[tilespmem:s0], [sflag:$0x1] =	stream.indirect.gather [hbm4b:s23+s4], $0x10, s4, s4, $0xb8;
	[tilespmem:$0xDD00] =	vst v63  }
0x228: {  	s22 =	rddreg [dreg:$0x1d]  }
0x229: {  	[tilespmem:s9], [sflag:$0x1] =	stream.indirect.gather [hbm4b:s23+s4], $0x10, s21, s4, $0xb8;
	[tilespmem:$0xDD00] =	vst v63  }
0x22a: {  	s24 =	rddreg [dreg:$0x1e];
	s9 =	simm.s32 $0x2500  }
0x22b: {  	[tilespmem:s9], [sflag:$0x1] =	stream.indirect.gather [hbm4b:s23+s4], $0x10, s22, s4, $0xb8;
	[tilespmem:$0xDD00] =	vst v63  }
0x22c: {  	s31 =	simm.s32 $0x2D00;
	s25 =	rddreg [dreg:$0x1f]  }
0x22d: {  	[tilespmem:s31], [sflag:$0x1] =	stream.indirect.gather [hbm4b:s23+s4], $0x10, s24, s4, $0xb8;
	[tilespmem:$0xDD00] =	vst v63  }
0x22e: {  	s1 =	simm.s32 $0x3500;
	s26 =	sld [smem:$0x7EA]  }
0x22f: {  	[tilespmem:s1], [sflag:$0x1] =	stream.indirect.gather [hbm4b:s23+s4], $0x10, s25, s4, $0xb8;
	[tilespmem:$0xDD00] =	vst v63  }
0x230: {  	s10 =	simm.s32 $0x3D00;
	s28 =	sld [smem:$0x7EB]  }
0x231: {  	[tilespmem:s10], [sflag:$0x1] =	stream.indirect.gather [hbm4b:s23+s4], $0x10, s26, s4, $0xb8;
	[tilespmem:$0xDD00] =	vst v63  }
0x232: {  	s29 =	simm.s32 $0x4500;
	s11 =	sld [smem:$0x7EC]  }
0x233: {  	[tilespmem:s29], [sflag:$0x1] =	stream.indirect.gather [hbm4b:s23+s4], $0x10, s28, s4, $0xb8;
	[tilespmem:$0xDD00] =	vst v63  }
0x234: {  	s12 =	sld [smem:$0x7ED];
	s28 =	simm.s32 $0x4D00  }
0x235: {  	[tilespmem:s28], [sflag:$0x1] =	stream.indirect.gather [hbm4b:s23+s4], $0x10, s11, s4, $0xb8;
	[tilespmem:$0xDD00] =	vst v63  }
0x236: {  	s13 =	sld [smem:$0x7EE];
	s26 =	simm.s32 $0x5500  }
0x237: {  	[tilespmem:s26], [sflag:$0x1] =	stream.indirect.gather [hbm4b:s23+s4], $0x10, s12, s4, $0xb8;
	[tilespmem:$0xDD00] =	vst v63  }
0x238: {  	s14 =	sld [smem:$0x7EF];
	s25 =	simm.s32 $0x5D00  }
0x239: {  	[tilespmem:s25], [sflag:$0x1] =	stream.indirect.gather [hbm4b:s23+s4], $0x10, s13, s4, $0xb8;
	[tilespmem:$0xDD00] =	vst v63  }
0x23a: {  	s15 =	sld [smem:$0x7F0];
	s24 =	simm.s32 $0x6500  }
0x23b: {  	[tilespmem:s24], [sflag:$0x1] =	stream.indirect.gather [hbm4b:s23+s4], $0x10, s14, s4, $0xb8;
	[tilespmem:$0xDD00] =	vst v63  }
0x23c: {  	s16 =	sld [smem:$0x7F1];
	s22 =	simm.s32 $0x6D00  }
0x23d: {  	[tilespmem:s22], [sflag:$0x1] =	stream.indirect.gather [hbm4b:s23+s4], $0x10, s15, s4, $0xb8;
	[tilespmem:$0xDD00] =	vst v63  }
0x23e: {  	s17 =	sld [smem:$0x7F2];
	s21 =	simm.s32 $0x7500  }
0x23f: {  	[tilespmem:s21], [sflag:$0x1] =	stream.indirect.gather [hbm4b:s23+s4], $0x10, s16, s4, $0xb8;
	[tilespmem:$0xDD00] =	vst v63  }
0x240: {  	s20 =	simm.s32 $0x7D00;
	s18 =	sld [smem:$0x7F3]  }
0x241: {  	[tilespmem:s20], [sflag:$0x1] =	stream.indirect.gather [hbm4b:s23+s4], $0x10, s17, s4, $0xb8;
	[tilespmem:$0xDD00] =	vst v63  }
0x242: {  	s19 =	simm.s32 $0x8500;
	s11 =	sld [smem:$0x7F4]  }
0x243: {  	[tilespmem:s19], [sflag:$0x1] =	stream.indirect.gather [hbm4b:s23+s4], $0x10, s18, s4, $0xb8;
	[tilespmem:$0xDD00] =	vst v63  }
0x244: {  	s12 =	sld [smem:$0x7F5];
	s18 =	simm.s32 $0x8D00  }
0x245: {  	[tilespmem:s18], [sflag:$0x1] =	stream.indirect.gather [hbm4b:s23+s4], $0x10, s11, s4, $0xb8;
	[tilespmem:$0xDD00] =	vst v63  }
0x246: {  	s13 =	sld [smem:$0x7F6];
	s17 =	simm.s32 $0x9500  }
0x247: {  	[tilespmem:s17], [sflag:$0x1] =	stream.indirect.gather [hbm4b:s23+s4], $0x10, s12, s4, $0xb8;
	[tilespmem:$0xDD00] =	vst v63  }
0x248: {  	s14 =	sld [smem:$0x7F7];
	s16 =	simm.s32 $0x9D00  }
0x249: {  	[tilespmem:s16], [sflag:$0x1] =	stream.indirect.gather [hbm4b:s23+s4], $0x10, s13, s4, $0xb8;
	[tilespmem:$0xDD00] =	vst v63  }
0x24a: {  	s15 =	simm.s32 $0xA500;
	s11 =	sld [smem:$0x7F8]  }
0x24b: {  	[tilespmem:s15], [sflag:$0x1] =	stream.indirect.gather [hbm4b:s23+s4], $0x10, s14, s4, $0xb8;
	[tilespmem:$0xDD00] =	vst v63  }
0x24c: {  	s12 =	sld [smem:$0x7F9];
	s14 =	simm.s32 $0xAD00  }
0x24d: {  	[tilespmem:s14], [sflag:$0x1] =	stream.indirect.gather [hbm4b:s23+s4], $0x10, s11, s4, $0xb8;
	[tilespmem:$0xDD00] =	vst v63  }
0x24e: {  	s13 =	simm.s32 $0xB500;
	s11 =	sld [smem:$0x7FA]  }
0x24f: {  	[tilespmem:s13], [sflag:$0x1] =	stream.indirect.gather [hbm4b:s23+s4], $0x10, s12, s4, $0xb8;
	[tilespmem:$0xDD00] =	vst v63  }
0x250: {  	s7 =	sld [smem:$0x7FB];
	s12 =	simm.s32 $0xBD00  }
0x251: {  	[tilespmem:s12], [sflag:$0x1] =	stream.indirect.gather [hbm4b:s23+s4], $0x10, s11, s4, $0xb8;
	[tilespmem:$0xDD00] =	vst v63  }
0x252: {  	s5 =	sld [smem:$0x7FC];
	s11 =	simm.s32 $0xC500  }
0x253: {  	[tilespmem:s11], [sflag:$0x1] =	stream.indirect.gather [hbm4b:s23+s4], $0x10, s7, s4, $0xb8;
	[tilespmem:$0xDD00] =	vst v63  }
0x254: {  	s7 =	sld [smem:$0x7FD];
	s11 =	simm.s32 $0xCD00  }
0x255: {  	[tilespmem:s11], [sflag:$0x1] =	stream.indirect.gather [hbm4b:s23+s4], $0x10, s5, s4, $0xb8;
	[tilespmem:$0xDD00] =	vst v63  }
0x256: {  	s5 =	simm.s32 $0xD500  }
0x257: {  	[tilespmem:s5], [sflag:$0x1] =	stream.indirect.gather [hbm4b:s23+s4], $0x10, s7, s4, $0xb8;
	[tilespmem:$0xDD00] =	vst v63  }
0x258: {  	_ =	swait.ge [sflag:s6], $0x800  }
0x259: {  	[sflag:s6] =	ssyncset.done $0x0  }
0x25a: {  	s0 =	simm.s32 $0xD00;
	[sflag:s6] =	ssyncadd.s32 $0xFFFFF800  }
0x25b: {  	[hbm4b:s30+s2] =	stream.linear.scatter [tilespmem:s0], [sflag:$0x2], $0x800, $0x38;
	[tilespmem:$0xDD00] =	vst v63  }
0x25c: {  	_ =	swait.ge [sflag:s6], $0x800  }
0x25d: {  	[sflag:s6] =	ssyncset.done $0x0  }
0x25e: {  	s7 =	simm.s32 $0x1500;
	s23 =	rddreg [dreg:$0x3];
	[sflag:s6] =	ssyncadd.s32 $0xFFFFF800  }
0x25f: {  	[hbm4b:s23+s2] =	stream.linear.scatter [tilespmem:s7], [sflag:$0x2], $0x800, $0x38;
	[tilespmem:$0xDD00] =	vst v63  }
0x260: {  	_ =	swait.ge [sflag:s6], $0x800  }
0x261: {  	[sflag:s6] =	ssyncset.done $0x0  }
0x262: {  	s8 =	simm.s32 $0x1D00;
	s30 =	rddreg [dreg:$0x4];
	[sflag:s6] =	ssyncadd.s32 $0xFFFFF800  }
0x263: {  	[hbm4b:s30+s2] =	stream.linear.scatter [tilespmem:s8], [sflag:$0x2], $0x800, $0x38;
	[tilespmem:$0xDD00] =	vst v63  }
0x264: {  	_ =	swait.ge [sflag:s6], $0x800  }
0x265: {  	[sflag:s6] =	ssyncset.done $0x0  }
0x266: {  	s4 =	rddreg [dreg:$0x5];
	[sflag:s6] =	ssyncadd.s32 $0xFFFFF800  }
0x267: {  	[hbm4b:s4+s2] =	stream.linear.scatter [tilespmem:s9], [sflag:$0x2], $0x800, $0x38;
	[tilespmem:$0xDD00] =	vst v63  }
0x268: {  	_ =	swait.ge [sflag:s6], $0x800  }
0x269: {  	[sflag:s6] =	ssyncset.done $0x0  }
0x26a: {  	s7 =	rddreg [dreg:$0x6];
	[sflag:s6] =	ssyncadd.s32 $0xFFFFF800  }
0x26b: {  	[hbm4b:s7+s2] =	stream.linear.scatter [tilespmem:s31], [sflag:$0x2], $0x800, $0x38;
	[tilespmem:$0xDD00] =	vst v63  }
0x26c: {  	_ =	swait.ge [sflag:s6], $0x800  }
0x26d: {  	[sflag:s6] =	ssyncset.done $0x0  }
0x26e: {  	s8 =	rddreg [dreg:$0x7];
	[sflag:s6] =	ssyncadd.s32 $0xFFFFF800  }
0x26f: {  	[hbm4b:s8+s2] =	stream.linear.scatter [tilespmem:s1], [sflag:$0x2], $0x800, $0x38;
	[tilespmem:$0xDD00] =	vst v63  }
0x270: {  	_ =	swait.ge [sflag:s6], $0x800  }
0x271: {  	[sflag:s6] =	ssyncset.done $0x0  }
0x272: {  	s9 =	rddreg [dreg:$0x8];
	[sflag:s6] =	ssyncadd.s32 $0xFFFFF800  }
0x273: {  	[hbm4b:s9+s2] =	stream.linear.scatter [tilespmem:s10], [sflag:$0x2], $0x800, $0x38;
	[tilespmem:$0xDD00] =	vst v63  }
0x274: {  	_ =	swait.ge [sflag:s6], $0x800  }
0x275: {  	[sflag:s6] =	ssyncset.done $0x0  }
0x276: {  	s23 =	rddreg [dreg:$0x9];
	[sflag:s6] =	ssyncadd.s32 $0xFFFFF800  }
0x277: {  	[hbm4b:s23+s2] =	stream.linear.scatter [tilespmem:s29], [sflag:$0x2], $0x800, $0x38;
	[tilespmem:$0xDD00] =	vst v63  }
0x278: {  	_ =	swait.ge [sflag:s6], $0x800  }
0x279: {  	[sflag:s6] =	ssyncset.done $0x0  }
0x27a: {  	s30 =	rddreg [dreg:$0xa];
	[sflag:s6] =	ssyncadd.s32 $0xFFFFF800  }
0x27b: {  	[hbm4b:s30+s2] =	stream.linear.scatter [tilespmem:s28], [sflag:$0x2], $0x800, $0x38;
	[tilespmem:$0xDD00] =	vst v63  }
0x27c: {  	_ =	swait.ge [sflag:s6], $0x800  }
0x27d: {  	[sflag:s6] =	ssyncset.done $0x0  }
0x27e: {  	s31 =	rddreg [dreg:$0xb];
	[sflag:s6] =	ssyncadd.s32 $0xFFFFF800  }
0x27f: {  	[hbm4b:s31+s2] =	stream.linear.scatter [tilespmem:s26], [sflag:$0x2], $0x800, $0x38;
	[tilespmem:$0xDD00] =	vst v63  }
0x280: {  	_ =	swait.ge [sflag:s6], $0x800  }
0x281: {  	[sflag:s6] =	ssyncset.done $0x0  }
0x282: {  	s1 =	rddreg [dreg:$0xc];
	[sflag:s6] =	ssyncadd.s32 $0xFFFFF800  }
0x283: {  	[hbm4b:s1+s2] =	stream.linear.scatter [tilespmem:s25], [sflag:$0x2], $0x800, $0x38;
	[tilespmem:$0xDD00] =	vst v63  }
0x284: {  	_ =	swait.ge [sflag:s6], $0x800  }
0x285: {  	[sflag:s6] =	ssyncset.done $0x0  }
0x286: {  	s4 =	rddreg [dreg:$0xd];
	[sflag:s6] =	ssyncadd.s32 $0xFFFFF800  }
0x287: {  	[hbm4b:s4+s2] =	stream.linear.scatter [tilespmem:s24], [sflag:$0x2], $0x800, $0x38;
	[tilespmem:$0xDD00] =	vst v63  }
0x288: {  	_ =	swait.ge [sflag:s6], $0x800  }
0x289: {  	[sflag:s6] =	ssyncset.done $0x0  }
0x28a: {  	s7 =	rddreg [dreg:$0xe];
	[sflag:s6] =	ssyncadd.s32 $0xFFFFF800  }
0x28b: {  	[hbm4b:s7+s2] =	stream.linear.scatter [tilespmem:s22], [sflag:$0x2], $0x800, $0x38;
	[tilespmem:$0xDD00] =	vst v63  }
0x28c: {  	_ =	swait.ge [sflag:s6], $0x800  }
0x28d: {  	[sflag:s6] =	ssyncset.done $0x0  }
0x28e: {  	s8 =	rddreg [dreg:$0xf];
	[sflag:s6] =	ssyncadd.s32 $0xFFFFF800  }
0x28f: {  	[hbm4b:s8+s2] =	stream.linear.scatter [tilespmem:s21], [sflag:$0x2], $0x800, $0x38;
	[tilespmem:$0xDD00] =	vst v63  }
0x290: {  	_ =	swait.ge [sflag:s6], $0x800  }
0x291: {  	[sflag:s6] =	ssyncset.done $0x0  }
0x292: {  	s9 =	rddreg [dreg:$0x10];
	[sflag:s6] =	ssyncadd.s32 $0xFFFFF800  }
0x293: {  	[hbm4b:s9+s2] =	stream.linear.scatter [tilespmem:s20], [sflag:$0x2], $0x800, $0x38;
	[tilespmem:$0xDD00] =	vst v63  }
0x294: {  	_ =	swait.ge [sflag:s6], $0x800  }
0x295: {  	[sflag:s6] =	ssyncset.done $0x0  }
0x296: {  	s10 =	rddreg [dreg:$0x11];
	[sflag:s6] =	ssyncadd.s32 $0xFFFFF800  }
0x297: {  	[hbm4b:s10+s2] =	stream.linear.scatter [tilespmem:s19], [sflag:$0x2], $0x800, $0x38;
	[tilespmem:$0xDD00] =	vst v63  }
0x298: {  	_ =	swait.ge [sflag:s6], $0x800  }
0x299: {  	[sflag:s6] =	ssyncset.done $0x0  }
0x29a: {  	s19 =	rddreg [dreg:$0x12];
	[sflag:s6] =	ssyncadd.s32 $0xFFFFF800  }
0x29b: {  	[hbm4b:s19+s2] =	stream.linear.scatter [tilespmem:s18], [sflag:$0x2], $0x800, $0x38;
	[tilespmem:$0xDD00] =	vst v63  }
0x29c: {  	_ =	swait.ge [sflag:s6], $0x800  }
0x29d: {  	[sflag:s6] =	ssyncset.done $0x0  }
0x29e: {  	s20 =	rddreg [dreg:$0x13];
	[sflag:s6] =	ssyncadd.s32 $0xFFFFF800  }
0x29f: {  	[hbm4b:s20+s2] =	stream.linear.scatter [tilespmem:s17], [sflag:$0x2], $0x800, $0x38;
	[tilespmem:$0xDD00] =	vst v63  }
0x2a0: {  	_ =	swait.ge [sflag:s6], $0x800  }
0x2a1: {  	[sflag:s6] =	ssyncset.done $0x0  }
0x2a2: {  	s21 =	rddreg [dreg:$0x14];
	[sflag:s6] =	ssyncadd.s32 $0xFFFFF800  }
0x2a3: {  	[hbm4b:s21+s2] =	stream.linear.scatter [tilespmem:s16], [sflag:$0x2], $0x800, $0x38;
	[tilespmem:$0xDD00] =	vst v63  }
0x2a4: {  	_ =	swait.ge [sflag:s6], $0x800  }
0x2a5: {  	[sflag:s6] =	ssyncset.done $0x0  }
0x2a6: {  	s22 =	rddreg [dreg:$0x15];
	[sflag:s6] =	ssyncadd.s32 $0xFFFFF800  }
0x2a7: {  	[hbm4b:s22+s2] =	stream.linear.scatter [tilespmem:s15], [sflag:$0x2], $0x800, $0x38;
	[tilespmem:$0xDD00] =	vst v63  }
0x2a8: {  	_ =	swait.ge [sflag:s6], $0x800  }
0x2a9: {  	[sflag:s6] =	ssyncset.done $0x0  }
0x2aa: {  	s23 =	rddreg [dreg:$0x16];
	[sflag:s6] =	ssyncadd.s32 $0xFFFFF800  }
0x2ab: {  	[hbm4b:s23+s2] =	stream.linear.scatter [tilespmem:s14], [sflag:$0x2], $0x800, $0x38;
	[tilespmem:$0xDD00] =	vst v63  }
0x2ac: {  	_ =	swait.ge [sflag:s6], $0x800  }
0x2ad: {  	[sflag:s6] =	ssyncset.done $0x0  }
0x2ae: {  	s24 =	rddreg [dreg:$0x17];
	[sflag:s6] =	ssyncadd.s32 $0xFFFFF800  }
0x2af: {  	[hbm4b:s24+s2] =	stream.linear.scatter [tilespmem:s13], [sflag:$0x2], $0x800, $0x38;
	[tilespmem:$0xDD00] =	vst v63  }
0x2b0: {  	_ =	swait.ge [sflag:s6], $0x800  }
0x2b1: {  	[sflag:s6] =	ssyncset.done $0x0  }
0x2b2: {  	s25 =	rddreg [dreg:$0x18];
	[sflag:s6] =	ssyncadd.s32 $0xFFFFF800  }
0x2b3: {  	[hbm4b:s25+s2] =	stream.linear.scatter [tilespmem:s12], [sflag:$0x2], $0x800, $0x38;
	[tilespmem:$0xDD00] =	vst v63  }
0x2b4: {  	_ =	swait.ge [sflag:s6], $0x800  }
0x2b5: {  	[sflag:s6] =	ssyncset.done $0x0  }
0x2b6: {  	s28 =	simm.s32 $0xC500;
	s26 =	rddreg [dreg:$0x19];
	[sflag:s6] =	ssyncadd.s32 $0xFFFFF800  }
0x2b7: {  	[hbm4b:s26+s2] =	stream.linear.scatter [tilespmem:s28], [sflag:$0x2], $0x800, $0x38;
	[tilespmem:$0xDD00] =	vst v63  }
0x2b8: {  	_ =	swait.ge [sflag:s6], $0x800  }
0x2b9: {  	[sflag:s6] =	ssyncset.done $0x0  }
0x2ba: {  	s11 =	simm.s32 $0xCD00;
	s29 =	rddreg [dreg:$0x1a];
	[sflag:s6] =	ssyncadd.s32 $0xFFFFF800  }
0x2bb: {  	[hbm4b:s29+s2] =	stream.linear.scatter [tilespmem:s11], [sflag:$0x2], $0x800, $0x38;
	[tilespmem:$0xDD00] =	vst v63  }
0x2bc: {  	_ =	swait.ge [sflag:s6], $0x800  }
0x2bd: {  	[sflag:s6] =	ssyncset.done $0x0  }
0x2be: {  	s30 =	rddreg [dreg:$0x1b];
	[sflag:s6] =	ssyncadd.s32 $0xFFFFF800  }
0x2bf: {  	[hbm4b:s30+s2] =	stream.linear.scatter [tilespmem:s5], [sflag:$0x2], $0x800, $0x38;
	[tilespmem:$0xDD00] =	vst v63  }
0x2c0: {  	_ =	swait.ge [sflag:s3], $0x800  }
0x2c1: {  	[sflag:s3] =	ssyncset.done $0x0  }
0x2c2: {  	[sflag:s3] =	ssyncadd.s32 $0xFFFFF800  }
0x2c3: {  	_ =	swait.ge [sflag:s3], $0x800  }
0x2c4: {  	[sflag:s3] =	ssyncset.done $0x0  }
0x2c5: {  	[sflag:s3] =	ssyncadd.s32 $0xFFFFF800  }
0x2c6: {  	_ =	swait.ge [sflag:s3], $0x800  }
0x2c7: {  	[sflag:s3] =	ssyncset.done $0x0  }
0x2c8: {  	[sflag:s3] =	ssyncadd.s32 $0xFFFFF800  }
0x2c9: {  	_ =	swait.ge [sflag:s3], $0x800  }
0x2ca: {  	[sflag:s3] =	ssyncset.done $0x0  }
0x2cb: {  	[sflag:s3] =	ssyncadd.s32 $0xFFFFF800  }
0x2cc: {  	_ =	swait.ge [sflag:s3], $0x800  }
0x2cd: {  	[sflag:s3] =	ssyncset.done $0x0  }
0x2ce: {  	[sflag:s3] =	ssyncadd.s32 $0xFFFFF800  }
0x2cf: {  	_ =	swait.ge [sflag:s3], $0x800  }
0x2d0: {  	[sflag:s3] =	ssyncset.done $0x0  }
0x2d1: {  	[sflag:s3] =	ssyncadd.s32 $0xFFFFF800  }
0x2d2: {  	_ =	swait.ge [sflag:s3], $0x800  }
0x2d3: {  	[sflag:s3] =	ssyncset.done $0x0  }
0x2d4: {  	[sflag:s3] =	ssyncadd.s32 $0xFFFFF800  }
0x2d5: {  	_ =	swait.ge [sflag:s3], $0x800  }
0x2d6: {  	[sflag:s3] =	ssyncset.done $0x0  }
0x2d7: {  	[sflag:s3] =	ssyncadd.s32 $0xFFFFF800  }
0x2d8: {  	_ =	swait.ge [sflag:s3], $0x800  }
0x2d9: {  	[sflag:s3] =	ssyncset.done $0x0  }
0x2da: {  	[sflag:s3] =	ssyncadd.s32 $0xFFFFF800  }
0x2db: {  	_ =	swait.ge [sflag:s3], $0x800  }
0x2dc: {  	[sflag:s3] =	ssyncset.done $0x0  }
0x2dd: {  	[sflag:s3] =	ssyncadd.s32 $0xFFFFF800  }
0x2de: {  	_ =	swait.ge [sflag:s3], $0x800  }
0x2df: {  	[sflag:s3] =	ssyncset.done $0x0  }
0x2e0: {  	[sflag:s3] =	ssyncadd.s32 $0xFFFFF800  }
0x2e1: {  	_ =	swait.ge [sflag:s3], $0x800  }
0x2e2: {  	[sflag:s3] =	ssyncset.done $0x0  }
0x2e3: {  	[sflag:s3] =	ssyncadd.s32 $0xFFFFF800  }
0x2e4: {  	_ =	swait.ge [sflag:s3], $0x800  }
0x2e5: {  	[sflag:s3] =	ssyncset.done $0x0  }
0x2e6: {  	[sflag:s3] =	ssyncadd.s32 $0xFFFFF800  }
0x2e7: {  	_ =	swait.ge [sflag:s3], $0x800  }
0x2e8: {  	[sflag:s3] =	ssyncset.done $0x0  }
0x2e9: {  	[sflag:s3] =	ssyncadd.s32 $0xFFFFF800  }
0x2ea: {  	_ =	swait.ge [sflag:s3], $0x800  }
0x2eb: {  	[sflag:s3] =	ssyncset.done $0x0  }
0x2ec: {  	[sflag:s3] =	ssyncadd.s32 $0xFFFFF800  }
0x2ed: {  	_ =	swait.ge [sflag:s3], $0x800  }
0x2ee: {  	[sflag:s3] =	ssyncset.done $0x0  }
0x2ef: {  	[sflag:s3] =	ssyncadd.s32 $0xFFFFF800  }
0x2f0: {  	_ =	swait.ge [sflag:s3], $0x800  }
0x2f1: {  	[sflag:s3] =	ssyncset.done $0x0  }
0x2f2: {  	[sflag:s3] =	ssyncadd.s32 $0xFFFFF800  }
0x2f3: {  	_ =	swait.ge [sflag:s3], $0x800  }
0x2f4: {  	[sflag:s3] =	ssyncset.done $0x0  }
0x2f5: {  	[sflag:s3] =	ssyncadd.s32 $0xFFFFF800  }
0x2f6: {  	_ =	swait.ge [sflag:s3], $0x800  }
0x2f7: {  	[sflag:s3] =	ssyncset.done $0x0  }
0x2f8: {  	[sflag:s3] =	ssyncadd.s32 $0xFFFFF800  }
0x2f9: {  	_ =	swait.ge [sflag:s3], $0x800  }
0x2fa: {  	[sflag:s3] =	ssyncset.done $0x0  }
0x2fb: {  	[sflag:s3] =	ssyncadd.s32 $0xFFFFF800  }
0x2fc: {  	_ =	swait.ge [sflag:s3], $0x800  }
0x2fd: {  	[sflag:s3] =	ssyncset.done $0x0  }
0x2fe: {  	[sflag:s3] =	ssyncadd.s32 $0xFFFFF800  }
0x2ff: {  	_ =	swait.ge [sflag:s3], $0x800  }
0x300: {  	[sflag:s3] =	ssyncset.done $0x0  }
0x301: {  	[sflag:s3] =	ssyncadd.s32 $0xFFFFF800  }
0x302: {  	_ =	swait.ge [sflag:s3], $0x800  }
0x303: {  	[sflag:s3] =	ssyncset.done $0x0  }
0x304: {  	[sflag:s3] =	ssyncadd.s32 $0xFFFFF800  }
0x305: {  	_ =	swait.ge [sflag:s3], $0x800  }
0x306: {  	[sflag:s3] =	ssyncset.done $0x0  }
0x307: {  	[sflag:s3] =	ssyncadd.s32 $0xFFFFF800  }
0x308: {  	_ =	swait.ge [sflag:s3], $0x800  }
0x309: {  	[sflag:s3] =	ssyncset.done $0x0  }
0x30a: {  	[sflag:s3] =	ssyncadd.s32 $0xFFFFF800  }
0x30b: {  	_ =	swait.ge [sflag:s3], $0x800  }
0x30c: {  	[sflag:s3] =	ssyncset.done $0x0  }
0x30d: {  	[sflag:s3] =	ssyncadd.s32 $0xFFFFF800  }
0x30e: {  	_ =	sfence.sel $0x180000  }
0x30f: {  	[bflag:$0x0] =	sbarrier.arrive $0xFFFF  }
0x310: {  	_ =	strace $0x90000047  }
0x311: {  	s31 =	stileid.u32;
	[bflag:$0x2] =	sbarrier.arrive $0xFFFF  }
0x312: {  	p0 =	sne.s32 s31, $0x0;
	s0 =	rddreg [dreg:$0x1]  }
0x313: {  	s0 =	sadd.s32 @!p0 $0x100000, s0  }
0x314: {  	[sflag:s0] =	ssyncadd.tile.s32 @!p0 $0x1;
	_ =	shalt  }
.LBB2_1:
.Ltmp3:
0x315: {  	(pc) =	sbr.rel .LBB2_6-.Ltmp3, $2  }
0x316: {  	_ =	sdelay $0x2  }
0x317: {  	s30 =	sld [smem:$0x7E9]  }
.LBB2_7:
.Ltmp4:
0x318: {  	(pc) =	sbr.rel .LBB2_6-.Ltmp4, $2  }
0x319: {  	_ =	sdelay $0x2  }
0x31a: {  	s30 =	sld [smem:$0x7E9];
	s7 =	simm.s32 $0xD00;
	s5 =	simm.s32 $0x3  }
.Lfunc_end2:
_tile_overlayer_lowered:
.L_overlay_start_2:
0x31b: {  	(tag) =	ssettag $0x2  }
0x31c: {  	s0 =	rddreg [dreg:$0x0];
	s2 =	stileid.u32  }
0x31d: {  	s1 =	rddreg [dreg:$0x1];
	p0 =	sne.s32 s2, $0x0  }
0x31e: {  	s3 =	rddreg [dreg:$0x2];
	[bflag:$0x3] =	sbarrier.arrive $0xFFFF;
	s2 =	simm.s32 @!p0 $0x1C03  }
0x31f: {  	[timem:s3], [sflag:s2] =	dma.local @!p0 [hbm:s0], s1  }
0x320: {  	s0 =	simm.s32 @!p0 $0x3  }
0x321: {  	_ =	swait.ge @!p0 [sflag:s0], s1  }
0x322: {  	s1 =	ssub.s32 @!p0 $0x0, s1;
	[sflag:s0] =	ssyncset.done @!p0 $0x0  }
0x323: {  	[sflag:s0] =	ssyncadd.s32 @!p0 s1  }
0x324: {  	[bflag:$0x3] =	sbarrier.arrive $0xFFFF  }
0x325: {  	_ =	shalt  }

</sc_bundles>
